<compile_context>
chip_gen: v7x
topology: tpu7x:2x2x1
jax: 0.10.2.dev20260603
libtpu: 0.0.44.dev20260713+nightly
codegen_flags: <defaults>
</compile_context>

<pallas_src>
import functools

import jax
import jax.numpy as jnp
from jax import lax
from jax.experimental import pallas as pl
from jax.experimental.pallas import tpu as pltpu
from jax.experimental.pallas import tpu_sc as plsc

N = 100000
E = 3200000
G = 512
HID = 64

NC, NS, LANES = 2, 16, 16
NW = NC * NS

BLK = 2048
NB = 49
N_ACC = NB * BLK
N_SP = 100016
RPT = N_SP // NS
N_TAIL = N_ACC - N_SP

CH = 784
NCH = 128
E_W = CH * NCH
E_PAD = NW * E_W

DUMMY_DST = N


def _make_agg(T):
    mesh = plsc.VectorSubcoreMesh(
        core_axis_name="c", subcore_axis_name="s",
        num_cores=NC, num_subcores=NS)

    @functools.partial(
        pl.kernel,
        out_type=jax.ShapeDtypeStruct((NC, T, N_ACC, 16), jnp.float32),
        mesh=mesh,
        scratch_types=[
            pltpu.VMEM((CH,), jnp.int32),
            pltpu.VMEM((CH,), jnp.int32),
            pltpu.VMEM((CH,), jnp.int32),
            pltpu.VMEM((CH,), jnp.int32),
            pltpu.VMEM((CH, 16), jnp.float32),
            pltpu.VMEM((CH, 16), jnp.float32),
            pltpu.VMEM_SHARED((N_SP, 16), jnp.float32),
            pltpu.SemaphoreType.DMA,
            pltpu.SemaphoreType.DMA,
            pltpu.SemaphoreType.DMA,
        ],
        compiler_params=pltpu.CompilerParams(use_tc_tiling_on_sc=False),
    )
    def agg(src_hbm, dst_hbm, zeros_hbm, *rest):
        tables = rest[:T]
        out = rest[T]
        (src0, src1, dst0, dst1, rows0, rows1,
         acc, isem, gsem, ssem) = rest[T + 1:]
        bufs = [(src0, dst0, rows0), (src1, dst1, rows1)]

        cid = lax.axis_index("c")
        sid = lax.axis_index("s")
        wid = cid * NS + sid
        my0 = sid * RPT
        base = wid * E_W

        def fire_idx(i, sv, dv):
            pltpu.async_copy(src_hbm.at[pl.ds(base + i * CH, CH)], sv, isem)
            pltpu.async_copy(dst_hbm.at[pl.ds(base + i * CH, CH)], dv, isem)

        def wait_idx(sv, dv):
            pltpu.make_async_copy(src_hbm.at[pl.ds(base, CH)], sv,
                                  isem).wait()
            pltpu.make_async_copy(dst_hbm.at[pl.ds(base, CH)], dv,
                                  isem).wait()

        def drain_scatter(dv, rv):
            pltpu.make_async_copy(rv, acc.at[dv], ssem).wait()

        pltpu.sync_copy(zeros_hbm, acc.at[pl.ds(my0, RPT)])
        plsc.subcore_barrier()

        for t in range(T):
            table = tables[t]

            fire_idx(0, src0, dst0)

            def pair_body(k, carry):
                for b in range(2):
                    i = k * 2 + b
                    sv, dv, rv = bufs[b]
                    svn, dvn, rvn = bufs[1 - b]
                    wait_idx(sv, dv)
                    gd = pltpu.async_copy(table.at[sv], rv, gsem)

                    @pl.when(i > 0)
                    def _():
                        drain_scatter(dvn, rvn)

                    @pl.when(i + 1 < NCH)
                    def _():
                        fire_idx(i + 1, svn, dvn)

                    gd.wait()
                    pltpu.async_copy(rv, acc.at[dv], ssem, add=True)
                return carry

            lax.fori_loop(0, NCH // 2, pair_body, 0)
            drain_scatter(dst1, rows1)
            plsc.subcore_barrier()
            pltpu.sync_copy(acc.at[pl.ds(my0, RPT)],
                            out.at[cid, t, pl.ds(my0, RPT)])

            @pl.when(sid == 0)
            def _():
                pltpu.sync_copy(zeros_hbm.at[pl.ds(0, N_TAIL)],
                                out.at[cid, t, pl.ds(N_SP, N_TAIL)])

            if t + 1 < T:
                pltpu.sync_copy(zeros_hbm, acc.at[pl.ds(my0, RPT)])
            plsc.subcore_barrier()

    return agg


_agg1 = _make_agg(1)
_agg2 = _make_agg(4)


def _dot(a, b):
    return jnp.dot(a, b, preferred_element_type=jnp.float32)


def _dot_hilo(a_exact, b):
    ab = a_exact.astype(jnp.bfloat16)
    bh = b.astype(jnp.bfloat16)
    bl = (b - bh.astype(jnp.float32)).astype(jnp.bfloat16)
    return (jnp.dot(ab, bh, preferred_element_type=jnp.float32)
            + jnp.dot(ab, bl, preferred_element_type=jnp.float32))


def _tc1_body(acc_ref, h0_ref, wl_ref, wr_ref,
              c0_ref, c1_ref, c2_ref, c3_ref, cnt_ref):
    agg = acc_ref[0, 0] + acc_ref[1, 0]
    cnt = jnp.maximum(agg[:, 14:15], 1.0)
    mean = agg / cnt
    h0 = h0_ref[...]
    h1 = jnp.maximum(
        _dot(mean, wl_ref[...]) + _dot(h0, wr_ref[...]),
        0.0)
    c0_ref[...] = h1[:, 0:16]
    c1_ref[...] = h1[:, 16:32]
    c2_ref[...] = h1[:, 32:48]
    c3_ref[...] = h1[:, 48:64]
    cnt_ref[...] = jnp.broadcast_to(cnt, (BLK, 8))


def _tc1(acc1, h0p, w1l, w1r):
    cspec = pl.BlockSpec((BLK, 16), lambda i: (i, 0))
    return pl.pallas_call(
        _tc1_body,
        grid=(NB,),
        in_specs=[
            pl.BlockSpec((NC, 1, BLK, 16), lambda i: (0, 0, i, 0)),
            pl.BlockSpec((BLK, 16), lambda i: (i, 0)),
            pl.BlockSpec((16, HID), lambda i: (0, 0)),
            pl.BlockSpec((16, HID), lambda i: (0, 0)),
        ],
        out_specs=[cspec, cspec, cspec, cspec,
                   pl.BlockSpec((BLK, 8), lambda i: (i, 0))],
        out_shape=[jax.ShapeDtypeStruct((N_ACC, 16), jnp.float32)] * 4
        + [jax.ShapeDtypeStruct((N_ACC, 8), jnp.float32)],
    )(acc1, h0p, w1l, w1r)


def _tc2_body(acc_ref, h10_ref, h11_ref, h12_ref, h13_ref, cnt_ref,
              w2l_ref, w2r_ref, b2_ref,
              bt_ref, wlin_ref, blin_ref, out_ref, g_acc, c_acc):
    i = pl.program_id(0)

    @pl.when(i == 0)
    def _():
        g_acc[...] = jnp.zeros((G, HID), jnp.float32)
        c_acc[...] = jnp.zeros((G, 8), jnp.float32)

    s = acc_ref[0] + acc_ref[1]
    mean2 = jnp.concatenate([s[0], s[1], s[2], s[3]], axis=1)
    mean2 = mean2 / cnt_ref[:, 0:1]
    h1 = jnp.concatenate([h10_ref[...], h11_ref[...], h12_ref[...],
                          h13_ref[...]], axis=1)
    z = (_dot(mean2, w2l_ref[...]) + _dot(h1, w2r_ref[...])
         + b2_ref[0:1, :])
    h2 = jnp.maximum(z, 0.0)
    bt = bt_ref[0]
    oh = (lax.broadcasted_iota(jnp.int32, (G, BLK), 0) == bt)
    ohf = oh.astype(jnp.float32)
    g_acc[...] += _dot_hilo(ohf, h2)
    c_acc[...] += jnp.broadcast_to(
        jnp.sum(ohf, axis=1, keepdims=True), (G, 8))

    @pl.when(i == NB - 1)
    def _():
        g = g_acc[...] / jnp.maximum(c_acc[:, 0:1], 1.0)
        out_ref[...] = _dot(g, wlin_ref[...]) + blin_ref[0:1, 0:1]


def _tc2(acc2, h1c0, h1c1, h1c2, h1c3, cntc, w2l, w2r, b2, bt3, wlin, blin):
    cspec = pl.BlockSpec((BLK, 16), lambda i: (i, 0))
    return pl.pallas_call(
        _tc2_body,
        grid=(NB,),
        in_specs=[
            pl.BlockSpec((NC, 4, BLK, 16), lambda i: (0, 0, i, 0)),
            cspec, cspec, cspec, cspec,
            pl.BlockSpec((BLK, 8), lambda i: (i, 0)),
            pl.BlockSpec((HID, HID), lambda i: (0, 0)),
            pl.BlockSpec((HID, HID), lambda i: (0, 0)),
            pl.BlockSpec((8, HID), lambda i: (0, 0)),
            pl.BlockSpec((1, 1, BLK), lambda i: (i, 0, 0)),
            pl.BlockSpec((HID, 8), lambda i: (0, 0)),
            pl.BlockSpec((8, 8), lambda i: (0, 0)),
        ],
        out_specs=pl.BlockSpec((G, 8), lambda i: (0, 0)),
        out_shape=jax.ShapeDtypeStruct((G, 8), jnp.float32),
        scratch_shapes=[
            pltpu.VMEM((G, HID), jnp.float32),
            pltpu.VMEM((G, 8), jnp.float32),
        ],
    )(acc2, h1c0, h1c1, h1c2, h1c3, cntc, w2l, w2r, b2, bt3, wlin, blin)


def kernel(x, pos, edge_index, batch, W1_l, W1_r, b1, W2_l, W2_r, b2,
           W_lin, b_lin):
    f32 = jnp.float32
    src = edge_index[0].astype(jnp.int32)
    dst = edge_index[1].astype(jnp.int32)
    src_p = jnp.concatenate([src, jnp.zeros((E_PAD - E,), jnp.int32)])
    dst_p = jnp.concatenate(
        [dst, jnp.full((E_PAD - E,), DUMMY_DST, jnp.int32)])
    zrows = jnp.zeros((RPT, 16), f32)

    ones = jnp.ones((N, 1), f32)
    zcol = jnp.zeros((N, 1), f32)
    h0p = jnp.concatenate([x, pos, ones, zcol], axis=1)
    h0p = jnp.pad(h0p, ((0, N_ACC - N), (0, 0)))

    w1l = jnp.zeros((16, HID), f32).at[:14].set(W1_l)
    w1r = jnp.zeros((16, HID), f32).at[:14].set(W1_r).at[14].set(b1)
    b2_8 = jnp.broadcast_to(b2[None, :], (8, HID))
    wlin8 = jnp.zeros((HID, 8), f32).at[:, 0:1].set(W_lin)
    blin8 = jnp.broadcast_to(b_lin.reshape(1, 1), (8, 8)).astype(f32)
    bt3 = jnp.pad(batch.astype(jnp.int32), (0, N_ACC - N),
                  constant_values=G).reshape(NB, 1, BLK)

    acc1 = _agg1(src_p, dst_p, zrows, h0p)
    h1c0, h1c1, h1c2, h1c3, cntc = _tc1(acc1, h0p, w1l, w1r)

    acc2 = _agg2(src_p, dst_p, zrows, h1c0, h1c1, h1c2, h1c3)
    out8 = _tc2(acc2, h1c0, h1c1, h1c2, h1c3, cntc,
                W2_l, W2_r, b2_8, bt3, wlin8, blin8)
    return out8[:, 0:1]

# --- scband reference (transcript-rebuilt; emitter-appended) ---
"""Pipeline reference for scband-graph-sage-24189255811506 (READ-ONLY COPY).

The authoritative reference and input builder live on the scoring server;
editing this copy changes nothing except your own understanding.
"""

import jax, jax.numpy as jnp
import numpy as np

N_NODES = 100000
N_EDGES = 3200000
N_GRAPHS = 512
IN_DIM = 14  # QM9 num_features (11) + pos (3)
HIDDEN = 64


def setup_inputs(seed: int = 0) -> dict:
    key = jax.random.key(seed)
    ks = jax.random.split(key, 12)
    x = jax.random.normal(ks[0], (N_NODES, 11), dtype=jnp.float32)
    pos = jax.random.normal(ks[1], (N_NODES, 3), dtype=jnp.float32)
    edge_index = jax.random.randint(ks[2], (2, N_EDGES), 0, N_NODES, dtype=jnp.int64)
    batch = jnp.sort(jax.random.randint(ks[3], (N_NODES,), 0, N_GRAPHS, dtype=jnp.int64))
    def glorot(k, shape):
        lim = float(np.sqrt(6.0 / (shape[0] + shape[1])))
        return jax.random.uniform(k, shape, dtype=jnp.float32, minval=-lim, maxval=lim)
    # SAGEConv1: lin_l (applied to aggregated neighbors), lin_r (applied to root)
    W1_l = glorot(ks[4], (IN_DIM, HIDDEN))
    W1_r = glorot(ks[5], (IN_DIM, HIDDEN))
    b1 = jnp.zeros((HIDDEN,), dtype=jnp.float32)
    W2_l = glorot(ks[6], (HIDDEN, HIDDEN))
    W2_r = glorot(ks[7], (HIDDEN, HIDDEN))
    b2 = jnp.zeros((HIDDEN,), dtype=jnp.float32)
    W_lin = glorot(ks[8], (HIDDEN, 1))
    b_lin = jnp.zeros((1,), dtype=jnp.float32)
    return {"x": x, "pos": pos, "edge_index": edge_index, "batch": batch,
            "W1_l": W1_l, "W1_r": W1_r, "b1": b1,
            "W2_l": W2_l, "W2_r": W2_r, "b2": b2,
            "W_lin": W_lin, "b_lin": b_lin}


def _sage_conv(x, edge_index, W_l, W_r, b):
    src = edge_index[0]
    dst = edge_index[1]
    msg = jnp.take(x, src, axis=0)                       # gather [E, d]
    agg = jax.ops.segment_sum(msg, dst, num_segments=N_NODES)  # scatter-add
    cnt = jax.ops.segment_sum(jnp.ones((edge_index.shape[1], 1), dtype=x.dtype),
                              dst, num_segments=N_NODES)
    mean = agg / jnp.maximum(cnt, 1.0)                   # mean aggregation
    return mean @ W_l + x @ W_r + b


def _global_mean_pool(x, batch, num_graphs):
    sums = jax.ops.segment_sum(x, batch, num_segments=num_graphs)
    cnts = jax.ops.segment_sum(jnp.ones((x.shape[0], 1), dtype=x.dtype),
                               batch, num_segments=num_graphs)
    return sums / jnp.maximum(cnts, 1.0)


def reference(x, pos, edge_index, batch, W1_l, W1_r, b1, W2_l, W2_r, b2, W_lin, b_lin):
    h = jnp.concatenate([x, pos], axis=1)
    h = jax.nn.relu(_sage_conv(h, edge_index, W1_l, W1_r, b1))
    h = jax.nn.relu(_sage_conv(h, edge_index, W2_l, W2_r, b2))
    g = _global_mean_pool(h, batch, N_GRAPHS)
    out = g @ W_lin + b_lin
    return out

if __name__ == "__main__":
    import jax
    _d = setup_inputs()
    print(jax.jit(kernel)(*tuple(_d.values())))

</pallas_src>

<mosaic_0001>
#map = affine_map<(d0, d1) -> (0)>
#map1 = affine_map<(d0, d1) -> (0, 0)>
#map2 = affine_map<(d0, d1) -> (0, 0, 0, 0)>
module attributes {stable_mosaic.version = 14 : i64} {
  func.func @agg(%arg0: i32, %arg1: i32, %arg2: memref<3211264xi32, #tpu.memory_space<hbm>>, %arg3: memref<3211264xi32, #tpu.memory_space<hbm>>, %arg4: memref<6251x16xf32, #tpu.memory_space<hbm>>, %arg5: memref<100352x16xf32, #tpu.memory_space<hbm>>, %arg6: memref<100352x16xf32, #tpu.memory_space<hbm>>, %arg7: memref<100352x16xf32, #tpu.memory_space<hbm>>, %arg8: memref<100352x16xf32, #tpu.memory_space<hbm>>, %arg9: memref<2x4x100352x16xf32, #tpu.memory_space<hbm>>, %arg10: memref<784xi32, #tpu.memory_space<vmem>>, %arg11: memref<784xi32, #tpu.memory_space<vmem>>, %arg12: memref<784xi32, #tpu.memory_space<vmem>>, %arg13: memref<784xi32, #tpu.memory_space<vmem>>, %arg14: memref<784x16xf32, #tpu.memory_space<vmem>>, %arg15: memref<784x16xf32, #tpu.memory_space<vmem>>, %arg16: memref<100016x16xf32, #tpu.memory_space<vmem_shared>>, %arg17: memref<!tpu.dma_semaphore, #tpu.memory_space<semaphore_mem>>, %arg18: memref<!tpu.dma_semaphore, #tpu.memory_space<semaphore_mem>>, %arg19: memref<!tpu.dma_semaphore, #tpu.memory_space<semaphore_mem>>) attributes {dimension_semantics = [#tpu.dimension_semantics<core_parallel>, #tpu.dimension_semantics<subcore_parallel>], iteration_bounds = array<i64: 2, 16>, scalar_prefetch = 0 : i64, scratch_operands = 10 : i64, tpu.core_type = #tpu.core_type<sc_vector_subcore>, window_params = [{transform_indices = #map}, {transform_indices = #map}, {transform_indices = #map1}, {transform_indices = #map1}, {transform_indices = #map1}, {transform_indices = #map1}, {transform_indices = #map1}, {transform_indices = #map2}]} {
    %mul3A = arith.constant 16 : i32
    %mul3A_0 = arith.muli %arg0, %mul3A : i32
    %add3A = arith.addi %mul3A_0, %arg1 : i32
    %mul3A_1 = arith.constant 6251 : i32
    %mul3A_2 = arith.muli %arg1, %mul3A_1 : i32
    %mul3A_3 = arith.constant 100352 : i32
    %mul3A_4 = arith.muli %add3A, %mul3A_3 : i32
    "tpu.region"() ({
      %run_scoped3A_98 = tpu.sem_alloc : memref<!tpu.dma_semaphore, #tpu.memory_space<semaphore_mem>>
      %dma_start3A_99 = arith.constant 0 : i32
      %dma_start3A_100 = tpu.memref_slice %arg16[%mul3A_2, %dma_start3A_99] : memref<100016x16xf32, #tpu.memory_space<vmem_shared>> -> memref<6251x16xf32, #tpu.memory_space<vmem_shared>>
      tpu.enqueue_dma source(%arg4 : memref<6251x16xf32, #tpu.memory_space<hbm>>) target(%dma_start3A_100 : memref<6251x16xf32, #tpu.memory_space<vmem_shared>>) target_semaphore(%run_scoped3A_98 : memref<!tpu.dma_semaphore, #tpu.memory_space<semaphore_mem>>)
      %dma_wait3A_101 = arith.constant 0 : i32
      %dma_wait3A_102 = tpu.memref_slice %arg16[%mul3A_2, %dma_wait3A_101] : memref<100016x16xf32, #tpu.memory_space<vmem_shared>> -> memref<6251x16xf32, #tpu.memory_space<vmem_shared>>
      tpu.wait_dma2 semaphore(%run_scoped3A_98 : memref<!tpu.dma_semaphore, #tpu.memory_space<semaphore_mem>>) src(%arg4 : memref<6251x16xf32, #tpu.memory_space<hbm>>) dst(%dma_wait3A_102 : memref<6251x16xf32, #tpu.memory_space<vmem_shared>>)
      tpu.yield
    }) : () -> ()
    %barrier3A = arith.constant 0 : index
    tpu.barrier barrier_id(%barrier3A)
    %add3A_5 = arith.constant 0 : i32
    %add3A_6 = arith.addi %mul3A_4, %add3A_5 : i32
    %dma_start3A = tpu.memref_slice %arg2[%add3A_6] : memref<3211264xi32, #tpu.memory_space<hbm>> -> memref<784xi32, #tpu.memory_space<hbm>>
    %dma_start3A_7 = tpu.memref_slice %arg2[%add3A_6] : memref<3211264xi32, #tpu.memory_space<hbm>> -> memref<784xi32, #tpu.memory_space<hbm>>
    tpu.enqueue_dma source(%dma_start3A_7 : memref<784xi32, #tpu.memory_space<hbm>>) target(%arg10 : memref<784xi32, #tpu.memory_space<vmem>>) target_semaphore(%arg17 : memref<!tpu.dma_semaphore, #tpu.memory_space<semaphore_mem>>)
    %add3A_8 = arith.constant 0 : i32
    %add3A_9 = arith.addi %mul3A_4, %add3A_8 : i32
    %dma_start3A_10 = tpu.memref_slice %arg3[%add3A_9] : memref<3211264xi32, #tpu.memory_space<hbm>> -> memref<784xi32, #tpu.memory_space<hbm>>
    %dma_start3A_11 = tpu.memref_slice %arg3[%add3A_9] : memref<3211264xi32, #tpu.memory_space<hbm>> -> memref<784xi32, #tpu.memory_space<hbm>>
    tpu.enqueue_dma source(%dma_start3A_11 : memref<784xi32, #tpu.memory_space<hbm>>) target(%arg12 : memref<784xi32, #tpu.memory_space<vmem>>) target_semaphore(%arg17 : memref<!tpu.dma_semaphore, #tpu.memory_space<semaphore_mem>>)
    %scan3A = arith.constant 0 : i32
    %scan3A_12 = arith.constant 0 : i32
    %scan3A_13 = arith.constant 64 : i32
    %scan3A_14 = arith.addi %scan3A_12, %scan3A_13 : i32
    %scan3A_15 = arith.constant 1 : i32
    scf.for %scan3A_98 = %scan3A_12 to %scan3A_14 step %scan3A_15  : i32 {
      %mul3A_99 = arith.constant 2 : i32
      %mul3A_100 = arith.muli %scan3A_98, %mul3A_99 : i32
      %add3A_101 = arith.constant 0 : i32
      %add3A_102 = arith.addi %mul3A_100, %add3A_101 : i32
      %dma_wait3A_103 = tpu.memref_slice %arg2[%mul3A_4] : memref<3211264xi32, #tpu.memory_space<hbm>> -> memref<784xi32, #tpu.memory_space<hbm>>
      %dma_wait3A_104 = tpu.memref_slice %arg2[%mul3A_4] : memref<3211264xi32, #tpu.memory_space<hbm>> -> memref<784xi32, #tpu.memory_space<hbm>>
      tpu.wait_dma2 semaphore(%arg17 : memref<!tpu.dma_semaphore, #tpu.memory_space<semaphore_mem>>) src(%dma_wait3A_104 : memref<784xi32, #tpu.memory_space<hbm>>) dst(%arg10 : memref<784xi32, #tpu.memory_space<vmem>>)
      %dma_wait3A_105 = tpu.memref_slice %arg3[%mul3A_4] : memref<3211264xi32, #tpu.memory_space<hbm>> -> memref<784xi32, #tpu.memory_space<hbm>>
      %dma_wait3A_106 = tpu.memref_slice %arg3[%mul3A_4] : memref<3211264xi32, #tpu.memory_space<hbm>> -> memref<784xi32, #tpu.memory_space<hbm>>
      tpu.wait_dma2 semaphore(%arg17 : memref<!tpu.dma_semaphore, #tpu.memory_space<semaphore_mem>>) src(%dma_wait3A_106 : memref<784xi32, #tpu.memory_space<hbm>>) dst(%arg12 : memref<784xi32, #tpu.memory_space<vmem>>)
      %dma_start3A_107 = arith.constant 0 : i32
      %dma_start3A_108 = arith.constant 0 : i32
      %dma_start3A_109 = tpu.memref_slice %arg5[%dma_start3A_107, %dma_start3A_108] : memref<100352x16xf32, #tpu.memory_space<hbm>> -> memref<100352x16xf32, #tpu.memory_space<hbm>>
      tpu.enqueue_indirect_dma source(%dma_start3A_109 : memref<100352x16xf32, #tpu.memory_space<hbm>>) target(%arg14 : memref<784x16xf32, #tpu.memory_space<vmem>>) offsets(%arg10 : memref<784xi32, #tpu.memory_space<vmem>>) semaphore(%arg18 : memref<!tpu.dma_semaphore, #tpu.memory_space<semaphore_mem>>)
      %gt3A = arith.constant 0 : i32
      %gt3A_110 = arith.cmpi sgt, %add3A_102, %gt3A : i32
      %convert_element_type3A_111 = arith.extui %gt3A_110 : i1 to i32
      %cond3A_112 = arith.constant 0 : i32
      %cond3A_113 = arith.cmpi ne, %convert_element_type3A_111, %cond3A_112 : i32
      scf.if %cond3A_113 {
        %dma_wait3A_155 = arith.constant 0 : i32
        %dma_wait3A_156 = arith.constant 0 : i32
        %dma_wait3A_157 = tpu.memref_slice %arg16[%dma_wait3A_155, %dma_wait3A_156] : memref<100016x16xf32, #tpu.memory_space<vmem_shared>> -> memref<100016x16xf32, #tpu.memory_space<vmem_shared>>
        tpu.wait_indirect_dma semaphore(%arg19 : memref<!tpu.dma_semaphore, #tpu.memory_space<semaphore_mem>>) src(%arg15 : memref<784x16xf32, #tpu.memory_space<vmem>>) dst(%dma_wait3A_157 : memref<100016x16xf32, #tpu.memory_space<vmem_shared>>)
      } else {
      }
      %add3A_114 = arith.constant 1 : i32
      %add3A_115 = arith.addi %add3A_102, %add3A_114 : i32
      %lt3A = arith.constant 128 : i32
      %lt3A_116 = arith.cmpi slt, %add3A_115, %lt3A : i32
      %convert_element_type3A_117 = arith.extui %lt3A_116 : i1 to i32
      %cond3A_118 = arith.constant 0 : i32
      %cond3A_119 = arith.cmpi ne, %convert_element_type3A_117, %cond3A_118 : i32
      scf.if %cond3A_119 {
        %add3A_155 = arith.constant 1 : i32
        %add3A_156 = arith.addi %add3A_102, %add3A_155 : i32
        %mul3A_157 = arith.constant 784 : i32
        %mul3A_158 = arith.muli %add3A_156, %mul3A_157 : i32
        %add3A_159 = arith.addi %mul3A_4, %mul3A_158 : i32
        %dma_start3A_160 = tpu.memref_slice %arg2[%add3A_159] : memref<3211264xi32, #tpu.memory_space<hbm>> -> memref<784xi32, #tpu.memory_space<hbm>>
        %dma_start3A_161 = tpu.memref_slice %arg2[%add3A_159] : memref<3211264xi32, #tpu.memory_space<hbm>> -> memref<784xi32, #tpu.memory_space<hbm>>
        tpu.enqueue_dma source(%dma_start3A_161 : memref<784xi32, #tpu.memory_space<hbm>>) target(%arg11 : memref<784xi32, #tpu.memory_space<vmem>>) target_semaphore(%arg17 : memref<!tpu.dma_semaphore, #tpu.memory_space<semaphore_mem>>)
        %mul3A_162 = arith.constant 784 : i32
        %mul3A_163 = arith.muli %add3A_156, %mul3A_162 : i32
        %add3A_164 = arith.addi %mul3A_4, %mul3A_163 : i32
        %dma_start3A_165 = tpu.memref_slice %arg3[%add3A_164] : memref<3211264xi32, #tpu.memory_space<hbm>> -> memref<784xi32, #tpu.memory_space<hbm>>
        %dma_start3A_166 = tpu.memref_slice %arg3[%add3A_164] : memref<3211264xi32, #tpu.memory_space<hbm>> -> memref<784xi32, #tpu.memory_space<hbm>>
        tpu.enqueue_dma source(%dma_start3A_166 : memref<784xi32, #tpu.memory_space<hbm>>) target(%arg13 : memref<784xi32, #tpu.memory_space<vmem>>) target_semaphore(%arg17 : memref<!tpu.dma_semaphore, #tpu.memory_space<semaphore_mem>>)
      } else {
      }
      %dma_wait3A_120 = arith.constant 0 : i32
      %dma_wait3A_121 = arith.constant 0 : i32
      %dma_wait3A_122 = tpu.memref_slice %arg5[%dma_wait3A_120, %dma_wait3A_121] : memref<100352x16xf32, #tpu.memory_space<hbm>> -> memref<100352x16xf32, #tpu.memory_space<hbm>>
      tpu.wait_indirect_dma semaphore(%arg18 : memref<!tpu.dma_semaphore, #tpu.memory_space<semaphore_mem>>) src(%dma_wait3A_122 : memref<100352x16xf32, #tpu.memory_space<hbm>>) dst(%arg14 : memref<784x16xf32, #tpu.memory_space<vmem>>)
      %dma_start3A_123 = arith.constant 0 : i32
      %dma_start3A_124 = arith.constant 0 : i32
      %dma_start3A_125 = tpu.memref_slice %arg16[%dma_start3A_123, %dma_start3A_124] : memref<100016x16xf32, #tpu.memory_space<vmem_shared>> -> memref<100016x16xf32, #tpu.memory_space<vmem_shared>>
      tpu.enqueue_indirect_dma source(%arg14 : memref<784x16xf32, #tpu.memory_space<vmem>>) target(%dma_start3A_125 : memref<100016x16xf32, #tpu.memory_space<vmem_shared>>) offsets(%arg12 : memref<784xi32, #tpu.memory_space<vmem>>) semaphore(%arg19 : memref<!tpu.dma_semaphore, #tpu.memory_space<semaphore_mem>>) {add = true}
      %mul3A_126 = arith.constant 2 : i32
      %mul3A_127 = arith.muli %scan3A_98, %mul3A_126 : i32
      %add3A_128 = arith.constant 1 : i32
      %add3A_129 = arith.addi %mul3A_127, %add3A_128 : i32
      %dma_wait3A_130 = tpu.memref_slice %arg2[%mul3A_4] : memref<3211264xi32, #tpu.memory_space<hbm>> -> memref<784xi32, #tpu.memory_space<hbm>>
      %dma_wait3A_131 = tpu.memref_slice %arg2[%mul3A_4] : memref<3211264xi32, #tpu.memory_space<hbm>> -> memref<784xi32, #tpu.memory_space<hbm>>
      tpu.wait_dma2 semaphore(%arg17 : memref<!tpu.dma_semaphore, #tpu.memory_space<semaphore_mem>>) src(%dma_wait3A_131 : memref<784xi32, #tpu.memory_space<hbm>>) dst(%arg11 : memref<784xi32, #tpu.memory_space<vmem>>)
      %dma_wait3A_132 = tpu.memref_slice %arg3[%mul3A_4] : memref<3211264xi32, #tpu.memory_space<hbm>> -> memref<784xi32, #tpu.memory_space<hbm>>
      %dma_wait3A_133 = tpu.memref_slice %arg3[%mul3A_4] : memref<3211264xi32, #tpu.memory_space<hbm>> -> memref<784xi32, #tpu.memory_space<hbm>>
      tpu.wait_dma2 semaphore(%arg17 : memref<!tpu.dma_semaphore, #tpu.memory_space<semaphore_mem>>) src(%dma_wait3A_133 : memref<784xi32, #tpu.memory_space<hbm>>) dst(%arg13 : memref<784xi32, #tpu.memory_space<vmem>>)
      %dma_start3A_134 = arith.constant 0 : i32
      %dma_start3A_135 = arith.constant 0 : i32
      %dma_start3A_136 = tpu.memref_slice %arg5[%dma_start3A_134, %dma_start3A_135] : memref<100352x16xf32, #tpu.memory_space<hbm>> -> memref<100352x16xf32, #tpu.memory_space<hbm>>
      tpu.enqueue_indirect_dma source(%dma_start3A_136 : memref<100352x16xf32, #tpu.memory_space<hbm>>) target(%arg15 : memref<784x16xf32, #tpu.memory_space<vmem>>) offsets(%arg11 : memref<784xi32, #tpu.memory_space<vmem>>) semaphore(%arg18 : memref<!tpu.dma_semaphore, #tpu.memory_space<semaphore_mem>>)
      %gt3A_137 = arith.constant 0 : i32
      %gt3A_138 = arith.cmpi sgt, %add3A_129, %gt3A_137 : i32
      %convert_element_type3A_139 = arith.extui %gt3A_138 : i1 to i32
      %cond3A_140 = arith.constant 0 : i32
      %cond3A_141 = arith.cmpi ne, %convert_element_type3A_139, %cond3A_140 : i32
      scf.if %cond3A_141 {
        %dma_wait3A_155 = arith.constant 0 : i32
        %dma_wait3A_156 = arith.constant 0 : i32
        %dma_wait3A_157 = tpu.memref_slice %arg16[%dma_wait3A_155, %dma_wait3A_156] : memref<100016x16xf32, #tpu.memory_space<vmem_shared>> -> memref<100016x16xf32, #tpu.memory_space<vmem_shared>>
        tpu.wait_indirect_dma semaphore(%arg19 : memref<!tpu.dma_semaphore, #tpu.memory_space<semaphore_mem>>) src(%arg14 : memref<784x16xf32, #tpu.memory_space<vmem>>) dst(%dma_wait3A_157 : memref<100016x16xf32, #tpu.memory_space<vmem_shared>>)
      } else {
      }
      %add3A_142 = arith.constant 1 : i32
      %add3A_143 = arith.addi %add3A_129, %add3A_142 : i32
      %lt3A_144 = arith.constant 128 : i32
      %lt3A_145 = arith.cmpi slt, %add3A_143, %lt3A_144 : i32
      %convert_element_type3A_146 = arith.extui %lt3A_145 : i1 to i32
      %cond3A_147 = arith.constant 0 : i32
      %cond3A_148 = arith.cmpi ne, %convert_element_type3A_146, %cond3A_147 : i32
      scf.if %cond3A_148 {
        %add3A_155 = arith.constant 1 : i32
        %add3A_156 = arith.addi %add3A_129, %add3A_155 : i32
        %mul3A_157 = arith.constant 784 : i32
        %mul3A_158 = arith.muli %add3A_156, %mul3A_157 : i32
        %add3A_159 = arith.addi %mul3A_4, %mul3A_158 : i32
        %dma_start3A_160 = tpu.memref_slice %arg2[%add3A_159] : memref<3211264xi32, #tpu.memory_space<hbm>> -> memref<784xi32, #tpu.memory_space<hbm>>
        %dma_start3A_161 = tpu.memref_slice %arg2[%add3A_159] : memref<3211264xi32, #tpu.memory_space<hbm>> -> memref<784xi32, #tpu.memory_space<hbm>>
        tpu.enqueue_dma source(%dma_start3A_161 : memref<784xi32, #tpu.memory_space<hbm>>) target(%arg10 : memref<784xi32, #tpu.memory_space<vmem>>) target_semaphore(%arg17 : memref<!tpu.dma_semaphore, #tpu.memory_space<semaphore_mem>>)
        %mul3A_162 = arith.constant 784 : i32
        %mul3A_163 = arith.muli %add3A_156, %mul3A_162 : i32
        %add3A_164 = arith.addi %mul3A_4, %mul3A_163 : i32
        %dma_start3A_165 = tpu.memref_slice %arg3[%add3A_164] : memref<3211264xi32, #tpu.memory_space<hbm>> -> memref<784xi32, #tpu.memory_space<hbm>>
        %dma_start3A_166 = tpu.memref_slice %arg3[%add3A_164] : memref<3211264xi32, #tpu.memory_space<hbm>> -> memref<784xi32, #tpu.memory_space<hbm>>
        tpu.enqueue_dma source(%dma_start3A_166 : memref<784xi32, #tpu.memory_space<hbm>>) target(%arg12 : memref<784xi32, #tpu.memory_space<vmem>>) target_semaphore(%arg17 : memref<!tpu.dma_semaphore, #tpu.memory_space<semaphore_mem>>)
      } else {
      }
      %dma_wait3A_149 = arith.constant 0 : i32
      %dma_wait3A_150 = arith.constant 0 : i32
      %dma_wait3A_151 = tpu.memref_slice %arg5[%dma_wait3A_149, %dma_wait3A_150] : memref<100352x16xf32, #tpu.memory_space<hbm>> -> memref<100352x16xf32, #tpu.memory_space<hbm>>
      tpu.wait_indirect_dma semaphore(%arg18 : memref<!tpu.dma_semaphore, #tpu.memory_space<semaphore_mem>>) src(%dma_wait3A_151 : memref<100352x16xf32, #tpu.memory_space<hbm>>) dst(%arg15 : memref<784x16xf32, #tpu.memory_space<vmem>>)
      %dma_start3A_152 = arith.constant 0 : i32
      %dma_start3A_153 = arith.constant 0 : i32
      %dma_start3A_154 = tpu.memref_slice %arg16[%dma_start3A_152, %dma_start3A_153] : memref<100016x16xf32, #tpu.memory_space<vmem_shared>> -> memref<100016x16xf32, #tpu.memory_space<vmem_shared>>
      tpu.enqueue_indirect_dma source(%arg15 : memref<784x16xf32, #tpu.memory_space<vmem>>) target(%dma_start3A_154 : memref<100016x16xf32, #tpu.memory_space<vmem_shared>>) offsets(%arg13 : memref<784xi32, #tpu.memory_space<vmem>>) semaphore(%arg19 : memref<!tpu.dma_semaphore, #tpu.memory_space<semaphore_mem>>) {add = true}
    }
    %scan3A_16 = arith.constant 64 : i32
    %dma_wait3A = arith.constant 0 : i32
    %dma_wait3A_17 = arith.constant 0 : i32
    %dma_wait3A_18 = tpu.memref_slice %arg16[%dma_wait3A, %dma_wait3A_17] : memref<100016x16xf32, #tpu.memory_space<vmem_shared>> -> memref<100016x16xf32, #tpu.memory_space<vmem_shared>>
    tpu.wait_indirect_dma semaphore(%arg19 : memref<!tpu.dma_semaphore, #tpu.memory_space<semaphore_mem>>) src(%arg15 : memref<784x16xf32, #tpu.memory_space<vmem>>) dst(%dma_wait3A_18 : memref<100016x16xf32, #tpu.memory_space<vmem_shared>>)
    %barrier3A_19 = arith.constant 0 : index
    tpu.barrier barrier_id(%barrier3A_19)
    %run_scoped3A = arith.constant 0 : i32
    "tpu.region"() ({
      %run_scoped3A_98 = tpu.sem_alloc : memref<!tpu.dma_semaphore, #tpu.memory_space<semaphore_mem>>
      %dma_start3A_99 = arith.constant 0 : i32
      %dma_start3A_100 = tpu.memref_slice %arg9[%arg0, %run_scoped3A, %mul3A_2, %dma_start3A_99] : memref<2x4x100352x16xf32, #tpu.memory_space<hbm>> -> memref<1x1x6251x16xf32, #tpu.memory_space<hbm>>
      %dma_start3A_101 = tpu.memref_squeeze %dma_start3A_100 : memref<1x1x6251x16xf32, #tpu.memory_space<hbm>> -> memref<6251x16xf32, #tpu.memory_space<hbm>>
      %dma_start3A_102 = arith.constant 0 : i32
      %dma_start3A_103 = tpu.memref_slice %arg16[%mul3A_2, %dma_start3A_102] : memref<100016x16xf32, #tpu.memory_space<vmem_shared>> -> memref<6251x16xf32, #tpu.memory_space<vmem_shared>>
      tpu.enqueue_dma source(%dma_start3A_103 : memref<6251x16xf32, #tpu.memory_space<vmem_shared>>) target(%dma_start3A_101 : memref<6251x16xf32, #tpu.memory_space<hbm>>) target_semaphore(%run_scoped3A_98 : memref<!tpu.dma_semaphore, #tpu.memory_space<semaphore_mem>>)
      %dma_wait3A_104 = arith.constant 0 : i32
      %dma_wait3A_105 = tpu.memref_slice %arg9[%arg0, %run_scoped3A, %mul3A_2, %dma_wait3A_104] : memref<2x4x100352x16xf32, #tpu.memory_space<hbm>> -> memref<1x1x6251x16xf32, #tpu.memory_space<hbm>>
      %dma_wait3A_106 = tpu.memref_squeeze %dma_wait3A_105 : memref<1x1x6251x16xf32, #tpu.memory_space<hbm>> -> memref<6251x16xf32, #tpu.memory_space<hbm>>
      %dma_wait3A_107 = arith.constant 0 : i32
      %dma_wait3A_108 = tpu.memref_slice %arg16[%mul3A_2, %dma_wait3A_107] : memref<100016x16xf32, #tpu.memory_space<vmem_shared>> -> memref<6251x16xf32, #tpu.memory_space<vmem_shared>>
      tpu.wait_dma2 semaphore(%run_scoped3A_98 : memref<!tpu.dma_semaphore, #tpu.memory_space<semaphore_mem>>) src(%dma_wait3A_108 : memref<6251x16xf32, #tpu.memory_space<vmem_shared>>) dst(%dma_wait3A_106 : memref<6251x16xf32, #tpu.memory_space<hbm>>)
      tpu.yield
    }) : () -> ()
    %eq3A = arith.constant 0 : i32
    %eq3A_20 = arith.cmpi eq, %arg1, %eq3A : i32
    %convert_element_type3A = arith.extui %eq3A_20 : i1 to i32
    %cond3A = arith.constant 0 : i32
    %cond3A_21 = arith.cmpi ne, %convert_element_type3A, %cond3A : i32
    scf.if %cond3A_21 {
      %run_scoped3A_98 = arith.constant 0 : i32
      "tpu.region"() ({
        %run_scoped3A_99 = tpu.sem_alloc : memref<!tpu.dma_semaphore, #tpu.memory_space<semaphore_mem>>
        %dma_start3A_100 = arith.constant 100016 : i32
        %dma_start3A_101 = arith.constant 0 : i32
        %dma_start3A_102 = tpu.memref_slice %arg9[%arg0, %run_scoped3A_98, %dma_start3A_100, %dma_start3A_101] : memref<2x4x100352x16xf32, #tpu.memory_space<hbm>> -> memref<1x1x336x16xf32, #tpu.memory_space<hbm>>
        %dma_start3A_103 = tpu.memref_squeeze %dma_start3A_102 : memref<1x1x336x16xf32, #tpu.memory_space<hbm>> -> memref<336x16xf32, #tpu.memory_space<hbm>>
        %dma_start3A_104 = arith.constant 0 : i32
        %dma_start3A_105 = arith.constant 0 : i32
        %dma_start3A_106 = tpu.memref_slice %arg4[%dma_start3A_104, %dma_start3A_105] : memref<6251x16xf32, #tpu.memory_space<hbm>> -> memref<336x16xf32, #tpu.memory_space<hbm>>
        tpu.enqueue_dma source(%dma_start3A_106 : memref<336x16xf32, #tpu.memory_space<hbm>>) target(%dma_start3A_103 : memref<336x16xf32, #tpu.memory_space<hbm>>) target_semaphore(%run_scoped3A_99 : memref<!tpu.dma_semaphore, #tpu.memory_space<semaphore_mem>>)
        %dma_wait3A_107 = arith.constant 100016 : i32
        %dma_wait3A_108 = arith.constant 0 : i32
        %dma_wait3A_109 = tpu.memref_slice %arg9[%arg0, %run_scoped3A_98, %dma_wait3A_107, %dma_wait3A_108] : memref<2x4x100352x16xf32, #tpu.memory_space<hbm>> -> memref<1x1x336x16xf32, #tpu.memory_space<hbm>>
        %dma_wait3A_110 = tpu.memref_squeeze %dma_wait3A_109 : memref<1x1x336x16xf32, #tpu.memory_space<hbm>> -> memref<336x16xf32, #tpu.memory_space<hbm>>
        %dma_wait3A_111 = arith.constant 0 : i32
        %dma_wait3A_112 = arith.constant 0 : i32
        %dma_wait3A_113 = tpu.memref_slice %arg4[%dma_wait3A_111, %dma_wait3A_112] : memref<6251x16xf32, #tpu.memory_space<hbm>> -> memref<336x16xf32, #tpu.memory_space<hbm>>
        tpu.wait_dma2 semaphore(%run_scoped3A_99 : memref<!tpu.dma_semaphore, #tpu.memory_space<semaphore_mem>>) src(%dma_wait3A_113 : memref<336x16xf32, #tpu.memory_space<hbm>>) dst(%dma_wait3A_110 : memref<336x16xf32, #tpu.memory_space<hbm>>)
        tpu.yield
      }) : () -> ()
    } else {
    }
    "tpu.region"() ({
      %run_scoped3A_98 = tpu.sem_alloc : memref<!tpu.dma_semaphore, #tpu.memory_space<semaphore_mem>>
      %dma_start3A_99 = arith.constant 0 : i32
      %dma_start3A_100 = tpu.memref_slice %arg16[%mul3A_2, %dma_start3A_99] : memref<100016x16xf32, #tpu.memory_space<vmem_shared>> -> memref<6251x16xf32, #tpu.memory_space<vmem_shared>>
      tpu.enqueue_dma source(%arg4 : memref<6251x16xf32, #tpu.memory_space<hbm>>) target(%dma_start3A_100 : memref<6251x16xf32, #tpu.memory_space<vmem_shared>>) target_semaphore(%run_scoped3A_98 : memref<!tpu.dma_semaphore, #tpu.memory_space<semaphore_mem>>)
      %dma_wait3A_101 = arith.constant 0 : i32
      %dma_wait3A_102 = tpu.memref_slice %arg16[%mul3A_2, %dma_wait3A_101] : memref<100016x16xf32, #tpu.memory_space<vmem_shared>> -> memref<6251x16xf32, #tpu.memory_space<vmem_shared>>
      tpu.wait_dma2 semaphore(%run_scoped3A_98 : memref<!tpu.dma_semaphore, #tpu.memory_space<semaphore_mem>>) src(%arg4 : memref<6251x16xf32, #tpu.memory_space<hbm>>) dst(%dma_wait3A_102 : memref<6251x16xf32, #tpu.memory_space<vmem_shared>>)
      tpu.yield
    }) : () -> ()
    %barrier3A_22 = arith.constant 0 : index
    tpu.barrier barrier_id(%barrier3A_22)
    %add3A_23 = arith.constant 0 : i32
    %add3A_24 = arith.addi %mul3A_4, %add3A_23 : i32
    %dma_start3A_25 = tpu.memref_slice %arg2[%add3A_24] : memref<3211264xi32, #tpu.memory_space<hbm>> -> memref<784xi32, #tpu.memory_space<hbm>>
    %dma_start3A_26 = tpu.memref_slice %arg2[%add3A_24] : memref<3211264xi32, #tpu.memory_space<hbm>> -> memref<784xi32, #tpu.memory_space<hbm>>
    tpu.enqueue_dma source(%dma_start3A_26 : memref<784xi32, #tpu.memory_space<hbm>>) target(%arg10 : memref<784xi32, #tpu.memory_space<vmem>>) target_semaphore(%arg17 : memref<!tpu.dma_semaphore, #tpu.memory_space<semaphore_mem>>)
    %add3A_27 = arith.constant 0 : i32
    %add3A_28 = arith.addi %mul3A_4, %add3A_27 : i32
    %dma_start3A_29 = tpu.memref_slice %arg3[%add3A_28] : memref<3211264xi32, #tpu.memory_space<hbm>> -> memref<784xi32, #tpu.memory_space<hbm>>
    %dma_start3A_30 = tpu.memref_slice %arg3[%add3A_28] : memref<3211264xi32, #tpu.memory_space<hbm>> -> memref<784xi32, #tpu.memory_space<hbm>>
    tpu.enqueue_dma source(%dma_start3A_30 : memref<784xi32, #tpu.memory_space<hbm>>) target(%arg12 : memref<784xi32, #tpu.memory_space<vmem>>) target_semaphore(%arg17 : memref<!tpu.dma_semaphore, #tpu.memory_space<semaphore_mem>>)
    %scan3A_31 = arith.constant 0 : i32
    %scan3A_32 = arith.constant 0 : i32
    %scan3A_33 = arith.constant 64 : i32
    %scan3A_34 = arith.addi %scan3A_32, %scan3A_33 : i32
    %scan3A_35 = arith.constant 1 : i32
    scf.for %scan3A_98 = %scan3A_32 to %scan3A_34 step %scan3A_35  : i32 {
      %mul3A_99 = arith.constant 2 : i32
      %mul3A_100 = arith.muli %scan3A_98, %mul3A_99 : i32
      %add3A_101 = arith.constant 0 : i32
      %add3A_102 = arith.addi %mul3A_100, %add3A_101 : i32
      %dma_wait3A_103 = tpu.memref_slice %arg2[%mul3A_4] : memref<3211264xi32, #tpu.memory_space<hbm>> -> memref<784xi32, #tpu.memory_space<hbm>>
      %dma_wait3A_104 = tpu.memref_slice %arg2[%mul3A_4] : memref<3211264xi32, #tpu.memory_space<hbm>> -> memref<784xi32, #tpu.memory_space<hbm>>
      tpu.wait_dma2 semaphore(%arg17 : memref<!tpu.dma_semaphore, #tpu.memory_space<semaphore_mem>>) src(%dma_wait3A_104 : memref<784xi32, #tpu.memory_space<hbm>>) dst(%arg10 : memref<784xi32, #tpu.memory_space<vmem>>)
      %dma_wait3A_105 = tpu.memref_slice %arg3[%mul3A_4] : memref<3211264xi32, #tpu.memory_space<hbm>> -> memref<784xi32, #tpu.memory_space<hbm>>
      %dma_wait3A_106 = tpu.memref_slice %arg3[%mul3A_4] : memref<3211264xi32, #tpu.memory_space<hbm>> -> memref<784xi32, #tpu.memory_space<hbm>>
      tpu.wait_dma2 semaphore(%arg17 : memref<!tpu.dma_semaphore, #tpu.memory_space<semaphore_mem>>) src(%dma_wait3A_106 : memref<784xi32, #tpu.memory_space<hbm>>) dst(%arg12 : memref<784xi32, #tpu.memory_space<vmem>>)
      %dma_start3A_107 = arith.constant 0 : i32
      %dma_start3A_108 = arith.constant 0 : i32
      %dma_start3A_109 = tpu.memref_slice %arg6[%dma_start3A_107, %dma_start3A_108] : memref<100352x16xf32, #tpu.memory_space<hbm>> -> memref<100352x16xf32, #tpu.memory_space<hbm>>
      tpu.enqueue_indirect_dma source(%dma_start3A_109 : memref<100352x16xf32, #tpu.memory_space<hbm>>) target(%arg14 : memref<784x16xf32, #tpu.memory_space<vmem>>) offsets(%arg10 : memref<784xi32, #tpu.memory_space<vmem>>) semaphore(%arg18 : memref<!tpu.dma_semaphore, #tpu.memory_space<semaphore_mem>>)
      %gt3A = arith.constant 0 : i32
      %gt3A_110 = arith.cmpi sgt, %add3A_102, %gt3A : i32
      %convert_element_type3A_111 = arith.extui %gt3A_110 : i1 to i32
      %cond3A_112 = arith.constant 0 : i32
      %cond3A_113 = arith.cmpi ne, %convert_element_type3A_111, %cond3A_112 : i32
      scf.if %cond3A_113 {
        %dma_wait3A_155 = arith.constant 0 : i32
        %dma_wait3A_156 = arith.constant 0 : i32
        %dma_wait3A_157 = tpu.memref_slice %arg16[%dma_wait3A_155, %dma_wait3A_156] : memref<100016x16xf32, #tpu.memory_space<vmem_shared>> -> memref<100016x16xf32, #tpu.memory_space<vmem_shared>>
        tpu.wait_indirect_dma semaphore(%arg19 : memref<!tpu.dma_semaphore, #tpu.memory_space<semaphore_mem>>) src(%arg15 : memref<784x16xf32, #tpu.memory_space<vmem>>) dst(%dma_wait3A_157 : memref<100016x16xf32, #tpu.memory_space<vmem_shared>>)
      } else {
      }
      %add3A_114 = arith.constant 1 : i32
      %add3A_115 = arith.addi %add3A_102, %add3A_114 : i32
      %lt3A = arith.constant 128 : i32
      %lt3A_116 = arith.cmpi slt, %add3A_115, %lt3A : i32
      %convert_element_type3A_117 = arith.extui %lt3A_116 : i1 to i32
      %cond3A_118 = arith.constant 0 : i32
      %cond3A_119 = arith.cmpi ne, %convert_element_type3A_117, %cond3A_118 : i32
      scf.if %cond3A_119 {
        %add3A_155 = arith.constant 1 : i32
        %add3A_156 = arith.addi %add3A_102, %add3A_155 : i32
        %mul3A_157 = arith.constant 784 : i32
        %mul3A_158 = arith.muli %add3A_156, %mul3A_157 : i32
        %add3A_159 = arith.addi %mul3A_4, %mul3A_158 : i32
        %dma_start3A_160 = tpu.memref_slice %arg2[%add3A_159] : memref<3211264xi32, #tpu.memory_space<hbm>> -> memref<784xi32, #tpu.memory_space<hbm>>
        %dma_start3A_161 = tpu.memref_slice %arg2[%add3A_159] : memref<3211264xi32, #tpu.memory_space<hbm>> -> memref<784xi32, #tpu.memory_space<hbm>>
        tpu.enqueue_dma source(%dma_start3A_161 : memref<784xi32, #tpu.memory_space<hbm>>) target(%arg11 : memref<784xi32, #tpu.memory_space<vmem>>) target_semaphore(%arg17 : memref<!tpu.dma_semaphore, #tpu.memory_space<semaphore_mem>>)
        %mul3A_162 = arith.constant 784 : i32
        %mul3A_163 = arith.muli %add3A_156, %mul3A_162 : i32
        %add3A_164 = arith.addi %mul3A_4, %mul3A_163 : i32
        %dma_start3A_165 = tpu.memref_slice %arg3[%add3A_164] : memref<3211264xi32, #tpu.memory_space<hbm>> -> memref<784xi32, #tpu.memory_space<hbm>>
        %dma_start3A_166 = tpu.memref_slice %arg3[%add3A_164] : memref<3211264xi32, #tpu.memory_space<hbm>> -> memref<784xi32, #tpu.memory_space<hbm>>
        tpu.enqueue_dma source(%dma_start3A_166 : memref<784xi32, #tpu.memory_space<hbm>>) target(%arg13 : memref<784xi32, #tpu.memory_space<vmem>>) target_semaphore(%arg17 : memref<!tpu.dma_semaphore, #tpu.memory_space<semaphore_mem>>)
      } else {
      }
      %dma_wait3A_120 = arith.constant 0 : i32
      %dma_wait3A_121 = arith.constant 0 : i32
      %dma_wait3A_122 = tpu.memref_slice %arg6[%dma_wait3A_120, %dma_wait3A_121] : memref<100352x16xf32, #tpu.memory_space<hbm>> -> memref<100352x16xf32, #tpu.memory_space<hbm>>
      tpu.wait_indirect_dma semaphore(%arg18 : memref<!tpu.dma_semaphore, #tpu.memory_space<semaphore_mem>>) src(%dma_wait3A_122 : memref<100352x16xf32, #tpu.memory_space<hbm>>) dst(%arg14 : memref<784x16xf32, #tpu.memory_space<vmem>>)
      %dma_start3A_123 = arith.constant 0 : i32
      %dma_start3A_124 = arith.constant 0 : i32
      %dma_start3A_125 = tpu.memref_slice %arg16[%dma_start3A_123, %dma_start3A_124] : memref<100016x16xf32, #tpu.memory_space<vmem_shared>> -> memref<100016x16xf32, #tpu.memory_space<vmem_shared>>
      tpu.enqueue_indirect_dma source(%arg14 : memref<784x16xf32, #tpu.memory_space<vmem>>) target(%dma_start3A_125 : memref<100016x16xf32, #tpu.memory_space<vmem_shared>>) offsets(%arg12 : memref<784xi32, #tpu.memory_space<vmem>>) semaphore(%arg19 : memref<!tpu.dma_semaphore, #tpu.memory_space<semaphore_mem>>) {add = true}
      %mul3A_126 = arith.constant 2 : i32
      %mul3A_127 = arith.muli %scan3A_98, %mul3A_126 : i32
      %add3A_128 = arith.constant 1 : i32
      %add3A_129 = arith.addi %mul3A_127, %add3A_128 : i32
      %dma_wait3A_130 = tpu.memref_slice %arg2[%mul3A_4] : memref<3211264xi32, #tpu.memory_space<hbm>> -> memref<784xi32, #tpu.memory_space<hbm>>
      %dma_wait3A_131 = tpu.memref_slice %arg2[%mul3A_4] : memref<3211264xi32, #tpu.memory_space<hbm>> -> memref<784xi32, #tpu.memory_space<hbm>>
      tpu.wait_dma2 semaphore(%arg17 : memref<!tpu.dma_semaphore, #tpu.memory_space<semaphore_mem>>) src(%dma_wait3A_131 : memref<784xi32, #tpu.memory_space<hbm>>) dst(%arg11 : memref<784xi32, #tpu.memory_space<vmem>>)
      %dma_wait3A_132 = tpu.memref_slice %arg3[%mul3A_4] : memref<3211264xi32, #tpu.memory_space<hbm>> -> memref<784xi32, #tpu.memory_space<hbm>>
      %dma_wait3A_133 = tpu.memref_slice %arg3[%mul3A_4] : memref<3211264xi32, #tpu.memory_space<hbm>> -> memref<784xi32, #tpu.memory_space<hbm>>
      tpu.wait_dma2 semaphore(%arg17 : memref<!tpu.dma_semaphore, #tpu.memory_space<semaphore_mem>>) src(%dma_wait3A_133 : memref<784xi32, #tpu.memory_space<hbm>>) dst(%arg13 : memref<784xi32, #tpu.memory_space<vmem>>)
      %dma_start3A_134 = arith.constant 0 : i32
      %dma_start3A_135 = arith.constant 0 : i32
      %dma_start3A_136 = tpu.memref_slice %arg6[%dma_start3A_134, %dma_start3A_135] : memref<100352x16xf32, #tpu.memory_space<hbm>> -> memref<100352x16xf32, #tpu.memory_space<hbm>>
      tpu.enqueue_indirect_dma source(%dma_start3A_136 : memref<100352x16xf32, #tpu.memory_space<hbm>>) target(%arg15 : memref<784x16xf32, #tpu.memory_space<vmem>>) offsets(%arg11 : memref<784xi32, #tpu.memory_space<vmem>>) semaphore(%arg18 : memref<!tpu.dma_semaphore, #tpu.memory_space<semaphore_mem>>)
      %gt3A_137 = arith.constant 0 : i32
      %gt3A_138 = arith.cmpi sgt, %add3A_129, %gt3A_137 : i32
      %convert_element_type3A_139 = arith.extui %gt3A_138 : i1 to i32
      %cond3A_140 = arith.constant 0 : i32
      %cond3A_141 = arith.cmpi ne, %convert_element_type3A_139, %cond3A_140 : i32
      scf.if %cond3A_141 {
        %dma_wait3A_155 = arith.constant 0 : i32
        %dma_wait3A_156 = arith.constant 0 : i32
        %dma_wait3A_157 = tpu.memref_slice %arg16[%dma_wait3A_155, %dma_wait3A_156] : memref<100016x16xf32, #tpu.memory_space<vmem_shared>> -> memref<100016x16xf32, #tpu.memory_space<vmem_shared>>
        tpu.wait_indirect_dma semaphore(%arg19 : memref<!tpu.dma_semaphore, #tpu.memory_space<semaphore_mem>>) src(%arg14 : memref<784x16xf32, #tpu.memory_space<vmem>>) dst(%dma_wait3A_157 : memref<100016x16xf32, #tpu.memory_space<vmem_shared>>)
      } else {
      }
      %add3A_142 = arith.constant 1 : i32
      %add3A_143 = arith.addi %add3A_129, %add3A_142 : i32
      %lt3A_144 = arith.constant 128 : i32
      %lt3A_145 = arith.cmpi slt, %add3A_143, %lt3A_144 : i32
      %convert_element_type3A_146 = arith.extui %lt3A_145 : i1 to i32
      %cond3A_147 = arith.constant 0 : i32
      %cond3A_148 = arith.cmpi ne, %convert_element_type3A_146, %cond3A_147 : i32
      scf.if %cond3A_148 {
        %add3A_155 = arith.constant 1 : i32
        %add3A_156 = arith.addi %add3A_129, %add3A_155 : i32
        %mul3A_157 = arith.constant 784 : i32
        %mul3A_158 = arith.muli %add3A_156, %mul3A_157 : i32
        %add3A_159 = arith.addi %mul3A_4, %mul3A_158 : i32
        %dma_start3A_160 = tpu.memref_slice %arg2[%add3A_159] : memref<3211264xi32, #tpu.memory_space<hbm>> -> memref<784xi32, #tpu.memory_space<hbm>>
        %dma_start3A_161 = tpu.memref_slice %arg2[%add3A_159] : memref<3211264xi32, #tpu.memory_space<hbm>> -> memref<784xi32, #tpu.memory_space<hbm>>
        tpu.enqueue_dma source(%dma_start3A_161 : memref<784xi32, #tpu.memory_space<hbm>>) target(%arg10 : memref<784xi32, #tpu.memory_space<vmem>>) target_semaphore(%arg17 : memref<!tpu.dma_semaphore, #tpu.memory_space<semaphore_mem>>)
        %mul3A_162 = arith.constant 784 : i32
        %mul3A_163 = arith.muli %add3A_156, %mul3A_162 : i32
        %add3A_164 = arith.addi %mul3A_4, %mul3A_163 : i32
        %dma_start3A_165 = tpu.memref_slice %arg3[%add3A_164] : memref<3211264xi32, #tpu.memory_space<hbm>> -> memref<784xi32, #tpu.memory_space<hbm>>
        %dma_start3A_166 = tpu.memref_slice %arg3[%add3A_164] : memref<3211264xi32, #tpu.memory_space<hbm>> -> memref<784xi32, #tpu.memory_space<hbm>>
        tpu.enqueue_dma source(%dma_start3A_166 : memref<784xi32, #tpu.memory_space<hbm>>) target(%arg12 : memref<784xi32, #tpu.memory_space<vmem>>) target_semaphore(%arg17 : memref<!tpu.dma_semaphore, #tpu.memory_space<semaphore_mem>>)
      } else {
      }
      %dma_wait3A_149 = arith.constant 0 : i32
      %dma_wait3A_150 = arith.constant 0 : i32
      %dma_wait3A_151 = tpu.memref_slice %arg6[%dma_wait3A_149, %dma_wait3A_150] : memref<100352x16xf32, #tpu.memory_space<hbm>> -> memref<100352x16xf32, #tpu.memory_space<hbm>>
      tpu.wait_indirect_dma semaphore(%arg18 : memref<!tpu.dma_semaphore, #tpu.memory_space<semaphore_mem>>) src(%dma_wait3A_151 : memref<100352x16xf32, #tpu.memory_space<hbm>>) dst(%arg15 : memref<784x16xf32, #tpu.memory_space<vmem>>)
      %dma_start3A_152 = arith.constant 0 : i32
      %dma_start3A_153 = arith.constant 0 : i32
      %dma_start3A_154 = tpu.memref_slice %arg16[%dma_start3A_152, %dma_start3A_153] : memref<100016x16xf32, #tpu.memory_space<vmem_shared>> -> memref<100016x16xf32, #tpu.memory_space<vmem_shared>>
      tpu.enqueue_indirect_dma source(%arg15 : memref<784x16xf32, #tpu.memory_space<vmem>>) target(%dma_start3A_154 : memref<100016x16xf32, #tpu.memory_space<vmem_shared>>) offsets(%arg13 : memref<784xi32, #tpu.memory_space<vmem>>) semaphore(%arg19 : memref<!tpu.dma_semaphore, #tpu.memory_space<semaphore_mem>>) {add = true}
    }
    %scan3A_36 = arith.constant 64 : i32
    %dma_wait3A_37 = arith.constant 0 : i32
    %dma_wait3A_38 = arith.constant 0 : i32
    %dma_wait3A_39 = tpu.memref_slice %arg16[%dma_wait3A_37, %dma_wait3A_38] : memref<100016x16xf32, #tpu.memory_space<vmem_shared>> -> memref<100016x16xf32, #tpu.memory_space<vmem_shared>>
    tpu.wait_indirect_dma semaphore(%arg19 : memref<!tpu.dma_semaphore, #tpu.memory_space<semaphore_mem>>) src(%arg15 : memref<784x16xf32, #tpu.memory_space<vmem>>) dst(%dma_wait3A_39 : memref<100016x16xf32, #tpu.memory_space<vmem_shared>>)
    %barrier3A_40 = arith.constant 0 : index
    tpu.barrier barrier_id(%barrier3A_40)
    %run_scoped3A_41 = arith.constant 1 : i32
    "tpu.region"() ({
      %run_scoped3A_98 = tpu.sem_alloc : memref<!tpu.dma_semaphore, #tpu.memory_space<semaphore_mem>>
      %dma_start3A_99 = arith.constant 0 : i32
      %dma_start3A_100 = tpu.memref_slice %arg9[%arg0, %run_scoped3A_41, %mul3A_2, %dma_start3A_99] : memref<2x4x100352x16xf32, #tpu.memory_space<hbm>> -> memref<1x1x6251x16xf32, #tpu.memory_space<hbm>>
      %dma_start3A_101 = tpu.memref_squeeze %dma_start3A_100 : memref<1x1x6251x16xf32, #tpu.memory_space<hbm>> -> memref<6251x16xf32, #tpu.memory_space<hbm>>
      %dma_start3A_102 = arith.constant 0 : i32
      %dma_start3A_103 = tpu.memref_slice %arg16[%mul3A_2, %dma_start3A_102] : memref<100016x16xf32, #tpu.memory_space<vmem_shared>> -> memref<6251x16xf32, #tpu.memory_space<vmem_shared>>
      tpu.enqueue_dma source(%dma_start3A_103 : memref<6251x16xf32, #tpu.memory_space<vmem_shared>>) target(%dma_start3A_101 : memref<6251x16xf32, #tpu.memory_space<hbm>>) target_semaphore(%run_scoped3A_98 : memref<!tpu.dma_semaphore, #tpu.memory_space<semaphore_mem>>)
      %dma_wait3A_104 = arith.constant 0 : i32
      %dma_wait3A_105 = tpu.memref_slice %arg9[%arg0, %run_scoped3A_41, %mul3A_2, %dma_wait3A_104] : memref<2x4x100352x16xf32, #tpu.memory_space<hbm>> -> memref<1x1x6251x16xf32, #tpu.memory_space<hbm>>
      %dma_wait3A_106 = tpu.memref_squeeze %dma_wait3A_105 : memref<1x1x6251x16xf32, #tpu.memory_space<hbm>> -> memref<6251x16xf32, #tpu.memory_space<hbm>>
      %dma_wait3A_107 = arith.constant 0 : i32
      %dma_wait3A_108 = tpu.memref_slice %arg16[%mul3A_2, %dma_wait3A_107] : memref<100016x16xf32, #tpu.memory_space<vmem_shared>> -> memref<6251x16xf32, #tpu.memory_space<vmem_shared>>
      tpu.wait_dma2 semaphore(%run_scoped3A_98 : memref<!tpu.dma_semaphore, #tpu.memory_space<semaphore_mem>>) src(%dma_wait3A_108 : memref<6251x16xf32, #tpu.memory_space<vmem_shared>>) dst(%dma_wait3A_106 : memref<6251x16xf32, #tpu.memory_space<hbm>>)
      tpu.yield
    }) : () -> ()
    %eq3A_42 = arith.constant 0 : i32
    %eq3A_43 = arith.cmpi eq, %arg1, %eq3A_42 : i32
    %convert_element_type3A_44 = arith.extui %eq3A_43 : i1 to i32
    %cond3A_45 = arith.constant 0 : i32
    %cond3A_46 = arith.cmpi ne, %convert_element_type3A_44, %cond3A_45 : i32
    scf.if %cond3A_46 {
      %run_scoped3A_98 = arith.constant 1 : i32
      "tpu.region"() ({
        %run_scoped3A_99 = tpu.sem_alloc : memref<!tpu.dma_semaphore, #tpu.memory_space<semaphore_mem>>
        %dma_start3A_100 = arith.constant 100016 : i32
        %dma_start3A_101 = arith.constant 0 : i32
        %dma_start3A_102 = tpu.memref_slice %arg9[%arg0, %run_scoped3A_98, %dma_start3A_100, %dma_start3A_101] : memref<2x4x100352x16xf32, #tpu.memory_space<hbm>> -> memref<1x1x336x16xf32, #tpu.memory_space<hbm>>
        %dma_start3A_103 = tpu.memref_squeeze %dma_start3A_102 : memref<1x1x336x16xf32, #tpu.memory_space<hbm>> -> memref<336x16xf32, #tpu.memory_space<hbm>>
        %dma_start3A_104 = arith.constant 0 : i32
        %dma_start3A_105 = arith.constant 0 : i32
        %dma_start3A_106 = tpu.memref_slice %arg4[%dma_start3A_104, %dma_start3A_105] : memref<6251x16xf32, #tpu.memory_space<hbm>> -> memref<336x16xf32, #tpu.memory_space<hbm>>
        tpu.enqueue_dma source(%dma_start3A_106 : memref<336x16xf32, #tpu.memory_space<hbm>>) target(%dma_start3A_103 : memref<336x16xf32, #tpu.memory_space<hbm>>) target_semaphore(%run_scoped3A_99 : memref<!tpu.dma_semaphore, #tpu.memory_space<semaphore_mem>>)
        %dma_wait3A_107 = arith.constant 100016 : i32
        %dma_wait3A_108 = arith.constant 0 : i32
        %dma_wait3A_109 = tpu.memref_slice %arg9[%arg0, %run_scoped3A_98, %dma_wait3A_107, %dma_wait3A_108] : memref<2x4x100352x16xf32, #tpu.memory_space<hbm>> -> memref<1x1x336x16xf32, #tpu.memory_space<hbm>>
        %dma_wait3A_110 = tpu.memref_squeeze %dma_wait3A_109 : memref<1x1x336x16xf32, #tpu.memory_space<hbm>> -> memref<336x16xf32, #tpu.memory_space<hbm>>
        %dma_wait3A_111 = arith.constant 0 : i32
        %dma_wait3A_112 = arith.constant 0 : i32
        %dma_wait3A_113 = tpu.memref_slice %arg4[%dma_wait3A_111, %dma_wait3A_112] : memref<6251x16xf32, #tpu.memory_space<hbm>> -> memref<336x16xf32, #tpu.memory_space<hbm>>
        tpu.wait_dma2 semaphore(%run_scoped3A_99 : memref<!tpu.dma_semaphore, #tpu.memory_space<semaphore_mem>>) src(%dma_wait3A_113 : memref<336x16xf32, #tpu.memory_space<hbm>>) dst(%dma_wait3A_110 : memref<336x16xf32, #tpu.memory_space<hbm>>)
        tpu.yield
      }) : () -> ()
    } else {
    }
    "tpu.region"() ({
      %run_scoped3A_98 = tpu.sem_alloc : memref<!tpu.dma_semaphore, #tpu.memory_space<semaphore_mem>>
      %dma_start3A_99 = arith.constant 0 : i32
      %dma_start3A_100 = tpu.memref_slice %arg16[%mul3A_2, %dma_start3A_99] : memref<100016x16xf32, #tpu.memory_space<vmem_shared>> -> memref<6251x16xf32, #tpu.memory_space<vmem_shared>>
      tpu.enqueue_dma source(%arg4 : memref<6251x16xf32, #tpu.memory_space<hbm>>) target(%dma_start3A_100 : memref<6251x16xf32, #tpu.memory_space<vmem_shared>>) target_semaphore(%run_scoped3A_98 : memref<!tpu.dma_semaphore, #tpu.memory_space<semaphore_mem>>)
      %dma_wait3A_101 = arith.constant 0 : i32
      %dma_wait3A_102 = tpu.memref_slice %arg16[%mul3A_2, %dma_wait3A_101] : memref<100016x16xf32, #tpu.memory_space<vmem_shared>> -> memref<6251x16xf32, #tpu.memory_space<vmem_shared>>
      tpu.wait_dma2 semaphore(%run_scoped3A_98 : memref<!tpu.dma_semaphore, #tpu.memory_space<semaphore_mem>>) src(%arg4 : memref<6251x16xf32, #tpu.memory_space<hbm>>) dst(%dma_wait3A_102 : memref<6251x16xf32, #tpu.memory_space<vmem_shared>>)
      tpu.yield
    }) : () -> ()
    %barrier3A_47 = arith.constant 0 : index
    tpu.barrier barrier_id(%barrier3A_47)
    %add3A_48 = arith.constant 0 : i32
    %add3A_49 = arith.addi %mul3A_4, %add3A_48 : i32
    %dma_start3A_50 = tpu.memref_slice %arg2[%add3A_49] : memref<3211264xi32, #tpu.memory_space<hbm>> -> memref<784xi32, #tpu.memory_space<hbm>>
    %dma_start3A_51 = tpu.memref_slice %arg2[%add3A_49] : memref<3211264xi32, #tpu.memory_space<hbm>> -> memref<784xi32, #tpu.memory_space<hbm>>
    tpu.enqueue_dma source(%dma_start3A_51 : memref<784xi32, #tpu.memory_space<hbm>>) target(%arg10 : memref<784xi32, #tpu.memory_space<vmem>>) target_semaphore(%arg17 : memref<!tpu.dma_semaphore, #tpu.memory_space<semaphore_mem>>)
    %add3A_52 = arith.constant 0 : i32
    %add3A_53 = arith.addi %mul3A_4, %add3A_52 : i32
    %dma_start3A_54 = tpu.memref_slice %arg3[%add3A_53] : memref<3211264xi32, #tpu.memory_space<hbm>> -> memref<784xi32, #tpu.memory_space<hbm>>
    %dma_start3A_55 = tpu.memref_slice %arg3[%add3A_53] : memref<3211264xi32, #tpu.memory_space<hbm>> -> memref<784xi32, #tpu.memory_space<hbm>>
    tpu.enqueue_dma source(%dma_start3A_55 : memref<784xi32, #tpu.memory_space<hbm>>) target(%arg12 : memref<784xi32, #tpu.memory_space<vmem>>) target_semaphore(%arg17 : memref<!tpu.dma_semaphore, #tpu.memory_space<semaphore_mem>>)
    %scan3A_56 = arith.constant 0 : i32
    %scan3A_57 = arith.constant 0 : i32
    %scan3A_58 = arith.constant 64 : i32
    %scan3A_59 = arith.addi %scan3A_57, %scan3A_58 : i32
    %scan3A_60 = arith.constant 1 : i32
    scf.for %scan3A_98 = %scan3A_57 to %scan3A_59 step %scan3A_60  : i32 {
      %mul3A_99 = arith.constant 2 : i32
      %mul3A_100 = arith.muli %scan3A_98, %mul3A_99 : i32
      %add3A_101 = arith.constant 0 : i32
      %add3A_102 = arith.addi %mul3A_100, %add3A_101 : i32
      %dma_wait3A_103 = tpu.memref_slice %arg2[%mul3A_4] : memref<3211264xi32, #tpu.memory_space<hbm>> -> memref<784xi32, #tpu.memory_space<hbm>>
      %dma_wait3A_104 = tpu.memref_slice %arg2[%mul3A_4] : memref<3211264xi32, #tpu.memory_space<hbm>> -> memref<784xi32, #tpu.memory_space<hbm>>
      tpu.wait_dma2 semaphore(%arg17 : memref<!tpu.dma_semaphore, #tpu.memory_space<semaphore_mem>>) src(%dma_wait3A_104 : memref<784xi32, #tpu.memory_space<hbm>>) dst(%arg10 : memref<784xi32, #tpu.memory_space<vmem>>)
      %dma_wait3A_105 = tpu.memref_slice %arg3[%mul3A_4] : memref<3211264xi32, #tpu.memory_space<hbm>> -> memref<784xi32, #tpu.memory_space<hbm>>
      %dma_wait3A_106 = tpu.memref_slice %arg3[%mul3A_4] : memref<3211264xi32, #tpu.memory_space<hbm>> -> memref<784xi32, #tpu.memory_space<hbm>>
      tpu.wait_dma2 semaphore(%arg17 : memref<!tpu.dma_semaphore, #tpu.memory_space<semaphore_mem>>) src(%dma_wait3A_106 : memref<784xi32, #tpu.memory_space<hbm>>) dst(%arg12 : memref<784xi32, #tpu.memory_space<vmem>>)
      %dma_start3A_107 = arith.constant 0 : i32
      %dma_start3A_108 = arith.constant 0 : i32
      %dma_start3A_109 = tpu.memref_slice %arg7[%dma_start3A_107, %dma_start3A_108] : memref<100352x16xf32, #tpu.memory_space<hbm>> -> memref<100352x16xf32, #tpu.memory_space<hbm>>
      tpu.enqueue_indirect_dma source(%dma_start3A_109 : memref<100352x16xf32, #tpu.memory_space<hbm>>) target(%arg14 : memref<784x16xf32, #tpu.memory_space<vmem>>) offsets(%arg10 : memref<784xi32, #tpu.memory_space<vmem>>) semaphore(%arg18 : memref<!tpu.dma_semaphore, #tpu.memory_space<semaphore_mem>>)
      %gt3A = arith.constant 0 : i32
      %gt3A_110 = arith.cmpi sgt, %add3A_102, %gt3A : i32
      %convert_element_type3A_111 = arith.extui %gt3A_110 : i1 to i32
      %cond3A_112 = arith.constant 0 : i32
      %cond3A_113 = arith.cmpi ne, %convert_element_type3A_111, %cond3A_112 : i32
      scf.if %cond3A_113 {
        %dma_wait3A_155 = arith.constant 0 : i32
        %dma_wait3A_156 = arith.constant 0 : i32
        %dma_wait3A_157 = tpu.memref_slice %arg16[%dma_wait3A_155, %dma_wait3A_156] : memref<100016x16xf32, #tpu.memory_space<vmem_shared>> -> memref<100016x16xf32, #tpu.memory_space<vmem_shared>>
        tpu.wait_indirect_dma semaphore(%arg19 : memref<!tpu.dma_semaphore, #tpu.memory_space<semaphore_mem>>) src(%arg15 : memref<784x16xf32, #tpu.memory_space<vmem>>) dst(%dma_wait3A_157 : memref<100016x16xf32, #tpu.memory_space<vmem_shared>>)
      } else {
      }
      %add3A_114 = arith.constant 1 : i32
      %add3A_115 = arith.addi %add3A_102, %add3A_114 : i32
      %lt3A = arith.constant 128 : i32
      %lt3A_116 = arith.cmpi slt, %add3A_115, %lt3A : i32
      %convert_element_type3A_117 = arith.extui %lt3A_116 : i1 to i32
      %cond3A_118 = arith.constant 0 : i32
      %cond3A_119 = arith.cmpi ne, %convert_element_type3A_117, %cond3A_118 : i32
      scf.if %cond3A_119 {
        %add3A_155 = arith.constant 1 : i32
        %add3A_156 = arith.addi %add3A_102, %add3A_155 : i32
        %mul3A_157 = arith.constant 784 : i32
        %mul3A_158 = arith.muli %add3A_156, %mul3A_157 : i32
        %add3A_159 = arith.addi %mul3A_4, %mul3A_158 : i32
        %dma_start3A_160 = tpu.memref_slice %arg2[%add3A_159] : memref<3211264xi32, #tpu.memory_space<hbm>> -> memref<784xi32, #tpu.memory_space<hbm>>
        %dma_start3A_161 = tpu.memref_slice %arg2[%add3A_159] : memref<3211264xi32, #tpu.memory_space<hbm>> -> memref<784xi32, #tpu.memory_space<hbm>>
        tpu.enqueue_dma source(%dma_start3A_161 : memref<784xi32, #tpu.memory_space<hbm>>) target(%arg11 : memref<784xi32, #tpu.memory_space<vmem>>) target_semaphore(%arg17 : memref<!tpu.dma_semaphore, #tpu.memory_space<semaphore_mem>>)
        %mul3A_162 = arith.constant 784 : i32
        %mul3A_163 = arith.muli %add3A_156, %mul3A_162 : i32
        %add3A_164 = arith.addi %mul3A_4, %mul3A_163 : i32
        %dma_start3A_165 = tpu.memref_slice %arg3[%add3A_164] : memref<3211264xi32, #tpu.memory_space<hbm>> -> memref<784xi32, #tpu.memory_space<hbm>>
        %dma_start3A_166 = tpu.memref_slice %arg3[%add3A_164] : memref<3211264xi32, #tpu.memory_space<hbm>> -> memref<784xi32, #tpu.memory_space<hbm>>
        tpu.enqueue_dma source(%dma_start3A_166 : memref<784xi32, #tpu.memory_space<hbm>>) target(%arg13 : memref<784xi32, #tpu.memory_space<vmem>>) target_semaphore(%arg17 : memref<!tpu.dma_semaphore, #tpu.memory_space<semaphore_mem>>)
      } else {
      }
      %dma_wait3A_120 = arith.constant 0 : i32
      %dma_wait3A_121 = arith.constant 0 : i32
      %dma_wait3A_122 = tpu.memref_slice %arg7[%dma_wait3A_120, %dma_wait3A_121] : memref<100352x16xf32, #tpu.memory_space<hbm>> -> memref<100352x16xf32, #tpu.memory_space<hbm>>
      tpu.wait_indirect_dma semaphore(%arg18 : memref<!tpu.dma_semaphore, #tpu.memory_space<semaphore_mem>>) src(%dma_wait3A_122 : memref<100352x16xf32, #tpu.memory_space<hbm>>) dst(%arg14 : memref<784x16xf32, #tpu.memory_space<vmem>>)
      %dma_start3A_123 = arith.constant 0 : i32
      %dma_start3A_124 = arith.constant 0 : i32
      %dma_start3A_125 = tpu.memref_slice %arg16[%dma_start3A_123, %dma_start3A_124] : memref<100016x16xf32, #tpu.memory_space<vmem_shared>> -> memref<100016x16xf32, #tpu.memory_space<vmem_shared>>
      tpu.enqueue_indirect_dma source(%arg14 : memref<784x16xf32, #tpu.memory_space<vmem>>) target(%dma_start3A_125 : memref<100016x16xf32, #tpu.memory_space<vmem_shared>>) offsets(%arg12 : memref<784xi32, #tpu.memory_space<vmem>>) semaphore(%arg19 : memref<!tpu.dma_semaphore, #tpu.memory_space<semaphore_mem>>) {add = true}
      %mul3A_126 = arith.constant 2 : i32
      %mul3A_127 = arith.muli %scan3A_98, %mul3A_126 : i32
      %add3A_128 = arith.constant 1 : i32
      %add3A_129 = arith.addi %mul3A_127, %add3A_128 : i32
      %dma_wait3A_130 = tpu.memref_slice %arg2[%mul3A_4] : memref<3211264xi32, #tpu.memory_space<hbm>> -> memref<784xi32, #tpu.memory_space<hbm>>
      %dma_wait3A_131 = tpu.memref_slice %arg2[%mul3A_4] : memref<3211264xi32, #tpu.memory_space<hbm>> -> memref<784xi32, #tpu.memory_space<hbm>>
      tpu.wait_dma2 semaphore(%arg17 : memref<!tpu.dma_semaphore, #tpu.memory_space<semaphore_mem>>) src(%dma_wait3A_131 : memref<784xi32, #tpu.memory_space<hbm>>) dst(%arg11 : memref<784xi32, #tpu.memory_space<vmem>>)
      %dma_wait3A_132 = tpu.memref_slice %arg3[%mul3A_4] : memref<3211264xi32, #tpu.memory_space<hbm>> -> memref<784xi32, #tpu.memory_space<hbm>>
      %dma_wait3A_133 = tpu.memref_slice %arg3[%mul3A_4] : memref<3211264xi32, #tpu.memory_space<hbm>> -> memref<784xi32, #tpu.memory_space<hbm>>
      tpu.wait_dma2 semaphore(%arg17 : memref<!tpu.dma_semaphore, #tpu.memory_space<semaphore_mem>>) src(%dma_wait3A_133 : memref<784xi32, #tpu.memory_space<hbm>>) dst(%arg13 : memref<784xi32, #tpu.memory_space<vmem>>)
      %dma_start3A_134 = arith.constant 0 : i32
      %dma_start3A_135 = arith.constant 0 : i32
      %dma_start3A_136 = tpu.memref_slice %arg7[%dma_start3A_134, %dma_start3A_135] : memref<100352x16xf32, #tpu.memory_space<hbm>> -> memref<100352x16xf32, #tpu.memory_space<hbm>>
      tpu.enqueue_indirect_dma source(%dma_start3A_136 : memref<100352x16xf32, #tpu.memory_space<hbm>>) target(%arg15 : memref<784x16xf32, #tpu.memory_space<vmem>>) offsets(%arg11 : memref<784xi32, #tpu.memory_space<vmem>>) semaphore(%arg18 : memref<!tpu.dma_semaphore, #tpu.memory_space<semaphore_mem>>)
      %gt3A_137 = arith.constant 0 : i32
      %gt3A_138 = arith.cmpi sgt, %add3A_129, %gt3A_137 : i32
      %convert_element_type3A_139 = arith.extui %gt3A_138 : i1 to i32
      %cond3A_140 = arith.constant 0 : i32
      %cond3A_141 = arith.cmpi ne, %convert_element_type3A_139, %cond3A_140 : i32
      scf.if %cond3A_141 {
        %dma_wait3A_155 = arith.constant 0 : i32
        %dma_wait3A_156 = arith.constant 0 : i32
        %dma_wait3A_157 = tpu.memref_slice %arg16[%dma_wait3A_155, %dma_wait3A_156] : memref<100016x16xf32, #tpu.memory_space<vmem_shared>> -> memref<100016x16xf32, #tpu.memory_space<vmem_shared>>
        tpu.wait_indirect_dma semaphore(%arg19 : memref<!tpu.dma_semaphore, #tpu.memory_space<semaphore_mem>>) src(%arg14 : memref<784x16xf32, #tpu.memory_space<vmem>>) dst(%dma_wait3A_157 : memref<100016x16xf32, #tpu.memory_space<vmem_shared>>)
      } else {
      }
      %add3A_142 = arith.constant 1 : i32
      %add3A_143 = arith.addi %add3A_129, %add3A_142 : i32
      %lt3A_144 = arith.constant 128 : i32
      %lt3A_145 = arith.cmpi slt, %add3A_143, %lt3A_144 : i32
      %convert_element_type3A_146 = arith.extui %lt3A_145 : i1 to i32
      %cond3A_147 = arith.constant 0 : i32
      %cond3A_148 = arith.cmpi ne, %convert_element_type3A_146, %cond3A_147 : i32
      scf.if %cond3A_148 {
        %add3A_155 = arith.constant 1 : i32
        %add3A_156 = arith.addi %add3A_129, %add3A_155 : i32
        %mul3A_157 = arith.constant 784 : i32
        %mul3A_158 = arith.muli %add3A_156, %mul3A_157 : i32
        %add3A_159 = arith.addi %mul3A_4, %mul3A_158 : i32
        %dma_start3A_160 = tpu.memref_slice %arg2[%add3A_159] : memref<3211264xi32, #tpu.memory_space<hbm>> -> memref<784xi32, #tpu.memory_space<hbm>>
        %dma_start3A_161 = tpu.memref_slice %arg2[%add3A_159] : memref<3211264xi32, #tpu.memory_space<hbm>> -> memref<784xi32, #tpu.memory_space<hbm>>
        tpu.enqueue_dma source(%dma_start3A_161 : memref<784xi32, #tpu.memory_space<hbm>>) target(%arg10 : memref<784xi32, #tpu.memory_space<vmem>>) target_semaphore(%arg17 : memref<!tpu.dma_semaphore, #tpu.memory_space<semaphore_mem>>)
        %mul3A_162 = arith.constant 784 : i32
        %mul3A_163 = arith.muli %add3A_156, %mul3A_162 : i32
        %add3A_164 = arith.addi %mul3A_4, %mul3A_163 : i32
        %dma_start3A_165 = tpu.memref_slice %arg3[%add3A_164] : memref<3211264xi32, #tpu.memory_space<hbm>> -> memref<784xi32, #tpu.memory_space<hbm>>
        %dma_start3A_166 = tpu.memref_slice %arg3[%add3A_164] : memref<3211264xi32, #tpu.memory_space<hbm>> -> memref<784xi32, #tpu.memory_space<hbm>>
        tpu.enqueue_dma source(%dma_start3A_166 : memref<784xi32, #tpu.memory_space<hbm>>) target(%arg12 : memref<784xi32, #tpu.memory_space<vmem>>) target_semaphore(%arg17 : memref<!tpu.dma_semaphore, #tpu.memory_space<semaphore_mem>>)
      } else {
      }
      %dma_wait3A_149 = arith.constant 0 : i32
      %dma_wait3A_150 = arith.constant 0 : i32
      %dma_wait3A_151 = tpu.memref_slice %arg7[%dma_wait3A_149, %dma_wait3A_150] : memref<100352x16xf32, #tpu.memory_space<hbm>> -> memref<100352x16xf32, #tpu.memory_space<hbm>>
      tpu.wait_indirect_dma semaphore(%arg18 : memref<!tpu.dma_semaphore, #tpu.memory_space<semaphore_mem>>) src(%dma_wait3A_151 : memref<100352x16xf32, #tpu.memory_space<hbm>>) dst(%arg15 : memref<784x16xf32, #tpu.memory_space<vmem>>)
      %dma_start3A_152 = arith.constant 0 : i32
      %dma_start3A_153 = arith.constant 0 : i32
      %dma_start3A_154 = tpu.memref_slice %arg16[%dma_start3A_152, %dma_start3A_153] : memref<100016x16xf32, #tpu.memory_space<vmem_shared>> -> memref<100016x16xf32, #tpu.memory_space<vmem_shared>>
      tpu.enqueue_indirect_dma source(%arg15 : memref<784x16xf32, #tpu.memory_space<vmem>>) target(%dma_start3A_154 : memref<100016x16xf32, #tpu.memory_space<vmem_shared>>) offsets(%arg13 : memref<784xi32, #tpu.memory_space<vmem>>) semaphore(%arg19 : memref<!tpu.dma_semaphore, #tpu.memory_space<semaphore_mem>>) {add = true}
    }
    %scan3A_61 = arith.constant 64 : i32
    %dma_wait3A_62 = arith.constant 0 : i32
    %dma_wait3A_63 = arith.constant 0 : i32
    %dma_wait3A_64 = tpu.memref_slice %arg16[%dma_wait3A_62, %dma_wait3A_63] : memref<100016x16xf32, #tpu.memory_space<vmem_shared>> -> memref<100016x16xf32, #tpu.memory_space<vmem_shared>>
    tpu.wait_indirect_dma semaphore(%arg19 : memref<!tpu.dma_semaphore, #tpu.memory_space<semaphore_mem>>) src(%arg15 : memref<784x16xf32, #tpu.memory_space<vmem>>) dst(%dma_wait3A_64 : memref<100016x16xf32, #tpu.memory_space<vmem_shared>>)
    %barrier3A_65 = arith.constant 0 : index
    tpu.barrier barrier_id(%barrier3A_65)
    %run_scoped3A_66 = arith.constant 2 : i32
    "tpu.region"() ({
      %run_scoped3A_98 = tpu.sem_alloc : memref<!tpu.dma_semaphore, #tpu.memory_space<semaphore_mem>>
      %dma_start3A_99 = arith.constant 0 : i32
      %dma_start3A_100 = tpu.memref_slice %arg9[%arg0, %run_scoped3A_66, %mul3A_2, %dma_start3A_99] : memref<2x4x100352x16xf32, #tpu.memory_space<hbm>> -> memref<1x1x6251x16xf32, #tpu.memory_space<hbm>>
      %dma_start3A_101 = tpu.memref_squeeze %dma_start3A_100 : memref<1x1x6251x16xf32, #tpu.memory_space<hbm>> -> memref<6251x16xf32, #tpu.memory_space<hbm>>
      %dma_start3A_102 = arith.constant 0 : i32
      %dma_start3A_103 = tpu.memref_slice %arg16[%mul3A_2, %dma_start3A_102] : memref<100016x16xf32, #tpu.memory_space<vmem_shared>> -> memref<6251x16xf32, #tpu.memory_space<vmem_shared>>
      tpu.enqueue_dma source(%dma_start3A_103 : memref<6251x16xf32, #tpu.memory_space<vmem_shared>>) target(%dma_start3A_101 : memref<6251x16xf32, #tpu.memory_space<hbm>>) target_semaphore(%run_scoped3A_98 : memref<!tpu.dma_semaphore, #tpu.memory_space<semaphore_mem>>)
      %dma_wait3A_104 = arith.constant 0 : i32
      %dma_wait3A_105 = tpu.memref_slice %arg9[%arg0, %run_scoped3A_66, %mul3A_2, %dma_wait3A_104] : memref<2x4x100352x16xf32, #tpu.memory_space<hbm>> -> memref<1x1x6251x16xf32, #tpu.memory_space<hbm>>
      %dma_wait3A_106 = tpu.memref_squeeze %dma_wait3A_105 : memref<1x1x6251x16xf32, #tpu.memory_space<hbm>> -> memref<6251x16xf32, #tpu.memory_space<hbm>>
      %dma_wait3A_107 = arith.constant 0 : i32
      %dma_wait3A_108 = tpu.memref_slice %arg16[%mul3A_2, %dma_wait3A_107] : memref<100016x16xf32, #tpu.memory_space<vmem_shared>> -> memref<6251x16xf32, #tpu.memory_space<vmem_shared>>
      tpu.wait_dma2 semaphore(%run_scoped3A_98 : memref<!tpu.dma_semaphore, #tpu.memory_space<semaphore_mem>>) src(%dma_wait3A_108 : memref<6251x16xf32, #tpu.memory_space<vmem_shared>>) dst(%dma_wait3A_106 : memref<6251x16xf32, #tpu.memory_space<hbm>>)
      tpu.yield
    }) : () -> ()
    %eq3A_67 = arith.constant 0 : i32
    %eq3A_68 = arith.cmpi eq, %arg1, %eq3A_67 : i32
    %convert_element_type3A_69 = arith.extui %eq3A_68 : i1 to i32
    %cond3A_70 = arith.constant 0 : i32
    %cond3A_71 = arith.cmpi ne, %convert_element_type3A_69, %cond3A_70 : i32
    scf.if %cond3A_71 {
      %run_scoped3A_98 = arith.constant 2 : i32
      "tpu.region"() ({
        %run_scoped3A_99 = tpu.sem_alloc : memref<!tpu.dma_semaphore, #tpu.memory_space<semaphore_mem>>
        %dma_start3A_100 = arith.constant 100016 : i32
        %dma_start3A_101 = arith.constant 0 : i32
        %dma_start3A_102 = tpu.memref_slice %arg9[%arg0, %run_scoped3A_98, %dma_start3A_100, %dma_start3A_101] : memref<2x4x100352x16xf32, #tpu.memory_space<hbm>> -> memref<1x1x336x16xf32, #tpu.memory_space<hbm>>
        %dma_start3A_103 = tpu.memref_squeeze %dma_start3A_102 : memref<1x1x336x16xf32, #tpu.memory_space<hbm>> -> memref<336x16xf32, #tpu.memory_space<hbm>>
        %dma_start3A_104 = arith.constant 0 : i32
        %dma_start3A_105 = arith.constant 0 : i32
        %dma_start3A_106 = tpu.memref_slice %arg4[%dma_start3A_104, %dma_start3A_105] : memref<6251x16xf32, #tpu.memory_space<hbm>> -> memref<336x16xf32, #tpu.memory_space<hbm>>
        tpu.enqueue_dma source(%dma_start3A_106 : memref<336x16xf32, #tpu.memory_space<hbm>>) target(%dma_start3A_103 : memref<336x16xf32, #tpu.memory_space<hbm>>) target_semaphore(%run_scoped3A_99 : memref<!tpu.dma_semaphore, #tpu.memory_space<semaphore_mem>>)
        %dma_wait3A_107 = arith.constant 100016 : i32
        %dma_wait3A_108 = arith.constant 0 : i32
        %dma_wait3A_109 = tpu.memref_slice %arg9[%arg0, %run_scoped3A_98, %dma_wait3A_107, %dma_wait3A_108] : memref<2x4x100352x16xf32, #tpu.memory_space<hbm>> -> memref<1x1x336x16xf32, #tpu.memory_space<hbm>>
        %dma_wait3A_110 = tpu.memref_squeeze %dma_wait3A_109 : memref<1x1x336x16xf32, #tpu.memory_space<hbm>> -> memref<336x16xf32, #tpu.memory_space<hbm>>
        %dma_wait3A_111 = arith.constant 0 : i32
        %dma_wait3A_112 = arith.constant 0 : i32
        %dma_wait3A_113 = tpu.memref_slice %arg4[%dma_wait3A_111, %dma_wait3A_112] : memref<6251x16xf32, #tpu.memory_space<hbm>> -> memref<336x16xf32, #tpu.memory_space<hbm>>
        tpu.wait_dma2 semaphore(%run_scoped3A_99 : memref<!tpu.dma_semaphore, #tpu.memory_space<semaphore_mem>>) src(%dma_wait3A_113 : memref<336x16xf32, #tpu.memory_space<hbm>>) dst(%dma_wait3A_110 : memref<336x16xf32, #tpu.memory_space<hbm>>)
        tpu.yield
      }) : () -> ()
    } else {
    }
    "tpu.region"() ({
      %run_scoped3A_98 = tpu.sem_alloc : memref<!tpu.dma_semaphore, #tpu.memory_space<semaphore_mem>>
      %dma_start3A_99 = arith.constant 0 : i32
      %dma_start3A_100 = tpu.memref_slice %arg16[%mul3A_2, %dma_start3A_99] : memref<100016x16xf32, #tpu.memory_space<vmem_shared>> -> memref<6251x16xf32, #tpu.memory_space<vmem_shared>>
      tpu.enqueue_dma source(%arg4 : memref<6251x16xf32, #tpu.memory_space<hbm>>) target(%dma_start3A_100 : memref<6251x16xf32, #tpu.memory_space<vmem_shared>>) target_semaphore(%run_scoped3A_98 : memref<!tpu.dma_semaphore, #tpu.memory_space<semaphore_mem>>)
      %dma_wait3A_101 = arith.constant 0 : i32
      %dma_wait3A_102 = tpu.memref_slice %arg16[%mul3A_2, %dma_wait3A_101] : memref<100016x16xf32, #tpu.memory_space<vmem_shared>> -> memref<6251x16xf32, #tpu.memory_space<vmem_shared>>
      tpu.wait_dma2 semaphore(%run_scoped3A_98 : memref<!tpu.dma_semaphore, #tpu.memory_space<semaphore_mem>>) src(%arg4 : memref<6251x16xf32, #tpu.memory_space<hbm>>) dst(%dma_wait3A_102 : memref<6251x16xf32, #tpu.memory_space<vmem_shared>>)
      tpu.yield
    }) : () -> ()
    %barrier3A_72 = arith.constant 0 : index
    tpu.barrier barrier_id(%barrier3A_72)
    %add3A_73 = arith.constant 0 : i32
    %add3A_74 = arith.addi %mul3A_4, %add3A_73 : i32
    %dma_start3A_75 = tpu.memref_slice %arg2[%add3A_74] : memref<3211264xi32, #tpu.memory_space<hbm>> -> memref<784xi32, #tpu.memory_space<hbm>>
    %dma_start3A_76 = tpu.memref_slice %arg2[%add3A_74] : memref<3211264xi32, #tpu.memory_space<hbm>> -> memref<784xi32, #tpu.memory_space<hbm>>
    tpu.enqueue_dma source(%dma_start3A_76 : memref<784xi32, #tpu.memory_space<hbm>>) target(%arg10 : memref<784xi32, #tpu.memory_space<vmem>>) target_semaphore(%arg17 : memref<!tpu.dma_semaphore, #tpu.memory_space<semaphore_mem>>)
    %add3A_77 = arith.constant 0 : i32
    %add3A_78 = arith.addi %mul3A_4, %add3A_77 : i32
    %dma_start3A_79 = tpu.memref_slice %arg3[%add3A_78] : memref<3211264xi32, #tpu.memory_space<hbm>> -> memref<784xi32, #tpu.memory_space<hbm>>
    %dma_start3A_80 = tpu.memref_slice %arg3[%add3A_78] : memref<3211264xi32, #tpu.memory_space<hbm>> -> memref<784xi32, #tpu.memory_space<hbm>>
    tpu.enqueue_dma source(%dma_start3A_80 : memref<784xi32, #tpu.memory_space<hbm>>) target(%arg12 : memref<784xi32, #tpu.memory_space<vmem>>) target_semaphore(%arg17 : memref<!tpu.dma_semaphore, #tpu.memory_space<semaphore_mem>>)
    %scan3A_81 = arith.constant 0 : i32
    %scan3A_82 = arith.constant 0 : i32
    %scan3A_83 = arith.constant 64 : i32
    %scan3A_84 = arith.addi %scan3A_82, %scan3A_83 : i32
    %scan3A_85 = arith.constant 1 : i32
    scf.for %scan3A_98 = %scan3A_82 to %scan3A_84 step %scan3A_85  : i32 {
      %mul3A_99 = arith.constant 2 : i32
      %mul3A_100 = arith.muli %scan3A_98, %mul3A_99 : i32
      %add3A_101 = arith.constant 0 : i32
      %add3A_102 = arith.addi %mul3A_100, %add3A_101 : i32
      %dma_wait3A_103 = tpu.memref_slice %arg2[%mul3A_4] : memref<3211264xi32, #tpu.memory_space<hbm>> -> memref<784xi32, #tpu.memory_space<hbm>>
      %dma_wait3A_104 = tpu.memref_slice %arg2[%mul3A_4] : memref<3211264xi32, #tpu.memory_space<hbm>> -> memref<784xi32, #tpu.memory_space<hbm>>
      tpu.wait_dma2 semaphore(%arg17 : memref<!tpu.dma_semaphore, #tpu.memory_space<semaphore_mem>>) src(%dma_wait3A_104 : memref<784xi32, #tpu.memory_space<hbm>>) dst(%arg10 : memref<784xi32, #tpu.memory_space<vmem>>)
      %dma_wait3A_105 = tpu.memref_slice %arg3[%mul3A_4] : memref<3211264xi32, #tpu.memory_space<hbm>> -> memref<784xi32, #tpu.memory_space<hbm>>
      %dma_wait3A_106 = tpu.memref_slice %arg3[%mul3A_4] : memref<3211264xi32, #tpu.memory_space<hbm>> -> memref<784xi32, #tpu.memory_space<hbm>>
      tpu.wait_dma2 semaphore(%arg17 : memref<!tpu.dma_semaphore, #tpu.memory_space<semaphore_mem>>) src(%dma_wait3A_106 : memref<784xi32, #tpu.memory_space<hbm>>) dst(%arg12 : memref<784xi32, #tpu.memory_space<vmem>>)
      %dma_start3A_107 = arith.constant 0 : i32
      %dma_start3A_108 = arith.constant 0 : i32
      %dma_start3A_109 = tpu.memref_slice %arg8[%dma_start3A_107, %dma_start3A_108] : memref<100352x16xf32, #tpu.memory_space<hbm>> -> memref<100352x16xf32, #tpu.memory_space<hbm>>
      tpu.enqueue_indirect_dma source(%dma_start3A_109 : memref<100352x16xf32, #tpu.memory_space<hbm>>) target(%arg14 : memref<784x16xf32, #tpu.memory_space<vmem>>) offsets(%arg10 : memref<784xi32, #tpu.memory_space<vmem>>) semaphore(%arg18 : memref<!tpu.dma_semaphore, #tpu.memory_space<semaphore_mem>>)
      %gt3A = arith.constant 0 : i32
      %gt3A_110 = arith.cmpi sgt, %add3A_102, %gt3A : i32
      %convert_element_type3A_111 = arith.extui %gt3A_110 : i1 to i32
      %cond3A_112 = arith.constant 0 : i32
      %cond3A_113 = arith.cmpi ne, %convert_element_type3A_111, %cond3A_112 : i32
      scf.if %cond3A_113 {
        %dma_wait3A_155 = arith.constant 0 : i32
        %dma_wait3A_156 = arith.constant 0 : i32
        %dma_wait3A_157 = tpu.memref_slice %arg16[%dma_wait3A_155, %dma_wait3A_156] : memref<100016x16xf32, #tpu.memory_space<vmem_shared>> -> memref<100016x16xf32, #tpu.memory_space<vmem_shared>>
        tpu.wait_indirect_dma semaphore(%arg19 : memref<!tpu.dma_semaphore, #tpu.memory_space<semaphore_mem>>) src(%arg15 : memref<784x16xf32, #tpu.memory_space<vmem>>) dst(%dma_wait3A_157 : memref<100016x16xf32, #tpu.memory_space<vmem_shared>>)
      } else {
      }
      %add3A_114 = arith.constant 1 : i32
      %add3A_115 = arith.addi %add3A_102, %add3A_114 : i32
      %lt3A = arith.constant 128 : i32
      %lt3A_116 = arith.cmpi slt, %add3A_115, %lt3A : i32
      %convert_element_type3A_117 = arith.extui %lt3A_116 : i1 to i32
      %cond3A_118 = arith.constant 0 : i32
      %cond3A_119 = arith.cmpi ne, %convert_element_type3A_117, %cond3A_118 : i32
      scf.if %cond3A_119 {
        %add3A_155 = arith.constant 1 : i32
        %add3A_156 = arith.addi %add3A_102, %add3A_155 : i32
        %mul3A_157 = arith.constant 784 : i32
        %mul3A_158 = arith.muli %add3A_156, %mul3A_157 : i32
        %add3A_159 = arith.addi %mul3A_4, %mul3A_158 : i32
        %dma_start3A_160 = tpu.memref_slice %arg2[%add3A_159] : memref<3211264xi32, #tpu.memory_space<hbm>> -> memref<784xi32, #tpu.memory_space<hbm>>
        %dma_start3A_161 = tpu.memref_slice %arg2[%add3A_159] : memref<3211264xi32, #tpu.memory_space<hbm>> -> memref<784xi32, #tpu.memory_space<hbm>>
        tpu.enqueue_dma source(%dma_start3A_161 : memref<784xi32, #tpu.memory_space<hbm>>) target(%arg11 : memref<784xi32, #tpu.memory_space<vmem>>) target_semaphore(%arg17 : memref<!tpu.dma_semaphore, #tpu.memory_space<semaphore_mem>>)
        %mul3A_162 = arith.constant 784 : i32
        %mul3A_163 = arith.muli %add3A_156, %mul3A_162 : i32
        %add3A_164 = arith.addi %mul3A_4, %mul3A_163 : i32
        %dma_start3A_165 = tpu.memref_slice %arg3[%add3A_164] : memref<3211264xi32, #tpu.memory_space<hbm>> -> memref<784xi32, #tpu.memory_space<hbm>>
        %dma_start3A_166 = tpu.memref_slice %arg3[%add3A_164] : memref<3211264xi32, #tpu.memory_space<hbm>> -> memref<784xi32, #tpu.memory_space<hbm>>
        tpu.enqueue_dma source(%dma_start3A_166 : memref<784xi32, #tpu.memory_space<hbm>>) target(%arg13 : memref<784xi32, #tpu.memory_space<vmem>>) target_semaphore(%arg17 : memref<!tpu.dma_semaphore, #tpu.memory_space<semaphore_mem>>)
      } else {
      }
      %dma_wait3A_120 = arith.constant 0 : i32
      %dma_wait3A_121 = arith.constant 0 : i32
      %dma_wait3A_122 = tpu.memref_slice %arg8[%dma_wait3A_120, %dma_wait3A_121] : memref<100352x16xf32, #tpu.memory_space<hbm>> -> memref<100352x16xf32, #tpu.memory_space<hbm>>
      tpu.wait_indirect_dma semaphore(%arg18 : memref<!tpu.dma_semaphore, #tpu.memory_space<semaphore_mem>>) src(%dma_wait3A_122 : memref<100352x16xf32, #tpu.memory_space<hbm>>) dst(%arg14 : memref<784x16xf32, #tpu.memory_space<vmem>>)
      %dma_start3A_123 = arith.constant 0 : i32
      %dma_start3A_124 = arith.constant 0 : i32
      %dma_start3A_125 = tpu.memref_slice %arg16[%dma_start3A_123, %dma_start3A_124] : memref<100016x16xf32, #tpu.memory_space<vmem_shared>> -> memref<100016x16xf32, #tpu.memory_space<vmem_shared>>
      tpu.enqueue_indirect_dma source(%arg14 : memref<784x16xf32, #tpu.memory_space<vmem>>) target(%dma_start3A_125 : memref<100016x16xf32, #tpu.memory_space<vmem_shared>>) offsets(%arg12 : memref<784xi32, #tpu.memory_space<vmem>>) semaphore(%arg19 : memref<!tpu.dma_semaphore, #tpu.memory_space<semaphore_mem>>) {add = true}
      %mul3A_126 = arith.constant 2 : i32
      %mul3A_127 = arith.muli %scan3A_98, %mul3A_126 : i32
      %add3A_128 = arith.constant 1 : i32
      %add3A_129 = arith.addi %mul3A_127, %add3A_128 : i32
      %dma_wait3A_130 = tpu.memref_slice %arg2[%mul3A_4] : memref<3211264xi32, #tpu.memory_space<hbm>> -> memref<784xi32, #tpu.memory_space<hbm>>
      %dma_wait3A_131 = tpu.memref_slice %arg2[%mul3A_4] : memref<3211264xi32, #tpu.memory_space<hbm>> -> memref<784xi32, #tpu.memory_space<hbm>>
      tpu.wait_dma2 semaphore(%arg17 : memref<!tpu.dma_semaphore, #tpu.memory_space<semaphore_mem>>) src(%dma_wait3A_131 : memref<784xi32, #tpu.memory_space<hbm>>) dst(%arg11 : memref<784xi32, #tpu.memory_space<vmem>>)
      %dma_wait3A_132 = tpu.memref_slice %arg3[%mul3A_4] : memref<3211264xi32, #tpu.memory_space<hbm>> -> memref<784xi32, #tpu.memory_space<hbm>>
      %dma_wait3A_133 = tpu.memref_slice %arg3[%mul3A_4] : memref<3211264xi32, #tpu.memory_space<hbm>> -> memref<784xi32, #tpu.memory_space<hbm>>
      tpu.wait_dma2 semaphore(%arg17 : memref<!tpu.dma_semaphore, #tpu.memory_space<semaphore_mem>>) src(%dma_wait3A_133 : memref<784xi32, #tpu.memory_space<hbm>>) dst(%arg13 : memref<784xi32, #tpu.memory_space<vmem>>)
      %dma_start3A_134 = arith.constant 0 : i32
      %dma_start3A_135 = arith.constant 0 : i32
      %dma_start3A_136 = tpu.memref_slice %arg8[%dma_start3A_134, %dma_start3A_135] : memref<100352x16xf32, #tpu.memory_space<hbm>> -> memref<100352x16xf32, #tpu.memory_space<hbm>>
      tpu.enqueue_indirect_dma source(%dma_start3A_136 : memref<100352x16xf32, #tpu.memory_space<hbm>>) target(%arg15 : memref<784x16xf32, #tpu.memory_space<vmem>>) offsets(%arg11 : memref<784xi32, #tpu.memory_space<vmem>>) semaphore(%arg18 : memref<!tpu.dma_semaphore, #tpu.memory_space<semaphore_mem>>)
      %gt3A_137 = arith.constant 0 : i32
      %gt3A_138 = arith.cmpi sgt, %add3A_129, %gt3A_137 : i32
      %convert_element_type3A_139 = arith.extui %gt3A_138 : i1 to i32
      %cond3A_140 = arith.constant 0 : i32
      %cond3A_141 = arith.cmpi ne, %convert_element_type3A_139, %cond3A_140 : i32
      scf.if %cond3A_141 {
        %dma_wait3A_155 = arith.constant 0 : i32
        %dma_wait3A_156 = arith.constant 0 : i32
        %dma_wait3A_157 = tpu.memref_slice %arg16[%dma_wait3A_155, %dma_wait3A_156] : memref<100016x16xf32, #tpu.memory_space<vmem_shared>> -> memref<100016x16xf32, #tpu.memory_space<vmem_shared>>
        tpu.wait_indirect_dma semaphore(%arg19 : memref<!tpu.dma_semaphore, #tpu.memory_space<semaphore_mem>>) src(%arg14 : memref<784x16xf32, #tpu.memory_space<vmem>>) dst(%dma_wait3A_157 : memref<100016x16xf32, #tpu.memory_space<vmem_shared>>)
      } else {
      }
      %add3A_142 = arith.constant 1 : i32
      %add3A_143 = arith.addi %add3A_129, %add3A_142 : i32
      %lt3A_144 = arith.constant 128 : i32
      %lt3A_145 = arith.cmpi slt, %add3A_143, %lt3A_144 : i32
      %convert_element_type3A_146 = arith.extui %lt3A_145 : i1 to i32
      %cond3A_147 = arith.constant 0 : i32
      %cond3A_148 = arith.cmpi ne, %convert_element_type3A_146, %cond3A_147 : i32
      scf.if %cond3A_148 {
        %add3A_155 = arith.constant 1 : i32
        %add3A_156 = arith.addi %add3A_129, %add3A_155 : i32
        %mul3A_157 = arith.constant 784 : i32
        %mul3A_158 = arith.muli %add3A_156, %mul3A_157 : i32
        %add3A_159 = arith.addi %mul3A_4, %mul3A_158 : i32
        %dma_start3A_160 = tpu.memref_slice %arg2[%add3A_159] : memref<3211264xi32, #tpu.memory_space<hbm>> -> memref<784xi32, #tpu.memory_space<hbm>>
        %dma_start3A_161 = tpu.memref_slice %arg2[%add3A_159] : memref<3211264xi32, #tpu.memory_space<hbm>> -> memref<784xi32, #tpu.memory_space<hbm>>
        tpu.enqueue_dma source(%dma_start3A_161 : memref<784xi32, #tpu.memory_space<hbm>>) target(%arg10 : memref<784xi32, #tpu.memory_space<vmem>>) target_semaphore(%arg17 : memref<!tpu.dma_semaphore, #tpu.memory_space<semaphore_mem>>)
        %mul3A_162 = arith.constant 784 : i32
        %mul3A_163 = arith.muli %add3A_156, %mul3A_162 : i32
        %add3A_164 = arith.addi %mul3A_4, %mul3A_163 : i32
        %dma_start3A_165 = tpu.memref_slice %arg3[%add3A_164] : memref<3211264xi32, #tpu.memory_space<hbm>> -> memref<784xi32, #tpu.memory_space<hbm>>
        %dma_start3A_166 = tpu.memref_slice %arg3[%add3A_164] : memref<3211264xi32, #tpu.memory_space<hbm>> -> memref<784xi32, #tpu.memory_space<hbm>>
        tpu.enqueue_dma source(%dma_start3A_166 : memref<784xi32, #tpu.memory_space<hbm>>) target(%arg12 : memref<784xi32, #tpu.memory_space<vmem>>) target_semaphore(%arg17 : memref<!tpu.dma_semaphore, #tpu.memory_space<semaphore_mem>>)
      } else {
      }
      %dma_wait3A_149 = arith.constant 0 : i32
      %dma_wait3A_150 = arith.constant 0 : i32
      %dma_wait3A_151 = tpu.memref_slice %arg8[%dma_wait3A_149, %dma_wait3A_150] : memref<100352x16xf32, #tpu.memory_space<hbm>> -> memref<100352x16xf32, #tpu.memory_space<hbm>>
      tpu.wait_indirect_dma semaphore(%arg18 : memref<!tpu.dma_semaphore, #tpu.memory_space<semaphore_mem>>) src(%dma_wait3A_151 : memref<100352x16xf32, #tpu.memory_space<hbm>>) dst(%arg15 : memref<784x16xf32, #tpu.memory_space<vmem>>)
      %dma_start3A_152 = arith.constant 0 : i32
      %dma_start3A_153 = arith.constant 0 : i32
      %dma_start3A_154 = tpu.memref_slice %arg16[%dma_start3A_152, %dma_start3A_153] : memref<100016x16xf32, #tpu.memory_space<vmem_shared>> -> memref<100016x16xf32, #tpu.memory_space<vmem_shared>>
      tpu.enqueue_indirect_dma source(%arg15 : memref<784x16xf32, #tpu.memory_space<vmem>>) target(%dma_start3A_154 : memref<100016x16xf32, #tpu.memory_space<vmem_shared>>) offsets(%arg13 : memref<784xi32, #tpu.memory_space<vmem>>) semaphore(%arg19 : memref<!tpu.dma_semaphore, #tpu.memory_space<semaphore_mem>>) {add = true}
    }
    %scan3A_86 = arith.constant 64 : i32
    %dma_wait3A_87 = arith.constant 0 : i32
    %dma_wait3A_88 = arith.constant 0 : i32
    %dma_wait3A_89 = tpu.memref_slice %arg16[%dma_wait3A_87, %dma_wait3A_88] : memref<100016x16xf32, #tpu.memory_space<vmem_shared>> -> memref<100016x16xf32, #tpu.memory_space<vmem_shared>>
    tpu.wait_indirect_dma semaphore(%arg19 : memref<!tpu.dma_semaphore, #tpu.memory_space<semaphore_mem>>) src(%arg15 : memref<784x16xf32, #tpu.memory_space<vmem>>) dst(%dma_wait3A_89 : memref<100016x16xf32, #tpu.memory_space<vmem_shared>>)
    %barrier3A_90 = arith.constant 0 : index
    tpu.barrier barrier_id(%barrier3A_90)
    %run_scoped3A_91 = arith.constant 3 : i32
    "tpu.region"() ({
      %run_scoped3A_98 = tpu.sem_alloc : memref<!tpu.dma_semaphore, #tpu.memory_space<semaphore_mem>>
      %dma_start3A_99 = arith.constant 0 : i32
      %dma_start3A_100 = tpu.memref_slice %arg9[%arg0, %run_scoped3A_91, %mul3A_2, %dma_start3A_99] : memref<2x4x100352x16xf32, #tpu.memory_space<hbm>> -> memref<1x1x6251x16xf32, #tpu.memory_space<hbm>>
      %dma_start3A_101 = tpu.memref_squeeze %dma_start3A_100 : memref<1x1x6251x16xf32, #tpu.memory_space<hbm>> -> memref<6251x16xf32, #tpu.memory_space<hbm>>
      %dma_start3A_102 = arith.constant 0 : i32
      %dma_start3A_103 = tpu.memref_slice %arg16[%mul3A_2, %dma_start3A_102] : memref<100016x16xf32, #tpu.memory_space<vmem_shared>> -> memref<6251x16xf32, #tpu.memory_space<vmem_shared>>
      tpu.enqueue_dma source(%dma_start3A_103 : memref<6251x16xf32, #tpu.memory_space<vmem_shared>>) target(%dma_start3A_101 : memref<6251x16xf32, #tpu.memory_space<hbm>>) target_semaphore(%run_scoped3A_98 : memref<!tpu.dma_semaphore, #tpu.memory_space<semaphore_mem>>)
      %dma_wait3A_104 = arith.constant 0 : i32
      %dma_wait3A_105 = tpu.memref_slice %arg9[%arg0, %run_scoped3A_91, %mul3A_2, %dma_wait3A_104] : memref<2x4x100352x16xf32, #tpu.memory_space<hbm>> -> memref<1x1x6251x16xf32, #tpu.memory_space<hbm>>
      %dma_wait3A_106 = tpu.memref_squeeze %dma_wait3A_105 : memref<1x1x6251x16xf32, #tpu.memory_space<hbm>> -> memref<6251x16xf32, #tpu.memory_space<hbm>>
      %dma_wait3A_107 = arith.constant 0 : i32
      %dma_wait3A_108 = tpu.memref_slice %arg16[%mul3A_2, %dma_wait3A_107] : memref<100016x16xf32, #tpu.memory_space<vmem_shared>> -> memref<6251x16xf32, #tpu.memory_space<vmem_shared>>
      tpu.wait_dma2 semaphore(%run_scoped3A_98 : memref<!tpu.dma_semaphore, #tpu.memory_space<semaphore_mem>>) src(%dma_wait3A_108 : memref<6251x16xf32, #tpu.memory_space<vmem_shared>>) dst(%dma_wait3A_106 : memref<6251x16xf32, #tpu.memory_space<hbm>>)
      tpu.yield
    }) : () -> ()
    %eq3A_92 = arith.constant 0 : i32
    %eq3A_93 = arith.cmpi eq, %arg1, %eq3A_92 : i32
    %convert_element_type3A_94 = arith.extui %eq3A_93 : i1 to i32
    %cond3A_95 = arith.constant 0 : i32
    %cond3A_96 = arith.cmpi ne, %convert_element_type3A_94, %cond3A_95 : i32
    scf.if %cond3A_96 {
      %run_scoped3A_98 = arith.constant 3 : i32
      "tpu.region"() ({
        %run_scoped3A_99 = tpu.sem_alloc : memref<!tpu.dma_semaphore, #tpu.memory_space<semaphore_mem>>
        %dma_start3A_100 = arith.constant 100016 : i32
        %dma_start3A_101 = arith.constant 0 : i32
        %dma_start3A_102 = tpu.memref_slice %arg9[%arg0, %run_scoped3A_98, %dma_start3A_100, %dma_start3A_101] : memref<2x4x100352x16xf32, #tpu.memory_space<hbm>> -> memref<1x1x336x16xf32, #tpu.memory_space<hbm>>
        %dma_start3A_103 = tpu.memref_squeeze %dma_start3A_102 : memref<1x1x336x16xf32, #tpu.memory_space<hbm>> -> memref<336x16xf32, #tpu.memory_space<hbm>>
        %dma_start3A_104 = arith.constant 0 : i32
        %dma_start3A_105 = arith.constant 0 : i32
        %dma_start3A_106 = tpu.memref_slice %arg4[%dma_start3A_104, %dma_start3A_105] : memref<6251x16xf32, #tpu.memory_space<hbm>> -> memref<336x16xf32, #tpu.memory_space<hbm>>
        tpu.enqueue_dma source(%dma_start3A_106 : memref<336x16xf32, #tpu.memory_space<hbm>>) target(%dma_start3A_103 : memref<336x16xf32, #tpu.memory_space<hbm>>) target_semaphore(%run_scoped3A_99 : memref<!tpu.dma_semaphore, #tpu.memory_space<semaphore_mem>>)
        %dma_wait3A_107 = arith.constant 100016 : i32
        %dma_wait3A_108 = arith.constant 0 : i32
        %dma_wait3A_109 = tpu.memref_slice %arg9[%arg0, %run_scoped3A_98, %dma_wait3A_107, %dma_wait3A_108] : memref<2x4x100352x16xf32, #tpu.memory_space<hbm>> -> memref<1x1x336x16xf32, #tpu.memory_space<hbm>>
        %dma_wait3A_110 = tpu.memref_squeeze %dma_wait3A_109 : memref<1x1x336x16xf32, #tpu.memory_space<hbm>> -> memref<336x16xf32, #tpu.memory_space<hbm>>
        %dma_wait3A_111 = arith.constant 0 : i32
        %dma_wait3A_112 = arith.constant 0 : i32
        %dma_wait3A_113 = tpu.memref_slice %arg4[%dma_wait3A_111, %dma_wait3A_112] : memref<6251x16xf32, #tpu.memory_space<hbm>> -> memref<336x16xf32, #tpu.memory_space<hbm>>
        tpu.wait_dma2 semaphore(%run_scoped3A_99 : memref<!tpu.dma_semaphore, #tpu.memory_space<semaphore_mem>>) src(%dma_wait3A_113 : memref<336x16xf32, #tpu.memory_space<hbm>>) dst(%dma_wait3A_110 : memref<336x16xf32, #tpu.memory_space<hbm>>)
        tpu.yield
      }) : () -> ()
    } else {
    }
    %barrier3A_97 = arith.constant 0 : index
    tpu.barrier barrier_id(%barrier3A_97)
    return
  }
}

#map = affine_map<(d0, d1) -> (0)>
#map1 = affine_map<(d0, d1) -> (0, 0)>
#map2 = affine_map<(d0, d1) -> (0, 0, 0, 0)>
module attributes {stable_mosaic.version = 14 : i64} {
  func.func @agg(%arg0: i32, %arg1: i32, %arg2: memref<3211264xi32, #tpu.memory_space<hbm>>, %arg3: memref<3211264xi32, #tpu.memory_space<hbm>>, %arg4: memref<6251x16xf32, #tpu.memory_space<hbm>>, %arg5: memref<100352x16xf32, #tpu.memory_space<hbm>>, %arg6: memref<2x1x100352x16xf32, #tpu.memory_space<hbm>>, %arg7: memref<784xi32, #tpu.memory_space<vmem>>, %arg8: memref<784xi32, #tpu.memory_space<vmem>>, %arg9: memref<784xi32, #tpu.memory_space<vmem>>, %arg10: memref<784xi32, #tpu.memory_space<vmem>>, %arg11: memref<784x16xf32, #tpu.memory_space<vmem>>, %arg12: memref<784x16xf32, #tpu.memory_space<vmem>>, %arg13: memref<100016x16xf32, #tpu.memory_space<vmem_shared>>, %arg14: memref<!tpu.dma_semaphore, #tpu.memory_space<semaphore_mem>>, %arg15: memref<!tpu.dma_semaphore, #tpu.memory_space<semaphore_mem>>, %arg16: memref<!tpu.dma_semaphore, #tpu.memory_space<semaphore_mem>>) attributes {dimension_semantics = [#tpu.dimension_semantics<core_parallel>, #tpu.dimension_semantics<subcore_parallel>], iteration_bounds = array<i64: 2, 16>, scalar_prefetch = 0 : i64, scratch_operands = 10 : i64, tpu.core_type = #tpu.core_type<sc_vector_subcore>, window_params = [{transform_indices = #map}, {transform_indices = #map}, {transform_indices = #map1}, {transform_indices = #map1}, {transform_indices = #map2}]} {
    %mul3A = arith.constant 16 : i32
    %mul3A_0 = arith.muli %arg0, %mul3A : i32
    %add3A = arith.addi %mul3A_0, %arg1 : i32
    %mul3A_1 = arith.constant 6251 : i32
    %mul3A_2 = arith.muli %arg1, %mul3A_1 : i32
    %mul3A_3 = arith.constant 100352 : i32
    %mul3A_4 = arith.muli %add3A, %mul3A_3 : i32
    "tpu.region"() ({
      %run_scoped3A_23 = tpu.sem_alloc : memref<!tpu.dma_semaphore, #tpu.memory_space<semaphore_mem>>
      %dma_start3A_24 = arith.constant 0 : i32
      %dma_start3A_25 = tpu.memref_slice %arg13[%mul3A_2, %dma_start3A_24] : memref<100016x16xf32, #tpu.memory_space<vmem_shared>> -> memref<6251x16xf32, #tpu.memory_space<vmem_shared>>
      tpu.enqueue_dma source(%arg4 : memref<6251x16xf32, #tpu.memory_space<hbm>>) target(%dma_start3A_25 : memref<6251x16xf32, #tpu.memory_space<vmem_shared>>) target_semaphore(%run_scoped3A_23 : memref<!tpu.dma_semaphore, #tpu.memory_space<semaphore_mem>>)
      %dma_wait3A_26 = arith.constant 0 : i32
      %dma_wait3A_27 = tpu.memref_slice %arg13[%mul3A_2, %dma_wait3A_26] : memref<100016x16xf32, #tpu.memory_space<vmem_shared>> -> memref<6251x16xf32, #tpu.memory_space<vmem_shared>>
      tpu.wait_dma2 semaphore(%run_scoped3A_23 : memref<!tpu.dma_semaphore, #tpu.memory_space<semaphore_mem>>) src(%arg4 : memref<6251x16xf32, #tpu.memory_space<hbm>>) dst(%dma_wait3A_27 : memref<6251x16xf32, #tpu.memory_space<vmem_shared>>)
      tpu.yield
    }) : () -> ()
    %barrier3A = arith.constant 0 : index
    tpu.barrier barrier_id(%barrier3A)
    %add3A_5 = arith.constant 0 : i32
    %add3A_6 = arith.addi %mul3A_4, %add3A_5 : i32
    %dma_start3A = tpu.memref_slice %arg2[%add3A_6] : memref<3211264xi32, #tpu.memory_space<hbm>> -> memref<784xi32, #tpu.memory_space<hbm>>
    %dma_start3A_7 = tpu.memref_slice %arg2[%add3A_6] : memref<3211264xi32, #tpu.memory_space<hbm>> -> memref<784xi32, #tpu.memory_space<hbm>>
    tpu.enqueue_dma source(%dma_start3A_7 : memref<784xi32, #tpu.memory_space<hbm>>) target(%arg7 : memref<784xi32, #tpu.memory_space<vmem>>) target_semaphore(%arg14 : memref<!tpu.dma_semaphore, #tpu.memory_space<semaphore_mem>>)
    %add3A_8 = arith.constant 0 : i32
    %add3A_9 = arith.addi %mul3A_4, %add3A_8 : i32
    %dma_start3A_10 = tpu.memref_slice %arg3[%add3A_9] : memref<3211264xi32, #tpu.memory_space<hbm>> -> memref<784xi32, #tpu.memory_space<hbm>>
    %dma_start3A_11 = tpu.memref_slice %arg3[%add3A_9] : memref<3211264xi32, #tpu.memory_space<hbm>> -> memref<784xi32, #tpu.memory_space<hbm>>
    tpu.enqueue_dma source(%dma_start3A_11 : memref<784xi32, #tpu.memory_space<hbm>>) target(%arg9 : memref<784xi32, #tpu.memory_space<vmem>>) target_semaphore(%arg14 : memref<!tpu.dma_semaphore, #tpu.memory_space<semaphore_mem>>)
    %scan3A = arith.constant 0 : i32
    %scan3A_12 = arith.constant 0 : i32
    %scan3A_13 = arith.constant 64 : i32
    %scan3A_14 = arith.addi %scan3A_12, %scan3A_13 : i32
    %scan3A_15 = arith.constant 1 : i32
    scf.for %scan3A_23 = %scan3A_12 to %scan3A_14 step %scan3A_15  : i32 {
      %mul3A_24 = arith.constant 2 : i32
      %mul3A_25 = arith.muli %scan3A_23, %mul3A_24 : i32
      %add3A_26 = arith.constant 0 : i32
      %add3A_27 = arith.addi %mul3A_25, %add3A_26 : i32
      %dma_wait3A_28 = tpu.memref_slice %arg2[%mul3A_4] : memref<3211264xi32, #tpu.memory_space<hbm>> -> memref<784xi32, #tpu.memory_space<hbm>>
      %dma_wait3A_29 = tpu.memref_slice %arg2[%mul3A_4] : memref<3211264xi32, #tpu.memory_space<hbm>> -> memref<784xi32, #tpu.memory_space<hbm>>
      tpu.wait_dma2 semaphore(%arg14 : memref<!tpu.dma_semaphore, #tpu.memory_space<semaphore_mem>>) src(%dma_wait3A_29 : memref<784xi32, #tpu.memory_space<hbm>>) dst(%arg7 : memref<784xi32, #tpu.memory_space<vmem>>)
      %dma_wait3A_30 = tpu.memref_slice %arg3[%mul3A_4] : memref<3211264xi32, #tpu.memory_space<hbm>> -> memref<784xi32, #tpu.memory_space<hbm>>
      %dma_wait3A_31 = tpu.memref_slice %arg3[%mul3A_4] : memref<3211264xi32, #tpu.memory_space<hbm>> -> memref<784xi32, #tpu.memory_space<hbm>>
      tpu.wait_dma2 semaphore(%arg14 : memref<!tpu.dma_semaphore, #tpu.memory_space<semaphore_mem>>) src(%dma_wait3A_31 : memref<784xi32, #tpu.memory_space<hbm>>) dst(%arg9 : memref<784xi32, #tpu.memory_space<vmem>>)
      %dma_start3A_32 = arith.constant 0 : i32
      %dma_start3A_33 = arith.constant 0 : i32
      %dma_start3A_34 = tpu.memref_slice %arg5[%dma_start3A_32, %dma_start3A_33] : memref<100352x16xf32, #tpu.memory_space<hbm>> -> memref<100352x16xf32, #tpu.memory_space<hbm>>
      tpu.enqueue_indirect_dma source(%dma_start3A_34 : memref<100352x16xf32, #tpu.memory_space<hbm>>) target(%arg11 : memref<784x16xf32, #tpu.memory_space<vmem>>) offsets(%arg7 : memref<784xi32, #tpu.memory_space<vmem>>) semaphore(%arg15 : memref<!tpu.dma_semaphore, #tpu.memory_space<semaphore_mem>>)
      %gt3A = arith.constant 0 : i32
      %gt3A_35 = arith.cmpi sgt, %add3A_27, %gt3A : i32
      %convert_element_type3A_36 = arith.extui %gt3A_35 : i1 to i32
      %cond3A_37 = arith.constant 0 : i32
      %cond3A_38 = arith.cmpi ne, %convert_element_type3A_36, %cond3A_37 : i32
      scf.if %cond3A_38 {
        %dma_wait3A_80 = arith.constant 0 : i32
        %dma_wait3A_81 = arith.constant 0 : i32
        %dma_wait3A_82 = tpu.memref_slice %arg13[%dma_wait3A_80, %dma_wait3A_81] : memref<100016x16xf32, #tpu.memory_space<vmem_shared>> -> memref<100016x16xf32, #tpu.memory_space<vmem_shared>>
        tpu.wait_indirect_dma semaphore(%arg16 : memref<!tpu.dma_semaphore, #tpu.memory_space<semaphore_mem>>) src(%arg12 : memref<784x16xf32, #tpu.memory_space<vmem>>) dst(%dma_wait3A_82 : memref<100016x16xf32, #tpu.memory_space<vmem_shared>>)
      } else {
      }
      %add3A_39 = arith.constant 1 : i32
      %add3A_40 = arith.addi %add3A_27, %add3A_39 : i32
      %lt3A = arith.constant 128 : i32
      %lt3A_41 = arith.cmpi slt, %add3A_40, %lt3A : i32
      %convert_element_type3A_42 = arith.extui %lt3A_41 : i1 to i32
      %cond3A_43 = arith.constant 0 : i32
      %cond3A_44 = arith.cmpi ne, %convert_element_type3A_42, %cond3A_43 : i32
      scf.if %cond3A_44 {
        %add3A_80 = arith.constant 1 : i32
        %add3A_81 = arith.addi %add3A_27, %add3A_80 : i32
        %mul3A_82 = arith.constant 784 : i32
        %mul3A_83 = arith.muli %add3A_81, %mul3A_82 : i32
        %add3A_84 = arith.addi %mul3A_4, %mul3A_83 : i32
        %dma_start3A_85 = tpu.memref_slice %arg2[%add3A_84] : memref<3211264xi32, #tpu.memory_space<hbm>> -> memref<784xi32, #tpu.memory_space<hbm>>
        %dma_start3A_86 = tpu.memref_slice %arg2[%add3A_84] : memref<3211264xi32, #tpu.memory_space<hbm>> -> memref<784xi32, #tpu.memory_space<hbm>>
        tpu.enqueue_dma source(%dma_start3A_86 : memref<784xi32, #tpu.memory_space<hbm>>) target(%arg8 : memref<784xi32, #tpu.memory_space<vmem>>) target_semaphore(%arg14 : memref<!tpu.dma_semaphore, #tpu.memory_space<semaphore_mem>>)
        %mul3A_87 = arith.constant 784 : i32
        %mul3A_88 = arith.muli %add3A_81, %mul3A_87 : i32
        %add3A_89 = arith.addi %mul3A_4, %mul3A_88 : i32
        %dma_start3A_90 = tpu.memref_slice %arg3[%add3A_89] : memref<3211264xi32, #tpu.memory_space<hbm>> -> memref<784xi32, #tpu.memory_space<hbm>>
        %dma_start3A_91 = tpu.memref_slice %arg3[%add3A_89] : memref<3211264xi32, #tpu.memory_space<hbm>> -> memref<784xi32, #tpu.memory_space<hbm>>
        tpu.enqueue_dma source(%dma_start3A_91 : memref<784xi32, #tpu.memory_space<hbm>>) target(%arg10 : memref<784xi32, #tpu.memory_space<vmem>>) target_semaphore(%arg14 : memref<!tpu.dma_semaphore, #tpu.memory_space<semaphore_mem>>)
      } else {
      }
      %dma_wait3A_45 = arith.constant 0 : i32
      %dma_wait3A_46 = arith.constant 0 : i32
      %dma_wait3A_47 = tpu.memref_slice %arg5[%dma_wait3A_45, %dma_wait3A_46] : memref<100352x16xf32, #tpu.memory_space<hbm>> -> memref<100352x16xf32, #tpu.memory_space<hbm>>
      tpu.wait_indirect_dma semaphore(%arg15 : memref<!tpu.dma_semaphore, #tpu.memory_space<semaphore_mem>>) src(%dma_wait3A_47 : memref<100352x16xf32, #tpu.memory_space<hbm>>) dst(%arg11 : memref<784x16xf32, #tpu.memory_space<vmem>>)
      %dma_start3A_48 = arith.constant 0 : i32
      %dma_start3A_49 = arith.constant 0 : i32
      %dma_start3A_50 = tpu.memref_slice %arg13[%dma_start3A_48, %dma_start3A_49] : memref<100016x16xf32, #tpu.memory_space<vmem_shared>> -> memref<100016x16xf32, #tpu.memory_space<vmem_shared>>
      tpu.enqueue_indirect_dma source(%arg11 : memref<784x16xf32, #tpu.memory_space<vmem>>) target(%dma_start3A_50 : memref<100016x16xf32, #tpu.memory_space<vmem_shared>>) offsets(%arg9 : memref<784xi32, #tpu.memory_space<vmem>>) semaphore(%arg16 : memref<!tpu.dma_semaphore, #tpu.memory_space<semaphore_mem>>) {add = true}
      %mul3A_51 = arith.constant 2 : i32
      %mul3A_52 = arith.muli %scan3A_23, %mul3A_51 : i32
      %add3A_53 = arith.constant 1 : i32
      %add3A_54 = arith.addi %mul3A_52, %add3A_53 : i32
      %dma_wait3A_55 = tpu.memref_slice %arg2[%mul3A_4] : memref<3211264xi32, #tpu.memory_space<hbm>> -> memref<784xi32, #tpu.memory_space<hbm>>
      %dma_wait3A_56 = tpu.memref_slice %arg2[%mul3A_4] : memref<3211264xi32, #tpu.memory_space<hbm>> -> memref<784xi32, #tpu.memory_space<hbm>>
      tpu.wait_dma2 semaphore(%arg14 : memref<!tpu.dma_semaphore, #tpu.memory_space<semaphore_mem>>) src(%dma_wait3A_56 : memref<784xi32, #tpu.memory_space<hbm>>) dst(%arg8 : memref<784xi32, #tpu.memory_space<vmem>>)
      %dma_wait3A_57 = tpu.memref_slice %arg3[%mul3A_4] : memref<3211264xi32, #tpu.memory_space<hbm>> -> memref<784xi32, #tpu.memory_space<hbm>>
      %dma_wait3A_58 = tpu.memref_slice %arg3[%mul3A_4] : memref<3211264xi32, #tpu.memory_space<hbm>> -> memref<784xi32, #tpu.memory_space<hbm>>
      tpu.wait_dma2 semaphore(%arg14 : memref<!tpu.dma_semaphore, #tpu.memory_space<semaphore_mem>>) src(%dma_wait3A_58 : memref<784xi32, #tpu.memory_space<hbm>>) dst(%arg10 : memref<784xi32, #tpu.memory_space<vmem>>)
      %dma_start3A_59 = arith.constant 0 : i32
      %dma_start3A_60 = arith.constant 0 : i32
      %dma_start3A_61 = tpu.memref_slice %arg5[%dma_start3A_59, %dma_start3A_60] : memref<100352x16xf32, #tpu.memory_space<hbm>> -> memref<100352x16xf32, #tpu.memory_space<hbm>>
      tpu.enqueue_indirect_dma source(%dma_start3A_61 : memref<100352x16xf32, #tpu.memory_space<hbm>>) target(%arg12 : memref<784x16xf32, #tpu.memory_space<vmem>>) offsets(%arg8 : memref<784xi32, #tpu.memory_space<vmem>>) semaphore(%arg15 : memref<!tpu.dma_semaphore, #tpu.memory_space<semaphore_mem>>)
      %gt3A_62 = arith.constant 0 : i32
      %gt3A_63 = arith.cmpi sgt, %add3A_54, %gt3A_62 : i32
      %convert_element_type3A_64 = arith.extui %gt3A_63 : i1 to i32
      %cond3A_65 = arith.constant 0 : i32
      %cond3A_66 = arith.cmpi ne, %convert_element_type3A_64, %cond3A_65 : i32
      scf.if %cond3A_66 {
        %dma_wait3A_80 = arith.constant 0 : i32
        %dma_wait3A_81 = arith.constant 0 : i32
        %dma_wait3A_82 = tpu.memref_slice %arg13[%dma_wait3A_80, %dma_wait3A_81] : memref<100016x16xf32, #tpu.memory_space<vmem_shared>> -> memref<100016x16xf32, #tpu.memory_space<vmem_shared>>
        tpu.wait_indirect_dma semaphore(%arg16 : memref<!tpu.dma_semaphore, #tpu.memory_space<semaphore_mem>>) src(%arg11 : memref<784x16xf32, #tpu.memory_space<vmem>>) dst(%dma_wait3A_82 : memref<100016x16xf32, #tpu.memory_space<vmem_shared>>)
      } else {
      }
      %add3A_67 = arith.constant 1 : i32
      %add3A_68 = arith.addi %add3A_54, %add3A_67 : i32
      %lt3A_69 = arith.constant 128 : i32
      %lt3A_70 = arith.cmpi slt, %add3A_68, %lt3A_69 : i32
      %convert_element_type3A_71 = arith.extui %lt3A_70 : i1 to i32
      %cond3A_72 = arith.constant 0 : i32
      %cond3A_73 = arith.cmpi ne, %convert_element_type3A_71, %cond3A_72 : i32
      scf.if %cond3A_73 {
        %add3A_80 = arith.constant 1 : i32
        %add3A_81 = arith.addi %add3A_54, %add3A_80 : i32
        %mul3A_82 = arith.constant 784 : i32
        %mul3A_83 = arith.muli %add3A_81, %mul3A_82 : i32
        %add3A_84 = arith.addi %mul3A_4, %mul3A_83 : i32
        %dma_start3A_85 = tpu.memref_slice %arg2[%add3A_84] : memref<3211264xi32, #tpu.memory_space<hbm>> -> memref<784xi32, #tpu.memory_space<hbm>>
        %dma_start3A_86 = tpu.memref_slice %arg2[%add3A_84] : memref<3211264xi32, #tpu.memory_space<hbm>> -> memref<784xi32, #tpu.memory_space<hbm>>
        tpu.enqueue_dma source(%dma_start3A_86 : memref<784xi32, #tpu.memory_space<hbm>>) target(%arg7 : memref<784xi32, #tpu.memory_space<vmem>>) target_semaphore(%arg14 : memref<!tpu.dma_semaphore, #tpu.memory_space<semaphore_mem>>)
        %mul3A_87 = arith.constant 784 : i32
        %mul3A_88 = arith.muli %add3A_81, %mul3A_87 : i32
        %add3A_89 = arith.addi %mul3A_4, %mul3A_88 : i32
        %dma_start3A_90 = tpu.memref_slice %arg3[%add3A_89] : memref<3211264xi32, #tpu.memory_space<hbm>> -> memref<784xi32, #tpu.memory_space<hbm>>
        %dma_start3A_91 = tpu.memref_slice %arg3[%add3A_89] : memref<3211264xi32, #tpu.memory_space<hbm>> -> memref<784xi32, #tpu.memory_space<hbm>>
        tpu.enqueue_dma source(%dma_start3A_91 : memref<784xi32, #tpu.memory_space<hbm>>) target(%arg9 : memref<784xi32, #tpu.memory_space<vmem>>) target_semaphore(%arg14 : memref<!tpu.dma_semaphore, #tpu.memory_space<semaphore_mem>>)
      } else {
      }
      %dma_wait3A_74 = arith.constant 0 : i32
      %dma_wait3A_75 = arith.constant 0 : i32
      %dma_wait3A_76 = tpu.memref_slice %arg5[%dma_wait3A_74, %dma_wait3A_75] : memref<100352x16xf32, #tpu.memory_space<hbm>> -> memref<100352x16xf32, #tpu.memory_space<hbm>>
      tpu.wait_indirect_dma semaphore(%arg15 : memref<!tpu.dma_semaphore, #tpu.memory_space<semaphore_mem>>) src(%dma_wait3A_76 : memref<100352x16xf32, #tpu.memory_space<hbm>>) dst(%arg12 : memref<784x16xf32, #tpu.memory_space<vmem>>)
      %dma_start3A_77 = arith.constant 0 : i32
      %dma_start3A_78 = arith.constant 0 : i32
      %dma_start3A_79 = tpu.memref_slice %arg13[%dma_start3A_77, %dma_start3A_78] : memref<100016x16xf32, #tpu.memory_space<vmem_shared>> -> memref<100016x16xf32, #tpu.memory_space<vmem_shared>>
      tpu.enqueue_indirect_dma source(%arg12 : memref<784x16xf32, #tpu.memory_space<vmem>>) target(%dma_start3A_79 : memref<100016x16xf32, #tpu.memory_space<vmem_shared>>) offsets(%arg10 : memref<784xi32, #tpu.memory_space<vmem>>) semaphore(%arg16 : memref<!tpu.dma_semaphore, #tpu.memory_space<semaphore_mem>>) {add = true}
    }
    %scan3A_16 = arith.constant 64 : i32
    %dma_wait3A = arith.constant 0 : i32
    %dma_wait3A_17 = arith.constant 0 : i32
    %dma_wait3A_18 = tpu.memref_slice %arg13[%dma_wait3A, %dma_wait3A_17] : memref<100016x16xf32, #tpu.memory_space<vmem_shared>> -> memref<100016x16xf32, #tpu.memory_space<vmem_shared>>
    tpu.wait_indirect_dma semaphore(%arg16 : memref<!tpu.dma_semaphore, #tpu.memory_space<semaphore_mem>>) src(%arg12 : memref<784x16xf32, #tpu.memory_space<vmem>>) dst(%dma_wait3A_18 : memref<100016x16xf32, #tpu.memory_space<vmem_shared>>)
    %barrier3A_19 = arith.constant 0 : index
    tpu.barrier barrier_id(%barrier3A_19)
    %run_scoped3A = arith.constant 0 : i32
    "tpu.region"() ({
      %run_scoped3A_23 = tpu.sem_alloc : memref<!tpu.dma_semaphore, #tpu.memory_space<semaphore_mem>>
      %dma_start3A_24 = arith.constant 0 : i32
      %dma_start3A_25 = tpu.memref_slice %arg6[%arg0, %run_scoped3A, %mul3A_2, %dma_start3A_24] : memref<2x1x100352x16xf32, #tpu.memory_space<hbm>> -> memref<1x1x6251x16xf32, #tpu.memory_space<hbm>>
      %dma_start3A_26 = tpu.memref_squeeze %dma_start3A_25 : memref<1x1x6251x16xf32, #tpu.memory_space<hbm>> -> memref<6251x16xf32, #tpu.memory_space<hbm>>
      %dma_start3A_27 = arith.constant 0 : i32
      %dma_start3A_28 = tpu.memref_slice %arg13[%mul3A_2, %dma_start3A_27] : memref<100016x16xf32, #tpu.memory_space<vmem_shared>> -> memref<6251x16xf32, #tpu.memory_space<vmem_shared>>
      tpu.enqueue_dma source(%dma_start3A_28 : memref<6251x16xf32, #tpu.memory_space<vmem_shared>>) target(%dma_start3A_26 : memref<6251x16xf32, #tpu.memory_space<hbm>>) target_semaphore(%run_scoped3A_23 : memref<!tpu.dma_semaphore, #tpu.memory_space<semaphore_mem>>)
      %dma_wait3A_29 = arith.constant 0 : i32
      %dma_wait3A_30 = tpu.memref_slice %arg6[%arg0, %run_scoped3A, %mul3A_2, %dma_wait3A_29] : memref<2x1x100352x16xf32, #tpu.memory_space<hbm>> -> memref<1x1x6251x16xf32, #tpu.memory_space<hbm>>
      %dma_wait3A_31 = tpu.memref_squeeze %dma_wait3A_30 : memref<1x1x6251x16xf32, #tpu.memory_space<hbm>> -> memref<6251x16xf32, #tpu.memory_space<hbm>>
      %dma_wait3A_32 = arith.constant 0 : i32
      %dma_wait3A_33 = tpu.memref_slice %arg13[%mul3A_2, %dma_wait3A_32] : memref<100016x16xf32, #tpu.memory_space<vmem_shared>> -> memref<6251x16xf32, #tpu.memory_space<vmem_shared>>
      tpu.wait_dma2 semaphore(%run_scoped3A_23 : memref<!tpu.dma_semaphore, #tpu.memory_space<semaphore_mem>>) src(%dma_wait3A_33 : memref<6251x16xf32, #tpu.memory_space<vmem_shared>>) dst(%dma_wait3A_31 : memref<6251x16xf32, #tpu.memory_space<hbm>>)
      tpu.yield
    }) : () -> ()
    %eq3A = arith.constant 0 : i32
    %eq3A_20 = arith.cmpi eq, %arg1, %eq3A : i32
    %convert_element_type3A = arith.extui %eq3A_20 : i1 to i32
    %cond3A = arith.constant 0 : i32
    %cond3A_21 = arith.cmpi ne, %convert_element_type3A, %cond3A : i32
    scf.if %cond3A_21 {
      %run_scoped3A_23 = arith.constant 0 : i32
      "tpu.region"() ({
        %run_scoped3A_24 = tpu.sem_alloc : memref<!tpu.dma_semaphore, #tpu.memory_space<semaphore_mem>>
        %dma_start3A_25 = arith.constant 100016 : i32
        %dma_start3A_26 = arith.constant 0 : i32
        %dma_start3A_27 = tpu.memref_slice %arg6[%arg0, %run_scoped3A_23, %dma_start3A_25, %dma_start3A_26] : memref<2x1x100352x16xf32, #tpu.memory_space<hbm>> -> memref<1x1x336x16xf32, #tpu.memory_space<hbm>>
        %dma_start3A_28 = tpu.memref_squeeze %dma_start3A_27 : memref<1x1x336x16xf32, #tpu.memory_space<hbm>> -> memref<336x16xf32, #tpu.memory_space<hbm>>
        %dma_start3A_29 = arith.constant 0 : i32
        %dma_start3A_30 = arith.constant 0 : i32
        %dma_start3A_31 = tpu.memref_slice %arg4[%dma_start3A_29, %dma_start3A_30] : memref<6251x16xf32, #tpu.memory_space<hbm>> -> memref<336x16xf32, #tpu.memory_space<hbm>>
        tpu.enqueue_dma source(%dma_start3A_31 : memref<336x16xf32, #tpu.memory_space<hbm>>) target(%dma_start3A_28 : memref<336x16xf32, #tpu.memory_space<hbm>>) target_semaphore(%run_scoped3A_24 : memref<!tpu.dma_semaphore, #tpu.memory_space<semaphore_mem>>)
        %dma_wait3A_32 = arith.constant 100016 : i32
        %dma_wait3A_33 = arith.constant 0 : i32
        %dma_wait3A_34 = tpu.memref_slice %arg6[%arg0, %run_scoped3A_23, %dma_wait3A_32, %dma_wait3A_33] : memref<2x1x100352x16xf32, #tpu.memory_space<hbm>> -> memref<1x1x336x16xf32, #tpu.memory_space<hbm>>
        %dma_wait3A_35 = tpu.memref_squeeze %dma_wait3A_34 : memref<1x1x336x16xf32, #tpu.memory_space<hbm>> -> memref<336x16xf32, #tpu.memory_space<hbm>>
        %dma_wait3A_36 = arith.constant 0 : i32
        %dma_wait3A_37 = arith.constant 0 : i32
        %dma_wait3A_38 = tpu.memref_slice %arg4[%dma_wait3A_36, %dma_wait3A_37] : memref<6251x16xf32, #tpu.memory_space<hbm>> -> memref<336x16xf32, #tpu.memory_space<hbm>>
        tpu.wait_dma2 semaphore(%run_scoped3A_24 : memref<!tpu.dma_semaphore, #tpu.memory_space<semaphore_mem>>) src(%dma_wait3A_38 : memref<336x16xf32, #tpu.memory_space<hbm>>) dst(%dma_wait3A_35 : memref<336x16xf32, #tpu.memory_space<hbm>>)
        tpu.yield
      }) : () -> ()
    } else {
    }
    %barrier3A_22 = arith.constant 0 : index
    tpu.barrier barrier_id(%barrier3A_22)
    return
  }
}

module attributes {stable_mosaic.version = 14 : i64} {
  func.func @_tc1_body(%arg0: i32, %arg1: memref<2x1x2048x16xf32, #tpu.memory_space<vmem>>, %arg2: memref<2048x16xf32, #tpu.memory_space<vmem>>, %arg3: memref<16x64xf32, #tpu.memory_space<vmem>>, %arg4: memref<16x64xf32, #tpu.memory_space<vmem>>, %arg5: memref<2048x16xf32, #tpu.memory_space<vmem>>, %arg6: memref<2048x16xf32, #tpu.memory_space<vmem>>, %arg7: memref<2048x16xf32, #tpu.memory_space<vmem>>, %arg8: memref<2048x16xf32, #tpu.memory_space<vmem>>, %arg9: memref<2048x8xf32, #tpu.memory_space<vmem>>) attributes {dimension_semantics = [#tpu.dimension_semantics<arbitrary>], iteration_bounds = array<i64: 49>, scalar_prefetch = 0 : i64, scratch_operands = 0 : i64, tpu.core_type = #tpu.core_type<tc>, window_params = [{transform_indices = @transform_0, window_bounds = array<i64: 2, 1, 2048, 16>}, {transform_indices = @transform_1, window_bounds = array<i64: 2048, 16>}, {pipeline_mode = #tpu.pipeline_mode<synchronous>, transform_indices = @transform_2, window_bounds = array<i64: 16, 64>}, {pipeline_mode = #tpu.pipeline_mode<synchronous>, transform_indices = @transform_3, window_bounds = array<i64: 16, 64>}, {transform_indices = @transform_4, window_bounds = array<i64: 2048, 16>}, {transform_indices = @transform_5, window_bounds = array<i64: 2048, 16>}, {transform_indices = @transform_6, window_bounds = array<i64: 2048, 16>}, {transform_indices = @transform_7, window_bounds = array<i64: 2048, 16>}, {transform_indices = @transform_8, window_bounds = array<i64: 2048, 8>}]} {
    %get3A = arith.constant 0 : index
    %get3A_0 = arith.constant 0 : index
    %get3A_1 = arith.constant 0 : index
    %get3A_2 = arith.constant 0 : index
    %get3A_3 = vector.load %arg1[%get3A, %get3A_0, %get3A_1, %get3A_2] : memref<2x1x2048x16xf32, #tpu.memory_space<vmem>>, vector<1x1x2048x16xf32>
    %get3A_4 = vector.shape_cast %get3A_3 : vector<1x1x2048x16xf32> to vector<2048x16xf32>
    %get3A_5 = arith.constant 1 : index
    %get3A_6 = arith.constant 0 : index
    %get3A_7 = arith.constant 0 : index
    %get3A_8 = arith.constant 0 : index
    %get3A_9 = vector.load %arg1[%get3A_5, %get3A_6, %get3A_7, %get3A_8] : memref<2x1x2048x16xf32, #tpu.memory_space<vmem>>, vector<1x1x2048x16xf32>
    %get3A_10 = vector.shape_cast %get3A_9 : vector<1x1x2048x16xf32> to vector<2048x16xf32>
    %add3A = arith.addf %get3A_4, %get3A_10 : vector<2048x16xf32>
    %slice3A = vector.extract_strided_slice %add3A {offsets = [0, 14], sizes = [2048, 1], strides = [1, 1]} : vector<2048x16xf32> to vector<2048x1xf32>
    %max3A = arith.constant 1.000000e+00 : f32
    %max3A_11 = vector.broadcast %max3A : f32 to vector<2048x1xf32>
    %max3A_12 = arith.maximumf %slice3A, %max3A_11 : vector<2048x1xf32>
    %div3A = vector.broadcast %max3A_12 : vector<2048x1xf32> to vector<2048x16xf32>
    %div3A_13 = arith.divf %add3A, %div3A : vector<2048x16xf32>
    %get3A_14 = arith.constant 0 : index
    %get3A_15 = arith.constant 0 : index
    %get3A_16 = vector.load %arg2[%get3A_14, %get3A_15] : memref<2048x16xf32, #tpu.memory_space<vmem>>, vector<2048x16xf32>
    %get3A_17 = arith.constant 0 : index
    %get3A_18 = arith.constant 0 : index
    %get3A_19 = vector.load %arg3[%get3A_17, %get3A_18] : memref<16x64xf32, #tpu.memory_space<vmem>>, vector<16x64xf32>
    %dot_general3A = arith.constant dense<0.000000e+00> : vector<2048x64xf32>
    %dot_general3A_20 = tpu.matmul %div3A_13, %get3A_19, %dot_general3A {dimension_numbers = #tpu.dot_dimension_numbers<[1], [0], [0], [1], [0, 0, 1, 1], [], []>, transpose_lhs_hint = false} : vector<2048x16xf32>, vector<16x64xf32>, vector<2048x64xf32> -> vector<2048x64xf32>
    %get3A_21 = arith.constant 0 : index
    %get3A_22 = arith.constant 0 : index
    %get3A_23 = vector.load %arg4[%get3A_21, %get3A_22] : memref<16x64xf32, #tpu.memory_space<vmem>>, vector<16x64xf32>
    %dot_general3A_24 = arith.constant dense<0.000000e+00> : vector<2048x64xf32>
    %dot_general3A_25 = tpu.matmul %get3A_16, %get3A_23, %dot_general3A_24 {dimension_numbers = #tpu.dot_dimension_numbers<[1], [0], [0], [1], [0, 0, 1, 1], [], []>, transpose_lhs_hint = false} : vector<2048x16xf32>, vector<16x64xf32>, vector<2048x64xf32> -> vector<2048x64xf32>
    %add3A_26 = arith.addf %dot_general3A_20, %dot_general3A_25 : vector<2048x64xf32>
    %max3A_27 = arith.constant 0.000000e+00 : f32
    %max3A_28 = vector.broadcast %max3A_27 : f32 to vector<2048x64xf32>
    %max3A_29 = arith.maximumf %add3A_26, %max3A_28 : vector<2048x64xf32>
    %slice3A_30 = vector.extract_strided_slice %max3A_29 {offsets = [0, 0], sizes = [2048, 16], strides = [1, 1]} : vector<2048x64xf32> to vector<2048x16xf32>
    %swap3A = arith.constant 0 : index
    %swap3A_31 = arith.constant 0 : index
    %swap3A_32 = vector.load %arg5[%swap3A, %swap3A_31] : memref<2048x16xf32, #tpu.memory_space<vmem>>, vector<2048x16xf32>
    tpu.vector_store %arg5[%swap3A, %swap3A_31], %slice3A_30 {strides = array<i32>} : memref<2048x16xf32, #tpu.memory_space<vmem>>, vector<2048x16xf32>,
    %slice3A_33 = vector.extract_strided_slice %max3A_29 {offsets = [0, 16], sizes = [2048, 16], strides = [1, 1]} : vector<2048x64xf32> to vector<2048x16xf32>
    %swap3A_34 = arith.constant 0 : index
    %swap3A_35 = arith.constant 0 : index
    %swap3A_36 = vector.load %arg6[%swap3A_34, %swap3A_35] : memref<2048x16xf32, #tpu.memory_space<vmem>>, vector<2048x16xf32>
    tpu.vector_store %arg6[%swap3A_34, %swap3A_35], %slice3A_33 {strides = array<i32>} : memref<2048x16xf32, #tpu.memory_space<vmem>>, vector<2048x16xf32>,
    %slice3A_37 = vector.extract_strided_slice %max3A_29 {offsets = [0, 32], sizes = [2048, 16], strides = [1, 1]} : vector<2048x64xf32> to vector<2048x16xf32>
    %swap3A_38 = arith.constant 0 : index
    %swap3A_39 = arith.constant 0 : index
    %swap3A_40 = vector.load %arg7[%swap3A_38, %swap3A_39] : memref<2048x16xf32, #tpu.memory_space<vmem>>, vector<2048x16xf32>
    tpu.vector_store %arg7[%swap3A_38, %swap3A_39], %slice3A_37 {strides = array<i32>} : memref<2048x16xf32, #tpu.memory_space<vmem>>, vector<2048x16xf32>,
    %slice3A_41 = vector.extract_strided_slice %max3A_29 {offsets = [0, 48], sizes = [2048, 16], strides = [1, 1]} : vector<2048x64xf32> to vector<2048x16xf32>
    %swap3A_42 = arith.constant 0 : index
    %swap3A_43 = arith.constant 0 : index
    %swap3A_44 = vector.load %arg8[%swap3A_42, %swap3A_43] : memref<2048x16xf32, #tpu.memory_space<vmem>>, vector<2048x16xf32>
    tpu.vector_store %arg8[%swap3A_42, %swap3A_43], %slice3A_41 {strides = array<i32>} : memref<2048x16xf32, #tpu.memory_space<vmem>>, vector<2048x16xf32>,
    %broadcast_in_dim3A = vector.shape_cast %max3A_12 : vector<2048x1xf32> to vector<2048x1xf32>
    %broadcast_in_dim3A_45 = vector.broadcast %broadcast_in_dim3A : vector<2048x1xf32> to vector<2048x8xf32>
    %swap3A_46 = arith.constant 0 : index
    %swap3A_47 = arith.constant 0 : index
    %swap3A_48 = vector.load %arg9[%swap3A_46, %swap3A_47] : memref<2048x8xf32, #tpu.memory_space<vmem>>, vector<2048x8xf32>
    tpu.vector_store %arg9[%swap3A_46, %swap3A_47], %broadcast_in_dim3A_45 {strides = array<i32>} : memref<2048x8xf32, #tpu.memory_space<vmem>>, vector<2048x8xf32>,
    return
  }
  func.func @transform_0(%arg0: i32) -> (i32, i32, i32, i32) {
    %c0_i32 = arith.constant 0 : i32
    %c0_i32_0 = arith.constant 0 : i32
    %c0_i32_1 = arith.constant 0 : i32
    %c0_i32_2 = arith.constant 0 : i32
    return %c0_i32, %c0_i32_0, %arg0, %c0_i32_1 : i32, i32, i32, i32
  }
  func.func @transform_1(%arg0: i32) -> (i32, i32) {
    %c0_i32 = arith.constant 0 : i32
    %c0_i32_0 = arith.constant 0 : i32
    return %arg0, %c0_i32 : i32, i32
  }
  func.func @transform_2(%arg0: i32) -> (i32, i32) {
    %c0_i32 = arith.constant 0 : i32
    %c0_i32_0 = arith.constant 0 : i32
    %c0_i32_1 = arith.constant 0 : i32
    return %c0_i32, %c0_i32_0 : i32, i32
  }
  func.func @transform_3(%arg0: i32) -> (i32, i32) {
    %c0_i32 = arith.constant 0 : i32
    %c0_i32_0 = arith.constant 0 : i32
    %c0_i32_1 = arith.constant 0 : i32
    return %c0_i32, %c0_i32_0 : i32, i32
  }
  func.func @transform_4(%arg0: i32) -> (i32, i32) {
    %c0_i32 = arith.constant 0 : i32
    %c0_i32_0 = arith.constant 0 : i32
    return %arg0, %c0_i32 : i32, i32
  }
  func.func @transform_5(%arg0: i32) -> (i32, i32) {
    %c0_i32 = arith.constant 0 : i32
    %c0_i32_0 = arith.constant 0 : i32
    return %arg0, %c0_i32 : i32, i32
  }
  func.func @transform_6(%arg0: i32) -> (i32, i32) {
    %c0_i32 = arith.constant 0 : i32
    %c0_i32_0 = arith.constant 0 : i32
    return %arg0, %c0_i32 : i32, i32
  }
  func.func @transform_7(%arg0: i32) -> (i32, i32) {
    %c0_i32 = arith.constant 0 : i32
    %c0_i32_0 = arith.constant 0 : i32
    return %arg0, %c0_i32 : i32, i32
  }
  func.func @transform_8(%arg0: i32) -> (i32, i32) {
    %c0_i32 = arith.constant 0 : i32
    %c0_i32_0 = arith.constant 0 : i32
    return %arg0, %c0_i32 : i32, i32
  }
}

module attributes {stable_mosaic.version = 14 : i64} {
  func.func @_tc2_body(%arg0: i32, %arg1: memref<2x4x2048x16xf32, #tpu.memory_space<vmem>>, %arg2: memref<2048x16xf32, #tpu.memory_space<vmem>>, %arg3: memref<2048x16xf32, #tpu.memory_space<vmem>>, %arg4: memref<2048x16xf32, #tpu.memory_space<vmem>>, %arg5: memref<2048x16xf32, #tpu.memory_space<vmem>>, %arg6: memref<2048x8xf32, #tpu.memory_space<vmem>>, %arg7: memref<64x64xf32, #tpu.memory_space<vmem>>, %arg8: memref<64x64xf32, #tpu.memory_space<vmem>>, %arg9: memref<8x64xf32, #tpu.memory_space<vmem>>, %arg10: memref<1x1x2048xi32, #tpu.memory_space<vmem>>, %arg11: memref<64x8xf32, #tpu.memory_space<vmem>>, %arg12: memref<8x8xf32, #tpu.memory_space<vmem>>, %arg13: memref<512x8xf32, #tpu.memory_space<vmem>>, %arg14: memref<512x64xf32, #tpu.memory_space<vmem>>, %arg15: memref<512x8xf32, #tpu.memory_space<vmem>>) attributes {dimension_semantics = [#tpu.dimension_semantics<arbitrary>], iteration_bounds = array<i64: 49>, scalar_prefetch = 0 : i64, scratch_operands = 2 : i64, tpu.core_type = #tpu.core_type<tc>, window_params = [{transform_indices = @transform_0, window_bounds = array<i64: 2, 4, 2048, 16>}, {transform_indices = @transform_1, window_bounds = array<i64: 2048, 16>}, {transform_indices = @transform_2, window_bounds = array<i64: 2048, 16>}, {transform_indices = @transform_3, window_bounds = array<i64: 2048, 16>}, {transform_indices = @transform_4, window_bounds = array<i64: 2048, 16>}, {transform_indices = @transform_5, window_bounds = array<i64: 2048, 8>}, {pipeline_mode = #tpu.pipeline_mode<synchronous>, transform_indices = @transform_6, window_bounds = array<i64: 64, 64>}, {pipeline_mode = #tpu.pipeline_mode<synchronous>, transform_indices = @transform_7, window_bounds = array<i64: 64, 64>}, {pipeline_mode = #tpu.pipeline_mode<synchronous>, transform_indices = @transform_8, window_bounds = array<i64: 8, 64>}, {transform_indices = @transform_9, window_bounds = array<i64: 1, 1, 2048>}, {pipeline_mode = #tpu.pipeline_mode<synchronous>, transform_indices = @transform_10, window_bounds = array<i64: 64, 8>}, {pipeline_mode = #tpu.pipeline_mode<synchronous>, transform_indices = @transform_11, window_bounds = array<i64: 8, 8>}, {pipeline_mode = #tpu.pipeline_mode<synchronous>, transform_indices = @transform_12, window_bounds = array<i64: 512, 8>}]} {
    %eq3A = arith.constant 0 : i32
    %eq3A_0 = arith.cmpi eq, %arg0, %eq3A : i32
    %convert_element_type3A = arith.extui %eq3A_0 : i1 to i32
    %cond3A = arith.constant 0 : i32
    %cond3A_1 = arith.cmpi ne, %convert_element_type3A, %cond3A : i32
    scf.if %cond3A_1 {
      %broadcast_in_dim3A_92 = arith.constant 0.000000e+00 : f32
      %broadcast_in_dim3A_93 = vector.broadcast %broadcast_in_dim3A_92 : f32 to vector<512x64xf32>
      %swap3A_94 = arith.constant 0 : index
      %swap3A_95 = arith.constant 0 : index
      %swap3A_96 = vector.load %arg14[%swap3A_94, %swap3A_95] : memref<512x64xf32, #tpu.memory_space<vmem>>, vector<512x64xf32>
      tpu.vector_store %arg14[%swap3A_94, %swap3A_95], %broadcast_in_dim3A_93 {strides = array<i32>} : memref<512x64xf32, #tpu.memory_space<vmem>>, vector<512x64xf32>,
      %broadcast_in_dim3A_97 = arith.constant 0.000000e+00 : f32
      %broadcast_in_dim3A_98 = vector.broadcast %broadcast_in_dim3A_97 : f32 to vector<512x8xf32>
      %swap3A_99 = arith.constant 0 : index
      %swap3A_100 = arith.constant 0 : index
      %swap3A_101 = vector.load %arg15[%swap3A_99, %swap3A_100] : memref<512x8xf32, #tpu.memory_space<vmem>>, vector<512x8xf32>
      tpu.vector_store %arg15[%swap3A_99, %swap3A_100], %broadcast_in_dim3A_98 {strides = array<i32>} : memref<512x8xf32, #tpu.memory_space<vmem>>, vector<512x8xf32>,
    } else {
    }
    %get3A = arith.constant 0 : index
    %get3A_2 = arith.constant 0 : index
    %get3A_3 = arith.constant 0 : index
    %get3A_4 = arith.constant 0 : index
    %get3A_5 = vector.load %arg1[%get3A, %get3A_2, %get3A_3, %get3A_4] : memref<2x4x2048x16xf32, #tpu.memory_space<vmem>>, vector<1x4x2048x16xf32>
    %get3A_6 = vector.shape_cast %get3A_5 : vector<1x4x2048x16xf32> to vector<4x2048x16xf32>
    %get3A_7 = arith.constant 1 : index
    %get3A_8 = arith.constant 0 : index
    %get3A_9 = arith.constant 0 : index
    %get3A_10 = arith.constant 0 : index
    %get3A_11 = vector.load %arg1[%get3A_7, %get3A_8, %get3A_9, %get3A_10] : memref<2x4x2048x16xf32, #tpu.memory_space<vmem>>, vector<1x4x2048x16xf32>
    %get3A_12 = vector.shape_cast %get3A_11 : vector<1x4x2048x16xf32> to vector<4x2048x16xf32>
    %add3A = arith.addf %get3A_6, %get3A_12 : vector<4x2048x16xf32>
    %slice3A = vector.extract_strided_slice %add3A {offsets = [0, 0, 0], sizes = [1, 2048, 16], strides = [1, 1, 1]} : vector<4x2048x16xf32> to vector<1x2048x16xf32>
    %squeeze3A = vector.shape_cast %slice3A : vector<1x2048x16xf32> to vector<2048x16xf32>
    %slice3A_13 = vector.extract_strided_slice %add3A {offsets = [1, 0, 0], sizes = [1, 2048, 16], strides = [1, 1, 1]} : vector<4x2048x16xf32> to vector<1x2048x16xf32>
    %squeeze3A_14 = vector.shape_cast %slice3A_13 : vector<1x2048x16xf32> to vector<2048x16xf32>
    %slice3A_15 = vector.extract_strided_slice %add3A {offsets = [2, 0, 0], sizes = [1, 2048, 16], strides = [1, 1, 1]} : vector<4x2048x16xf32> to vector<1x2048x16xf32>
    %squeeze3A_16 = vector.shape_cast %slice3A_15 : vector<1x2048x16xf32> to vector<2048x16xf32>
    %slice3A_17 = vector.extract_strided_slice %add3A {offsets = [3, 0, 0], sizes = [1, 2048, 16], strides = [1, 1, 1]} : vector<4x2048x16xf32> to vector<1x2048x16xf32>
    %squeeze3A_18 = vector.shape_cast %slice3A_17 : vector<1x2048x16xf32> to vector<2048x16xf32>
    %concatenate3A = tpu.concatenate %squeeze3A, %squeeze3A_14, %squeeze3A_16, %squeeze3A_18 in 1 : vector<2048x16xf32>, vector<2048x16xf32>, vector<2048x16xf32>, vector<2048x16xf32> -> vector<2048x64xf32>
    %get3A_19 = arith.constant 0 : index
    %get3A_20 = arith.constant 0 : index
    %get3A_21 = vector.load %arg6[%get3A_19, %get3A_20] : memref<2048x8xf32, #tpu.memory_space<vmem>>, vector<2048x1xf32>
    %div3A = vector.broadcast %get3A_21 : vector<2048x1xf32> to vector<2048x64xf32>
    %div3A_22 = arith.divf %concatenate3A, %div3A : vector<2048x64xf32>
    %get3A_23 = arith.constant 0 : index
    %get3A_24 = arith.constant 0 : index
    %get3A_25 = vector.load %arg2[%get3A_23, %get3A_24] : memref<2048x16xf32, #tpu.memory_space<vmem>>, vector<2048x16xf32>
    %get3A_26 = arith.constant 0 : index
    %get3A_27 = arith.constant 0 : index
    %get3A_28 = vector.load %arg3[%get3A_26, %get3A_27] : memref<2048x16xf32, #tpu.memory_space<vmem>>, vector<2048x16xf32>
    %get3A_29 = arith.constant 0 : index
    %get3A_30 = arith.constant 0 : index
    %get3A_31 = vector.load %arg4[%get3A_29, %get3A_30] : memref<2048x16xf32, #tpu.memory_space<vmem>>, vector<2048x16xf32>
    %get3A_32 = arith.constant 0 : index
    %get3A_33 = arith.constant 0 : index
    %get3A_34 = vector.load %arg5[%get3A_32, %get3A_33] : memref<2048x16xf32, #tpu.memory_space<vmem>>, vector<2048x16xf32>
    %concatenate3A_35 = tpu.concatenate %get3A_25, %get3A_28, %get3A_31, %get3A_34 in 1 : vector<2048x16xf32>, vector<2048x16xf32>, vector<2048x16xf32>, vector<2048x16xf32> -> vector<2048x64xf32>
    %get3A_36 = arith.constant 0 : index
    %get3A_37 = arith.constant 0 : index
    %get3A_38 = vector.load %arg7[%get3A_36, %get3A_37] : memref<64x64xf32, #tpu.memory_space<vmem>>, vector<64x64xf32>
    %dot_general3A = arith.constant dense<0.000000e+00> : vector<2048x64xf32>
    %dot_general3A_39 = tpu.matmul %div3A_22, %get3A_38, %dot_general3A {dimension_numbers = #tpu.dot_dimension_numbers<[1], [0], [0], [1], [0, 0, 1, 1], [], []>, transpose_lhs_hint = false} : vector<2048x64xf32>, vector<64x64xf32>, vector<2048x64xf32> -> vector<2048x64xf32>
    %get3A_40 = arith.constant 0 : index
    %get3A_41 = arith.constant 0 : index
    %get3A_42 = vector.load %arg8[%get3A_40, %get3A_41] : memref<64x64xf32, #tpu.memory_space<vmem>>, vector<64x64xf32>
    %dot_general3A_43 = arith.constant dense<0.000000e+00> : vector<2048x64xf32>
    %dot_general3A_44 = tpu.matmul %concatenate3A_35, %get3A_42, %dot_general3A_43 {dimension_numbers = #tpu.dot_dimension_numbers<[1], [0], [0], [1], [0, 0, 1, 1], [], []>, transpose_lhs_hint = false} : vector<2048x64xf32>, vector<64x64xf32>, vector<2048x64xf32> -> vector<2048x64xf32>
    %add3A_45 = arith.addf %dot_general3A_39, %dot_general3A_44 : vector<2048x64xf32>
    %get3A_46 = arith.constant 0 : index
    %get3A_47 = arith.constant 0 : index
    %get3A_48 = vector.load %arg9[%get3A_46, %get3A_47] : memref<8x64xf32, #tpu.memory_space<vmem>>, vector<1x64xf32>
    %add3A_49 = vector.broadcast %get3A_48 : vector<1x64xf32> to vector<2048x64xf32>
    %add3A_50 = arith.addf %add3A_45, %add3A_49 : vector<2048x64xf32>
    %max3A = arith.constant 0.000000e+00 : f32
    %max3A_51 = vector.broadcast %max3A : f32 to vector<2048x64xf32>
    %max3A_52 = arith.maximumf %add3A_50, %max3A_51 : vector<2048x64xf32>
    %get3A_53 = arith.constant 0 : index
    %get3A_54 = arith.constant 0 : index
    %get3A_55 = arith.constant 0 : index
    %get3A_56 = vector.load %arg10[%get3A_53, %get3A_54, %get3A_55] : memref<1x1x2048xi32, #tpu.memory_space<vmem>>, vector<1x1x2048xi32>
    %get3A_57 = vector.shape_cast %get3A_56 : vector<1x1x2048xi32> to vector<1x2048xi32>
    %iota3A = tpu.iota {dimensions = array<i32: 0>} : vector<512x2048xi32>
    %eq3A_58 = vector.broadcast %get3A_57 : vector<1x2048xi32> to vector<512x2048xi32>
    %eq3A_59 = arith.cmpi eq, %iota3A, %eq3A_58 : vector<512x2048xi32>
    %convert_element_type3A_60 = arith.extui %eq3A_59 : vector<512x2048xi1> to vector<512x2048xi32>
    %convert_element_type3A_61 = arith.sitofp %convert_element_type3A_60 : vector<512x2048xi32> to vector<512x2048xf32>
    %get3A_62 = arith.constant 0 : index
    %get3A_63 = arith.constant 0 : index
    %get3A_64 = vector.load %arg14[%get3A_62, %get3A_63] : memref<512x64xf32, #tpu.memory_space<vmem>>, vector<512x64xf32>
    %convert_element_type3A_65 = arith.truncf %convert_element_type3A_61 : vector<512x2048xf32> to vector<512x2048xbf16>
    %convert_element_type3A_66 = arith.truncf %max3A_52 : vector<2048x64xf32> to vector<2048x64xbf16>
    %convert_element_type3A_67 = arith.extf %convert_element_type3A_66 : vector<2048x64xbf16> to vector<2048x64xf32>
    %sub3A = arith.subf %max3A_52, %convert_element_type3A_67 : vector<2048x64xf32>
    %convert_element_type3A_68 = arith.truncf %sub3A : vector<2048x64xf32> to vector<2048x64xbf16>
    %dot_general3A_69 = arith.constant dense<0.000000e+00> : vector<512x64xf32>
    %dot_general3A_70 = tpu.matmul %convert_element_type3A_65, %convert_element_type3A_66, %dot_general3A_69 {dimension_numbers = #tpu.dot_dimension_numbers<[1], [0], [0], [1], [0, 0, 1, 1], [], []>, transpose_lhs_hint = false} : vector<512x2048xbf16>, vector<2048x64xbf16>, vector<512x64xf32> -> vector<512x64xf32>
    %dot_general3A_71 = arith.constant dense<0.000000e+00> : vector<512x64xf32>
    %dot_general3A_72 = tpu.matmul %convert_element_type3A_65, %convert_element_type3A_68, %dot_general3A_71 {dimension_numbers = #tpu.dot_dimension_numbers<[1], [0], [0], [1], [0, 0, 1, 1], [], []>, transpose_lhs_hint = false} : vector<512x2048xbf16>, vector<2048x64xbf16>, vector<512x64xf32> -> vector<512x64xf32>
    %add3A_73 = arith.addf %dot_general3A_70, %dot_general3A_72 : vector<512x64xf32>
    %add3A_74 = arith.addf %get3A_64, %add3A_73 : vector<512x64xf32>
    %swap3A = arith.constant 0 : index
    %swap3A_75 = arith.constant 0 : index
    %swap3A_76 = vector.load %arg14[%swap3A, %swap3A_75] : memref<512x64xf32, #tpu.memory_space<vmem>>, vector<512x64xf32>
    tpu.vector_store %arg14[%swap3A, %swap3A_75], %add3A_74 {strides = array<i32>} : memref<512x64xf32, #tpu.memory_space<vmem>>, vector<512x64xf32>,
    %get3A_77 = arith.constant 0 : index
    %get3A_78 = arith.constant 0 : index
    %get3A_79 = vector.load %arg15[%get3A_77, %get3A_78] : memref<512x8xf32, #tpu.memory_space<vmem>>, vector<512x8xf32>
    %reduce_sum3A = arith.constant dense<0.000000e+00> : vector<512xf32>
    %reduce_sum3A_80 = vector.multi_reduction <add>, %convert_element_type3A_61, %reduce_sum3A [1] : vector<512x2048xf32> to vector<512xf32>
    %broadcast_in_dim3A = vector.shape_cast %reduce_sum3A_80 : vector<512xf32> to vector<512x1xf32>
    %broadcast_in_dim3A_81 = vector.shape_cast %broadcast_in_dim3A : vector<512x1xf32> to vector<512x1xf32>
    %broadcast_in_dim3A_82 = vector.broadcast %broadcast_in_dim3A_81 : vector<512x1xf32> to vector<512x8xf32>
    %add3A_83 = arith.addf %get3A_79, %broadcast_in_dim3A_82 : vector<512x8xf32>
    %swap3A_84 = arith.constant 0 : index
    %swap3A_85 = arith.constant 0 : index
    %swap3A_86 = vector.load %arg15[%swap3A_84, %swap3A_85] : memref<512x8xf32, #tpu.memory_space<vmem>>, vector<512x8xf32>
    tpu.vector_store %arg15[%swap3A_84, %swap3A_85], %add3A_83 {strides = array<i32>} : memref<512x8xf32, #tpu.memory_space<vmem>>, vector<512x8xf32>,
    %eq3A_87 = arith.constant 48 : i32
    %eq3A_88 = arith.cmpi eq, %arg0, %eq3A_87 : i32
    %convert_element_type3A_89 = arith.extui %eq3A_88 : i1 to i32
    %cond3A_90 = arith.constant 0 : i32
    %cond3A_91 = arith.cmpi ne, %convert_element_type3A_89, %cond3A_90 : i32
    scf.if %cond3A_91 {
      %get3A_92 = arith.constant 0 : index
      %get3A_93 = arith.constant 0 : index
      %get3A_94 = vector.load %arg14[%get3A_92, %get3A_93] : memref<512x64xf32, #tpu.memory_space<vmem>>, vector<512x64xf32>
      %get3A_95 = arith.constant 0 : index
      %get3A_96 = arith.constant 0 : index
      %get3A_97 = vector.load %arg15[%get3A_95, %get3A_96] : memref<512x8xf32, #tpu.memory_space<vmem>>, vector<512x1xf32>
      %max3A_98 = arith.constant 1.000000e+00 : f32
      %max3A_99 = vector.broadcast %max3A_98 : f32 to vector<512x1xf32>
      %max3A_100 = arith.maximumf %get3A_97, %max3A_99 : vector<512x1xf32>
      %div3A_101 = vector.broadcast %max3A_100 : vector<512x1xf32> to vector<512x64xf32>
      %div3A_102 = arith.divf %get3A_94, %div3A_101 : vector<512x64xf32>
      %get3A_103 = arith.constant 0 : index
      %get3A_104 = arith.constant 0 : index
      %get3A_105 = vector.load %arg11[%get3A_103, %get3A_104] : memref<64x8xf32, #tpu.memory_space<vmem>>, vector<64x8xf32>
      %dot_general3A_106 = arith.constant dense<0.000000e+00> : vector<512x8xf32>
      %dot_general3A_107 = tpu.matmul %div3A_102, %get3A_105, %dot_general3A_106 {dimension_numbers = #tpu.dot_dimension_numbers<[1], [0], [0], [1], [0, 0, 1, 1], [], []>, transpose_lhs_hint = false} : vector<512x64xf32>, vector<64x8xf32>, vector<512x8xf32> -> vector<512x8xf32>
      %get3A_108 = arith.constant 0 : index
      %get3A_109 = arith.constant 0 : index
      %get3A_110 = vector.load %arg12[%get3A_108, %get3A_109] : memref<8x8xf32, #tpu.memory_space<vmem>>, vector<1x1xf32>
      %add3A_111 = vector.broadcast %get3A_110 : vector<1x1xf32> to vector<512x8xf32>
      %add3A_112 = arith.addf %dot_general3A_107, %add3A_111 : vector<512x8xf32>
      %swap3A_113 = arith.constant 0 : index
      %swap3A_114 = arith.constant 0 : index
      %swap3A_115 = vector.load %arg13[%swap3A_113, %swap3A_114] : memref<512x8xf32, #tpu.memory_space<vmem>>, vector<512x8xf32>
      tpu.vector_store %arg13[%swap3A_113, %swap3A_114], %add3A_112 {strides = array<i32>} : memref<512x8xf32, #tpu.memory_space<vmem>>, vector<512x8xf32>,
    } else {
    }
    return
  }
  func.func @transform_0(%arg0: i32) -> (i32, i32, i32, i32) {
    %c0_i32 = arith.constant 0 : i32
    %c0_i32_0 = arith.constant 0 : i32
    %c0_i32_1 = arith.constant 0 : i32
    %c0_i32_2 = arith.constant 0 : i32
    return %c0_i32, %c0_i32_0, %arg0, %c0_i32_1 : i32, i32, i32, i32
  }
  func.func @transform_1(%arg0: i32) -> (i32, i32) {
    %c0_i32 = arith.constant 0 : i32
    %c0_i32_0 = arith.constant 0 : i32
    return %arg0, %c0_i32 : i32, i32
  }
  func.func @transform_2(%arg0: i32) -> (i32, i32) {
    %c0_i32 = arith.constant 0 : i32
    %c0_i32_0 = arith.constant 0 : i32
    return %arg0, %c0_i32 : i32, i32
  }
  func.func @transform_3(%arg0: i32) -> (i32, i32) {
    %c0_i32 = arith.constant 0 : i32
    %c0_i32_0 = arith.constant 0 : i32
    return %arg0, %c0_i32 : i32, i32
  }
  func.func @transform_4(%arg0: i32) -> (i32, i32) {
    %c0_i32 = arith.constant 0 : i32
    %c0_i32_0 = arith.constant 0 : i32
    return %arg0, %c0_i32 : i32, i32
  }
  func.func @transform_5(%arg0: i32) -> (i32, i32) {
    %c0_i32 = arith.constant 0 : i32
    %c0_i32_0 = arith.constant 0 : i32
    return %arg0, %c0_i32 : i32, i32
  }
  func.func @transform_6(%arg0: i32) -> (i32, i32) {
    %c0_i32 = arith.constant 0 : i32
    %c0_i32_0 = arith.constant 0 : i32
    %c0_i32_1 = arith.constant 0 : i32
    return %c0_i32, %c0_i32_0 : i32, i32
  }
  func.func @transform_7(%arg0: i32) -> (i32, i32) {
    %c0_i32 = arith.constant 0 : i32
    %c0_i32_0 = arith.constant 0 : i32
    %c0_i32_1 = arith.constant 0 : i32
    return %c0_i32, %c0_i32_0 : i32, i32
  }
  func.func @transform_8(%arg0: i32) -> (i32, i32) {
    %c0_i32 = arith.constant 0 : i32
    %c0_i32_0 = arith.constant 0 : i32
    %c0_i32_1 = arith.constant 0 : i32
    return %c0_i32, %c0_i32_0 : i32, i32
  }
  func.func @transform_9(%arg0: i32) -> (i32, i32, i32) {
    %c0_i32 = arith.constant 0 : i32
    %c0_i32_0 = arith.constant 0 : i32
    %c0_i32_1 = arith.constant 0 : i32
    return %arg0, %c0_i32, %c0_i32_0 : i32, i32, i32
  }
  func.func @transform_10(%arg0: i32) -> (i32, i32) {
    %c0_i32 = arith.constant 0 : i32
    %c0_i32_0 = arith.constant 0 : i32
    %c0_i32_1 = arith.constant 0 : i32
    return %c0_i32, %c0_i32_0 : i32, i32
  }
  func.func @transform_11(%arg0: i32) -> (i32, i32) {
    %c0_i32 = arith.constant 0 : i32
    %c0_i32_0 = arith.constant 0 : i32
    %c0_i32_1 = arith.constant 0 : i32
    return %c0_i32, %c0_i32_0 : i32, i32
  }
  func.func @transform_12(%arg0: i32) -> (i32, i32) {
    %c0_i32 = arith.constant 0 : i32
    %c0_i32_0 = arith.constant 0 : i32
    %c0_i32_1 = arith.constant 0 : i32
    return %c0_i32, %c0_i32_0 : i32, i32
  }
}

</mosaic_0001>

<sc_bundles>
// kernel: kernel.6.cloned.1.call-start
scs
__scs_entry_jumppad:
0x0: {  	(pc) =	sbr.rel $0x88, $3  }
0x1: {  	(tag) =	ssettag $0x0;
	lr =	simm.s32 $0x1  }
0x2: {  	[smem:$0x3F95] =	sst lr;
	_ =	strace $0xD0000000  }
0x3: {  	_ = 	snop  }
0x4: {  	_ = 	snop  }
0x5: {  	_ = 	snop  }
0x6: {  	_ = 	snop  }
0x7: {  	_ = 	snop  }
__scs_overlays_trampoline_lowered:
0x8: {  	[smem:$0x3FA4] =	sst s0  }
0x9: {  	[smem:$0x3FA5] =	sst s1  }
0xa: {  	[smem:$0x3FA6] =	sst s2  }
0xb: {  	[smem:$0x3FA7] =	sst s3  }
0xc: {  	[smem:$0x3FA8] =	sst s4  }
0xd: {  	[smem:$0x3FA9] =	sst s5  }
0xe: {  	[smem:$0x3FAA] =	sst s6  }
0xf: {  	[smem:$0x3FAB] =	sst s7  }
0x10: {  	[smem:$0x3FAC] =	sst s8  }
0x11: {  	[smem:$0x3FAD] =	sst s9;
	s0 =	simm.s32 @!p0 $0x0  }
0x12: {  	s1 =	sld [smem:$0x3F93];
	s0 =	simm.s32 @p0 $0x1  }
0x13: {  	[smem:$0x3FAE] =	sst s0;
	s0 =	simm.s32 @!p1 $0x0  }
0x14: {  	s2 =	sld [smem:$0x3F92];
	s0 =	simm.s32 @p1 $0x1  }
0x15: {  	[smem:$0x3FAF] =	sst s0;
	s0 =	simm.s32 @!p2 $0x0  }
0x16: {  	s3 =	sld [smem:$0x3FDB];
	s0 =	simm.s32 @p2 $0x1  }
0x17: {  	s4 =	simm.s32 $0x1BF5;
	[smem:$0x3FB1] =	sst s0  }
0x18: {  	s0 =	sld [smem:$0x3F94];
	_ =	swait.ge [sflag:s4], $0x0  }
0x19: {  	s7 =	sld [smem:$0x3F95]  }
0x1a: {  	s8 =	sadd.s32 $0xFFFFE003, lr  }
0x1b: {  	s9 =	sadd.s32 $0xFFFFFEF7, lr;
	s5 =	simm.s32 $0xFFFFFFFF;
	p2 =	slt.u32 s8, $0xFFFFF086  }
0x1c: {  	p1 =	slt.u32 s9, $0xF7A;
	s5 =	simm.s32 @!p2 $0x0  }
0x1d: {  	s5 =	simm.s32 @p1 $0x1;
	p0 =	seq.s32 s7, s2  }
0x1e: {  	s7 =	smul.u32 @!p0 $0xF7A, s2;
	p2 =	seq.s32 @!p0 s5, $0x0  }
0x1f: {  	s9 =	smul.u32 $0xF7A, s1;
	s8 =	simm.s32 @!p0 $0x1BF5;
	p2 =	por !p2, p0  }
0x20: {  	[sflag:s8] =	ssyncset.s32 @!p0 $0xFFFFF086;
	s6 =	sadd.s32 @!p0 s3, s7;
	s7 =	simm.s32 @!p0 $0x108  }
0x21: {  	s3 =	sadd.s32 s3, s9;
	s6 =	sadd.s32 @!p0 $0x88, s6;
	s7 =	simm.s32 @p2 $0x1082  }
0x22: {  	[simem:s7], [sflag:s8] =	dma.local @!p0 [hbm:s6], $0xF7A  }
0x23: {  	s9 =	sor.u32 $0xD0000000, s2;
	s6 =	simm.s32 $0x108;
	_ =	swait.ge @!p0 [sflag:s8], $0x0  }
0x24: {  	s3 =	sadd.s32 $0x88, s3;
	s6 =	simm.s32 @!p1 $0x1082;
	[sflag:s4] =	ssyncset.s32 $0xFFFFF086  }
0x25: {  	[simem:s6], [sflag:s4] =	dma.local [hbm:s3], $0xF7A  }
0x26: {  	[smem:$0x3F95] =	sst s1;
	(tag) =	ssettag s2;
	_ =	strace s9  }
0x27: {  	s1 =	sld [smem:$0x3FA5]  }
0x28: {  	s2 =	sld [smem:$0x3FA6]  }
0x29: {  	s4 =	sld [smem:$0x3FA8]  }
0x2a: {  	p0 =	seq.s32 s5, $0x0;
	s5 =	sld [smem:$0x3FA9]  }
0x2b: {  	s6 =	sld [smem:$0x3FAA]  }
0x2c: {  	s7 =	sld [smem:$0x3FAB]  }
0x2d: {  	s3 =	simm.s32 $0x108;
	s8 =	sld [smem:$0x3FAC]  }
0x2e: {  	s3 =	simm.s32 @!p0 $0x1082;
	s9 =	sld [smem:$0x3FAD]  }
0x2f: {  	lr =	sadd.s32 s0, s3;
	s0 =	sld [smem:$0x3FA4]  }
0x30: {  	s3 =	sld [smem:$0x3FA7]  }
0x31: {  	[smem:$0x3FB0] =	sst s10  }
0x32: {  	s10 =	sld [smem:$0x3FAE];
	_ =	sdelay $0x3  }
0x33: {  	p0 =	seq.s32 s10, $0x1;
	s10 =	sld [smem:$0x3FB0];
	_ =	sdelay $0x3  }
0x34: {  	[smem:$0x3FB0] =	sst s10  }
0x35: {  	s10 =	sld [smem:$0x3FAF];
	_ =	sdelay $0x3  }
0x36: {  	p1 =	seq.s32 s10, $0x1;
	s10 =	sld [smem:$0x3FB0];
	_ =	sdelay $0x3  }
0x37: {  	[smem:$0x3FB0] =	sst s10  }
0x38: {  	s10 =	sld [smem:$0x3FB1]  }
0x39: {  	_ = 	snop;
	(pc) =	sbr.ind lr, $3  }
0x3a: {  	_ = 	snop  }
0x3b: {  	_ = 	snop  }
0x3c: {  	p2 =	seq.s32 s10, $0x1;
	s10 =	sld [smem:$0x3FB0]  }
0x3d: {  	_ =	shalt  }
0x3e: {  	_ =	shalt  }
0x3f: {  	_ =	shalt  }
0x40: {  	_ =	shalt  }
0x41: {  	_ =	shalt  }
0x42: {  	_ =	shalt  }
0x43: {  	_ =	shalt  }
0x44: {  	_ =	shalt  }
0x45: {  	_ =	shalt  }
0x46: {  	_ =	shalt  }
0x47: {  	_ =	shalt  }
0x48: {  	_ =	shalt  }
0x49: {  	_ =	shalt  }
0x4a: {  	_ =	shalt  }
0x4b: {  	_ =	shalt  }
0x4c: {  	_ =	shalt  }
0x4d: {  	_ =	shalt  }
0x4e: {  	_ =	shalt  }
0x4f: {  	_ =	shalt  }
0x50: {  	_ =	shalt  }
0x51: {  	_ =	shalt  }
0x52: {  	_ =	shalt  }
0x53: {  	_ =	shalt  }
0x54: {  	_ =	shalt  }
0x55: {  	_ =	shalt  }
0x56: {  	_ =	shalt  }
0x57: {  	_ =	shalt  }
0x58: {  	_ =	shalt  }
0x59: {  	_ =	shalt  }
0x5a: {  	_ =	shalt  }
0x5b: {  	_ =	shalt  }
0x5c: {  	_ =	shalt  }
0x5d: {  	_ =	shalt  }
0x5e: {  	_ =	shalt  }
0x5f: {  	_ =	shalt  }
0x60: {  	_ =	shalt  }
0x61: {  	_ =	shalt  }
0x62: {  	_ =	shalt  }
0x63: {  	_ =	shalt  }
0x64: {  	_ =	shalt  }
0x65: {  	_ =	shalt  }
0x66: {  	_ =	shalt  }
0x67: {  	_ =	shalt  }
0x68: {  	_ =	shalt  }
0x69: {  	_ =	shalt  }
0x6a: {  	_ =	shalt  }
0x6b: {  	_ =	shalt  }
0x6c: {  	_ =	shalt  }
0x6d: {  	_ =	shalt  }
0x6e: {  	_ =	shalt  }
0x6f: {  	_ =	shalt  }
0x70: {  	_ =	shalt  }
0x71: {  	_ =	shalt  }
0x72: {  	_ =	shalt  }
0x73: {  	_ =	shalt  }
0x74: {  	_ =	shalt  }
0x75: {  	_ =	shalt  }
0x76: {  	_ =	shalt  }
0x77: {  	_ =	shalt  }
0x78: {  	_ =	shalt  }
0x79: {  	_ =	shalt  }
0x7a: {  	_ =	shalt  }
0x7b: {  	_ =	shalt  }
0x7c: {  	_ =	shalt  }
0x7d: {  	_ =	shalt  }
0x7e: {  	_ =	shalt  }
0x7f: {  	_ =	shalt  }
0x80: {  	_ =	shalt  }
0x81: {  	_ =	shalt  }
0x82: {  	_ =	shalt  }
0x83: {  	_ =	shalt  }
0x84: {  	_ =	shalt  }
0x85: {  	_ =	shalt  }
0x86: {  	_ =	shalt  }
0x87: {  	_ =	shalt  }
.Lfunc_end0:
.L_simem_size_0:
called_computation_lowered:
.L_overlay_start_0:
0x88: {  	s2 =	sld [smem:$0x3FD9]  }
0x89: {  	s3 =	sld [smem:$0x3FFE];
	_ =	sdelay $0x1  }
0x8a: {  	s1 =	srdreg.scid  }
0x8b: {  	s0 =	sand.u32 $0x1, s1  }
0x8c: {  	s16 =	sshll.u32 s0, $0xA;
	s2 =	sadd.s32 s3, s2  }
0x8d: {  	s2 =	sadd.s32 s2, s16  }
0x8e: {  	[smem:$0x3FBC] =	sst s2  }
0x8f: {  	_ = 	snop  }
0x90: {  	(tm) =	ssettm $0x1  }
0x91: {  	s17 =	sld [smem:$0x3FFB];
	_ =	sdelay $0x3  }
0x92: {  	_ =	strace s17  }
0x93: {  	s2 =	sld [smem:$0x3FFC];
	_ =	sdelay $0x3  }
0x94: {  	_ =	strace s2  }
0x95: {  	s2 =	sld [smem:$0x3FFD];
	_ =	sdelay $0x3  }
0x96: {  	_ =	strace s2  }
0x97: {  	_ =	strace $0x8FFFFFFF  }
0x98: {  	s18 =	sld [smem:$0x3FDB];
	_ =	sdelay $0x1  }
0x99: {  	s19 =	simm.s32 $_scs_section_size  }
0x9a: {  	s4 =	simm.s32 $_size__tile_overlayer_lowered;
	s5 =	simm.s32 $_tile_overlayer_lowered  }
0x9b: {  	s22 =	simm.s32 $0x1BFF;
	s21 =	sshll.u32 s5, $0x1;
	s2 =	sadd.s32 s19, s18  }
0x9c: {  	s6 =	simm.s32 $0x0;
	s20 =	sshll.u32 s4, $0x1;
	s4 =	sadd.s32 s21, s2  }
0x9d: {  	[timem:s6], [sflag:s22] =	dma.local [hbm:s4], s20  }
0x9e: {  	_ =	swait.ge [sflag:s22], s20  }
0x9f: {  	s3 =	ssub.s32 $0x0, s20;
	[sflag:s22] =	ssyncset.done $0x0  }
0xa0: {  	[sflag:s22] =	ssyncadd.s32 s3;
	_ =	sdelay $0x1  }
0xa1: {  	s23 =	simm.s32 $0x1B8B  }
0xa2: {  	_ =	swait.ge [sflag:s23], $0x1  }
0xa3: {  	[sflag:s23] =	ssyncset.done $0x0  }
0xa4: {  	s25 =	simm.s32 $0x1B8E;
	s24 =	sld [smem:$0x3FFE];
	[sflag:s23] =	ssyncadd.s32 $0xFFFFFFFF  }
0xa5: {  	s26 =	simm.s32 $execute0_lowered;
	[smem:$0x3FD2] =	sst s25  }
0xa6: {  	s4 =	sshll.u32 s26, $0x1;
	_ =	strace $0x80000046;
	[dreg:$0x1] =	wrdreg $0xFFFFFFFF  }
0xa7: {  	s28 =	simm.s32 $_size_execute0_lowered;
	s2 =	sadd.s32 s2, s4;
	[dreg:$0x0] =	wrdreg $0x0  }
0xa8: {  	s4 =	sshll.u32 s28, $0x1;
	[dreg:$0x2] =	wrdreg s2  }
0xa9: {  	[dreg:$0x3] =	wrdreg s4  }
0xaa: {  	[dreg:$0x4] =	wrdreg $0xC0  }
0xab: {  	_ =	task [dreg:s6], $0x5FFFF  }
0xac: {  	[dreg:$0x1] =	wrdreg $0xFFFFFFFF  }
0xad: {  	[dreg:$0x0] =	wrdreg $0x60  }
0xae: {  	[dreg:$0x2] =	wrdreg s24  }
0xaf: {  	[dreg:$0x3] =	wrdreg $0x6E400  }
0xb0: {  	[dreg:$0x4] =	wrdreg $0x9  }
0xb1: {  	_ =	task.clear_ibuf [dreg:s6], $0x5FFFF;
	_ =	strace $0x90000046  }
0xb2: {  	s29 =	simm.s32 $0x9;
	_ =	strace $0x80000048  }
0xb3: {  	_ =	swait.ge [sflag:s29], $0x1  }
0xb4: {  	[sflag:s29] =	ssyncadd.s32 $0xFFFFFFFF  }
0xb5: {  	_ =	strace $0x90000048  }
0xb6: {  	_ =	sfence  }
0xb7: {  	s30 =	sld [smem:$0x0];
	_ =	sdelay $0x2  }
0xb8: {  	s31 =	sshll.u32 s1, $0xD;
	s1 =	sshrl.u32 s1, $0x2  }
0xb9: {  	s3 =	sand.u32 $0x4000, s31;
	s1 =	sadd.s32 s1, s30  }
0xba: {  	s0 =	sor.u32 s3, s0;
	s1 =	sshll.u32 s1, $0x11  }
0xbb: {  	s0 =	sor.u32 s1, s0  }
0xbc: {  	s0 =	sadd.s32 $0x8F2B, s0  }
0xbd: {  	[sflag:s0] =	ssyncadd.remote.s32 $0x1  }
0xbe: {  	_ =	sfence.sel $0xFFFF  }
0xbf: {  	[dreg:$0x0] =	wrdreg $0xFFFFFFFF;
	(pc) =	sbr.abs _section_cstart, $3  }
0xc0: {  	[dreg:$0x1] =	wrdreg $0xFFFFFFFF  }
0xc1: {  	_ =	task.clear_ibuf [dreg:s6], $0x2FFFF;
	_ =	strace $0x9FFFFFFF  }
0xc2: {  	(tm) =	ssettm $0x7FFFFFFF  }
0xc3: {  	_ =	shalt  }
tec
execute0_lowered:
.L_overlay_start_1:
0x0: {  	(tag) =	ssettag $0x1  }
0x1: {  	s0 =	rddreg [dreg:$0x0]  }
0x2: {  	s1 =	rddreg [dreg:$0x1];
	s2 =	simm.s32 $0x0;
	s3 =	srdreg.scid  }
0x3: {  	s25 =	stileid.u32;
	s28 =	simm.s32 $0x930;
	s29 =	simm.s32 $0x2  }
0x4: {  	s30 =	simm.s32 $0x3D40;
	s31 =	simm.s32 $0x3;
	[smem:$0x7FF] =	sst s2  }
0x5: {  	s5 =	sadd.s32 $0x94800, s0;
	s7 =	sadd.s32 $0x32800, s0;
	s6 =	sand.u32 $0x1, s3  }
0x6: {  	s3 =	sadd.s32 $0xF6800, s0;
	s10 =	smul.u32 $0x186B0, s25;
	s18 =	sshll.u32 s25, $0x6  }
0x7: {  	p0 =	sne.s32 s25, $0x0;
	_ =	strace $0x80000047;
	s4 =	sshll.u32 s6, $0x4  }
0x8: {  	s8 =	ssub.s32 $0x2, s6;
	s9 =	sor.u32 s25, s4;
	s4 =	sadd.s32 $0x1800, s0  }
0x9: {  	s11 =	sshrl.u32 s8, $0x1;
	s17 =	sadd.s32 s10, s1;
	s9 =	smul.u32 $0x18800, s9  }
0xa: {  	s0 =	sadd.s32 $0xF9A00, s0;
	[dreg:$0x3] =	wrdreg s17;
	s17 =	smul.u32 $0x188000, s6  }
0xb: {  	s11 =	ssub.s32 s8, s11;
	s6 =	sor.u32 $0x1C04, s18;
	s18 =	smul.u32 $0x18800, s25  }
0xc: {  	s25 =	simm.s32 $0x310;
	s11 =	smax.u32 s11, $0x1;
	s16 =	sshrl.u32 s9, $0x3  }
0xd: {  	s12 =	sor.u32 $0x310, s9;
	s10 =	sadd.s32 s10, s17;
	s13 =	sshrl.u32 s17, $0x3  }
0xe: {  	s14 =	sor.u32 $0x620, s9;
	s17 =	sadd.s32 s18, s17;
	s19 =	sadd.s32 s5, s16  }
0xf: {  	s20 =	sadd.s32 s7, s16;
	s21 =	sshrl.u32 s10, $0x3;
	s22 =	sadd.s32 s0, s13  }
0x10: {  	s23 =	sshrl.u32 s12, $0x3;
	s15 =	sshrl.u32 s14, $0x3;
	[dreg:$0x4] =	wrdreg s19  }
0x11: {  	s24 =	sadd.s32 $0x309E, s16;
	s18 =	sadd.s32 $0xC40, s17;
	[dreg:$0x5] =	wrdreg s20  }
0x12: {  	s0 =	sadd.s32 s0, s21;
	s10 =	sadd.s32 $0x30D60, s22;
	s12 =	sadd.s32 s5, s23  }
0x13: {  	s13 =	sadd.s32 s7, s23;
	s14 =	sadd.s32 s5, s15;
	s15 =	sadd.s32 s7, s15  }
0x14: {  	s16 =	sadd.s32 s5, s24;
	s19 =	sadd.s32 $0x930, s17;
	s17 =	sadd.s32 s7, s24  }
0x15: {  	s26 =	sshrl.u32 s18, $0x3;
	s22 =	simm.s32 $0x4;
	s23 =	simm.s32 $0x620  }
0x16: {  	s24 =	simm.s32 $0x1;
	[dreg:$0x6] =	wrdreg s0;
	s21 =	sshrl.u32 s19, $0x3  }
0x17: {  	s18 =	sadd.s32 s26, s7;
	s19 =	sadd.s32 s26, s5;
	s26 =	simm.s32 $0xC40  }
0x18: {  	s0 =	simm.s32 $0x0;
	s20 =	sadd.s32 s21, s7;
	s21 =	sadd.s32 s21, s5  }
.LBB2_1:
0x19: {  	s5 =	rddreg [dreg:$0x3]  }
0x1a: {  	s5 =	sshrl.u32 s5, $0x3  }
0x1b: {  	[spmem:s5], [sflag:s6] =	dma.local [hbm:s3], $0x30D6  }
0x1c: {  	_ =	swait.ge [sflag:s22], $0x30D6  }
0x1d: {  	[sflag:s22] =	ssyncset.done $0x0  }
0x1e: {  	[sflag:s22] =	ssyncadd.s32 $0xFFFFCF2A  }
0x1f: {  	[bflag:$0x0] =	sbarrier.arrive $0xFFFF  }
0x20: {  	s7 =	rddreg [dreg:$0x4]  }
0x21: {  	[tilespmem:s2], [sflag:$0x1] =	stream.linear.gather [hbm4b:s7+s2], $0x310, $0x38;
	[tilespmem:$0x1F4F0] =	vst v63  }
0x22: {  	s9 =	rddreg [dreg:$0x5]  }
0x23: {  	[tilespmem:s23], [sflag:$0x1] =	stream.linear.gather [hbm4b:s9+s2], $0x310, $0x38;
	[tilespmem:$0x1F4F0] =	vst v63  }
0x24: {  	_ =	swait.ge [sflag:s24], $0x310  }
0x25: {  	[sflag:s24] =	ssyncset.done $0x0  }
0x26: {  	[sflag:s24] =	ssyncadd.s32 $0xFFFFFCF0  }
0x27: {  	_ =	swait.ge [sflag:s24], $0x310  }
0x28: {  	[sflag:s24] =	ssyncset.done $0x0  }
0x29: {  	[sflag:s24] =	ssyncadd.s32 $0xFFFFFCF0  }
0x2a: {  	[tilespmem:s26], [sflag:$0x2] =	stream.indirect.gather [hbm4b:s4+s25], $0x10, s2, s25, $0xb8;
	[tilespmem:$0x1F4F0] =	vst v63  }
0x2b: {  	_ = 	snop  }
0x2c: {  	[tilespmem:s25], [sflag:$0x1] =	stream.linear.gather [hbm4b:s12+s2], $0x310, $0x38;
	[tilespmem:$0x1F4F0] =	vst v63  }
0x2d: {  	_ = 	snop  }
0x2e: {  	[tilespmem:s28], [sflag:$0x1] =	stream.linear.gather [hbm4b:s13+s2], $0x310, $0x38;
	[tilespmem:$0x1F4F0] =	vst v63  }
0x2f: {  	_ =	swait.ge [sflag:s29], $0x3100  }
0x30: {  	[sflag:s29] =	ssyncset.done $0x0  }
0x31: {  	[sflag:s29] =	ssyncadd.s32 $0xFFFFCF00  }
0x32: {  	[spmem:s1] =	stream.indirect.scatter.add.f32 [tilespmem:s26], [sflag:$0x3], $0x10, s23, s25, $0xb8;
	[tilespmem:$0x1F4F0] =	vst v63  }
0x33: {  	_ =	swait.ge [sflag:s24], $0x310  }
0x34: {  	[sflag:s24] =	ssyncset.done $0x0  }
0x35: {  	[sflag:s24] =	ssyncadd.s32 $0xFFFFFCF0  }
0x36: {  	_ =	swait.ge [sflag:s24], $0x310  }
0x37: {  	[sflag:s24] =	ssyncset.done $0x0  }
0x38: {  	[sflag:s24] =	ssyncadd.s32 $0xFFFFFCF0  }
0x39: {  	[tilespmem:s30], [sflag:$0x2] =	stream.indirect.gather [hbm4b:s4+s25], $0x10, s25, s25, $0xb8;
	[tilespmem:$0x1F4F0] =	vst v63  }
0x3a: {  	_ =	swait.ge [sflag:s31], $0x3100  }
0x3b: {  	[sflag:s31] =	ssyncset.done $0x0  }
0x3c: {  	[sflag:s31] =	ssyncadd.s32 $0xFFFFCF00  }
0x3d: {  	[tilespmem:s2], [sflag:$0x1] =	stream.linear.gather [hbm4b:s14+s2], $0x310, $0x38;
	[tilespmem:$0x1F4F0] =	vst v63  }
0x3e: {  	_ = 	snop  }
0x3f: {  	[tilespmem:s23], [sflag:$0x1] =	stream.linear.gather [hbm4b:s15+s2], $0x310, $0x38;
	[tilespmem:$0x1F4F0] =	vst v63  }
0x40: {  	_ =	swait.ge [sflag:s29], $0x3100  }
0x41: {  	[sflag:s29] =	ssyncset.done $0x0  }
0x42: {  	[sflag:s29] =	ssyncadd.s32 $0xFFFFCF00  }
0x43: {  	[spmem:s1] =	stream.indirect.scatter.add.f32 [tilespmem:s30], [sflag:$0x3], $0x10, s28, s25, $0xb8;
	[tilespmem:$0x1F4F0] =	vst v63  }
0x44: {  	_ =	swait.ge [sflag:s24], $0x310  }
0x45: {  	[sflag:s24] =	ssyncset.done $0x0  }
0x46: {  	[sflag:s24] =	ssyncadd.s32 $0xFFFFFCF0  }
0x47: {  	_ =	swait.ge [sflag:s24], $0x310  }
0x48: {  	[sflag:s24] =	ssyncset.done $0x0  }
0x49: {  	[sflag:s24] =	ssyncadd.s32 $0xFFFFFCF0  }
0x4a: {  	[tilespmem:s26], [sflag:$0x2] =	stream.indirect.gather [hbm4b:s4+s25], $0x10, s2, s25, $0xb8;
	[tilespmem:$0x1F4F0] =	vst v63  }
0x4b: {  	_ =	swait.ge [sflag:s31], $0x3100  }
0x4c: {  	[sflag:s31] =	ssyncset.done $0x0  }
0x4d: {  	s8 =	sadd.s32 $0x0, s21;
	[sflag:s31] =	ssyncadd.s32 $0xFFFFCF00  }
0x4e: {  	[tilespmem:s25], [sflag:$0x1] =	stream.linear.gather [hbm4b:s8+s2], $0x310, $0x38;
	[tilespmem:$0x1F4F0] =	vst v63  }
0x4f: {  	s9 =	sadd.s32 $0x0, s20  }
0x50: {  	[tilespmem:s28], [sflag:$0x1] =	stream.linear.gather [hbm4b:s9+s2], $0x310, $0x38;
	[tilespmem:$0x1F4F0] =	vst v63  }
0x51: {  	_ =	swait.ge [sflag:s29], $0x3100  }
0x52: {  	[sflag:s29] =	ssyncset.done $0x0  }
0x53: {  	[sflag:s29] =	ssyncadd.s32 $0xFFFFCF00  }
0x54: {  	[spmem:s1] =	stream.indirect.scatter.add.f32 [tilespmem:s26], [sflag:$0x3], $0x10, s23, s25, $0xb8;
	[tilespmem:$0x1F4F0] =	vst v63  }
0x55: {  	_ =	swait.ge [sflag:s24], $0x310  }
0x56: {  	[sflag:s24] =	ssyncset.done $0x0  }
0x57: {  	[sflag:s24] =	ssyncadd.s32 $0xFFFFFCF0  }
0x58: {  	_ =	swait.ge [sflag:s24], $0x310  }
0x59: {  	[sflag:s24] =	ssyncset.done $0x0  }
0x5a: {  	[sflag:s24] =	ssyncadd.s32 $0xFFFFFCF0  }
0x5b: {  	[tilespmem:s30], [sflag:$0x2] =	stream.indirect.gather [hbm4b:s4+s25], $0x10, s25, s25, $0xb8;
	[tilespmem:$0x1F4F0] =	vst v63  }
0x5c: {  	_ =	swait.ge [sflag:s31], $0x3100  }
0x5d: {  	[sflag:s31] =	ssyncset.done $0x0  }
0x5e: {  	s8 =	sadd.s32 $0x0, s19;
	[sflag:s31] =	ssyncadd.s32 $0xFFFFCF00  }
0x5f: {  	[tilespmem:s2], [sflag:$0x1] =	stream.linear.gather [hbm4b:s8+s2], $0x310, $0x38;
	[tilespmem:$0x1F4F0] =	vst v63  }
0x60: {  	s9 =	sadd.s32 $0x0, s18  }
0x61: {  	[tilespmem:s23], [sflag:$0x1] =	stream.linear.gather [hbm4b:s9+s2], $0x310, $0x38;
	[tilespmem:$0x1F4F0] =	vst v63  }
0x62: {  	_ =	swait.ge [sflag:s29], $0x3100  }
0x63: {  	[sflag:s29] =	ssyncset.done $0x0  }
0x64: {  	s7 =	simm.s32 $0xC4;
	[sflag:s29] =	ssyncadd.s32 $0xFFFFCF00  }
.LBB2_2:
0x65: {  	[spmem:s1] =	stream.indirect.scatter.add.f32 [tilespmem:s30], [sflag:$0x3], $0x10, s28, s25, $0xb8;
	[tilespmem:$0x1F4F0] =	vst v63  }
0x66: {  	s8 =	smov.u32 s7  }
0x67: {  	p1 =	sne.s32 s7, $0x2EB4;
	s7 =	sadd.s32 $0xC4, s7;
	_ =	swait.ge [sflag:s24], $0x310  }
0x68: {  	[sflag:s24] =	ssyncset.done $0x0  }
0x69: {  	[sflag:s24] =	ssyncadd.s32 $0xFFFFFCF0  }
0x6a: {  	_ =	swait.ge [sflag:s24], $0x310  }
0x6b: {  	[sflag:s24] =	ssyncset.done $0x0  }
0x6c: {  	[sflag:s24] =	ssyncadd.s32 $0xFFFFFCF0  }
0x6d: {  	[tilespmem:s26], [sflag:$0x2] =	stream.indirect.gather [hbm4b:s4+s25], $0x10, s2, s25, $0xb8;
	[tilespmem:$0x1F4F0] =	vst v63  }
0x6e: {  	_ =	swait.ge [sflag:s31], $0x3100  }
0x6f: {  	[sflag:s31] =	ssyncset.done $0x0  }
0x70: {  	s9 =	sadd.s32 s8, s21;
	[sflag:s31] =	ssyncadd.s32 $0xFFFFCF00  }
0x71: {  	[tilespmem:s25], [sflag:$0x1] =	stream.linear.gather [hbm4b:s9+s2], $0x310, $0x38;
	[tilespmem:$0x1F4F0] =	vst v63  }
0x72: {  	s9 =	sadd.s32 s8, s20  }
0x73: {  	[tilespmem:s28], [sflag:$0x1] =	stream.linear.gather [hbm4b:s9+s2], $0x310, $0x38;
	[tilespmem:$0x1F4F0] =	vst v63  }
0x74: {  	_ =	swait.ge [sflag:s29], $0x3100  }
0x75: {  	[sflag:s29] =	ssyncset.done $0x0  }
0x76: {  	[sflag:s29] =	ssyncadd.s32 $0xFFFFCF00  }
0x77: {  	[spmem:s1] =	stream.indirect.scatter.add.f32 [tilespmem:s26], [sflag:$0x3], $0x10, s23, s25, $0xb8;
	[tilespmem:$0x1F4F0] =	vst v63  }
0x78: {  	_ =	swait.ge [sflag:s24], $0x310  }
0x79: {  	[sflag:s24] =	ssyncset.done $0x0  }
0x7a: {  	[sflag:s24] =	ssyncadd.s32 $0xFFFFFCF0  }
0x7b: {  	_ =	swait.ge [sflag:s24], $0x310  }
0x7c: {  	[sflag:s24] =	ssyncset.done $0x0  }
0x7d: {  	[sflag:s24] =	ssyncadd.s32 $0xFFFFFCF0  }
0x7e: {  	[tilespmem:s30], [sflag:$0x2] =	stream.indirect.gather [hbm4b:s4+s25], $0x10, s25, s25, $0xb8;
	[tilespmem:$0x1F4F0] =	vst v63  }
0x7f: {  	_ =	swait.ge [sflag:s31], $0x3100  }
0x80: {  	[sflag:s31] =	ssyncset.done $0x0  }
0x81: {  	s9 =	sadd.s32 s8, s19;
	[sflag:s31] =	ssyncadd.s32 $0xFFFFCF00  }
0x82: {  	[tilespmem:s2], [sflag:$0x1] =	stream.linear.gather [hbm4b:s9+s2], $0x310, $0x38;
	[tilespmem:$0x1F4F0] =	vst v63  }
.Ltmp0:
0x83: {  	s8 =	sadd.s32 s8, s18;
	(pc) =	sbr.rel @p1 .LBB2_2-.Ltmp0, $4  }
0x84: {  	[tilespmem:s23], [sflag:$0x1] =	stream.linear.gather [hbm4b:s8+s2], $0x310, $0x38;
	[tilespmem:$0x1F4F0] =	vst v63  }
0x85: {  	_ =	swait.ge [sflag:s29], $0x3100  }
0x86: {  	[sflag:s29] =	ssyncset.done $0x0  }
0x87: {  	[sflag:s29] =	ssyncadd.s32 $0xFFFFCF00  }
0x88: {  	[spmem:s1] =	stream.indirect.scatter.add.f32 [tilespmem:s30], [sflag:$0x3], $0x10, s28, s25, $0xb8;
	[tilespmem:$0x1F4F0] =	vst v63  }
0x89: {  	_ =	swait.ge [sflag:s24], $0x310  }
0x8a: {  	[sflag:s24] =	ssyncset.done $0x0  }
0x8b: {  	[sflag:s24] =	ssyncadd.s32 $0xFFFFFCF0  }
0x8c: {  	_ =	swait.ge [sflag:s24], $0x310  }
0x8d: {  	[sflag:s24] =	ssyncset.done $0x0  }
0x8e: {  	[sflag:s24] =	ssyncadd.s32 $0xFFFFFCF0  }
0x8f: {  	[tilespmem:s26], [sflag:$0x2] =	stream.indirect.gather [hbm4b:s4+s25], $0x10, s2, s25, $0xb8;
	[tilespmem:$0x1F4F0] =	vst v63  }
0x90: {  	_ =	swait.ge [sflag:s31], $0x3100  }
0x91: {  	[sflag:s31] =	ssyncset.done $0x0  }
0x92: {  	[sflag:s31] =	ssyncadd.s32 $0xFFFFCF00  }
0x93: {  	[tilespmem:s25], [sflag:$0x1] =	stream.linear.gather [hbm4b:s16+s2], $0x310, $0x38;
	[tilespmem:$0x1F4F0] =	vst v63  }
0x94: {  	_ = 	snop  }
0x95: {  	[tilespmem:s28], [sflag:$0x1] =	stream.linear.gather [hbm4b:s17+s2], $0x310, $0x38;
	[tilespmem:$0x1F4F0] =	vst v63  }
0x96: {  	_ =	swait.ge [sflag:s29], $0x3100  }
0x97: {  	[sflag:s29] =	ssyncset.done $0x0  }
0x98: {  	[sflag:s29] =	ssyncadd.s32 $0xFFFFCF00  }
0x99: {  	[spmem:s1] =	stream.indirect.scatter.add.f32 [tilespmem:s26], [sflag:$0x3], $0x10, s23, s25, $0xb8;
	[tilespmem:$0x1F4F0] =	vst v63  }
0x9a: {  	_ =	swait.ge [sflag:s24], $0x310  }
0x9b: {  	[sflag:s24] =	ssyncset.done $0x0  }
0x9c: {  	[sflag:s24] =	ssyncadd.s32 $0xFFFFFCF0  }
0x9d: {  	_ =	swait.ge [sflag:s24], $0x310  }
0x9e: {  	[sflag:s24] =	ssyncset.done $0x0  }
0x9f: {  	[sflag:s24] =	ssyncadd.s32 $0xFFFFFCF0  }
0xa0: {  	[tilespmem:s30], [sflag:$0x2] =	stream.indirect.gather [hbm4b:s4+s25], $0x10, s25, s25, $0xb8;
	[tilespmem:$0x1F4F0] =	vst v63  }
0xa1: {  	_ =	swait.ge [sflag:s31], $0x3100  }
0xa2: {  	[sflag:s31] =	ssyncset.done $0x0  }
0xa3: {  	[sflag:s31] =	ssyncadd.s32 $0xFFFFCF00  }
0xa4: {  	_ =	swait.ge [sflag:s29], $0x3100  }
0xa5: {  	[sflag:s29] =	ssyncset.done $0x0  }
0xa6: {  	[sflag:s29] =	ssyncadd.s32 $0xFFFFCF00  }
0xa7: {  	[spmem:s1] =	stream.indirect.scatter.add.f32 [tilespmem:s30], [sflag:$0x3], $0x10, s28, s25, $0xb8;
	[tilespmem:$0x1F4F0] =	vst v63  }
0xa8: {  	_ =	swait.ge [sflag:s31], $0x3100  }
0xa9: {  	[sflag:s31] =	ssyncset.done $0x0  }
0xaa: {  	[sflag:s31] =	ssyncadd.s32 $0xFFFFCF00  }
0xab: {  	[bflag:$0x0] =	sbarrier.arrive $0xFFFF  }
0xac: {  	s7 =	rddreg [dreg:$0x6]  }
0xad: {  	[hbm:s7], [sflag:s6] =	dma.local [spmem:s5], $0x30D6  }
0xae: {  	_ =	swait.ge [sflag:s22], $0x30D6  }
0xaf: {  	s0 =	sadd.s32 $0x1, s0;
	[sflag:s22] =	ssyncset.done $0x0  }
0xb0: {  	p1 =	sne.s32 s0, s11;
	s5 =	simm.s32 @!p0 $0x4;
	[sflag:s22] =	ssyncadd.s32 $0xFFFFCF2A  }
0xb1: {  	[hbm:s10], [sflag:s6] =	dma.local @!p0 [hbm:s3], $0x2A0  }
.Ltmp1:
0xb2: {  	_ =	swait.ge @!p0 [sflag:s5], $0x2A0;
	(pc) =	sbr.rel @p1 .LBB2_1-.Ltmp1, $3  }
0xb3: {  	[sflag:s5] =	ssyncset.done @!p0 $0x0  }
0xb4: {  	[sflag:s5] =	ssyncadd.s32 @!p0 $0xFFFFFD60  }
0xb5: {  	[bflag:$0x0] =	sbarrier.arrive $0xFFFF;
	_ =	sdelay $0x1  }
0xb6: {  	_ =	sfence.sel $0x180000  }
0xb7: {  	[bflag:$0x0] =	sbarrier.arrive $0xFFFF  }
0xb8: {  	_ =	strace $0x90000047  }
0xb9: {  	[bflag:$0x2] =	sbarrier.arrive $0xFFFF  }
0xba: {  	s0 =	rddreg [dreg:$0x2]  }
0xbb: {  	s0 =	sadd.s32 @!p0 $0x100000, s0  }
0xbc: {  	[sflag:s0] =	ssyncadd.tile.s32 @!p0 $0x1;
	_ =	shalt  }
.Lfunc_end2:
_tile_overlayer_lowered:
.L_overlay_start_2:
0xbd: {  	(tag) =	ssettag $0x2  }
0xbe: {  	s0 =	rddreg [dreg:$0x0];
	s2 =	stileid.u32  }
0xbf: {  	s1 =	rddreg [dreg:$0x1];
	p0 =	sne.s32 s2, $0x0  }
0xc0: {  	s3 =	rddreg [dreg:$0x2];
	[bflag:$0x3] =	sbarrier.arrive $0xFFFF;
	s2 =	simm.s32 @!p0 $0x1C04  }
0xc1: {  	[timem:s3], [sflag:s2] =	dma.local @!p0 [hbm:s0], s1  }
0xc2: {  	s0 =	simm.s32 @!p0 $0x4  }
0xc3: {  	_ =	swait.ge @!p0 [sflag:s0], s1  }
0xc4: {  	s1 =	ssub.s32 @!p0 $0x0, s1;
	[sflag:s0] =	ssyncset.done @!p0 $0x0  }
0xc5: {  	[sflag:s0] =	ssyncadd.s32 @!p0 s1  }
0xc6: {  	[bflag:$0x3] =	sbarrier.arrive $0xFFFF  }
0xc7: {  	_ =	shalt  }

// kernel: kernel.9.cloned.1.call-start
scs
__scs_entry_jumppad:
0x0: {  	(pc) =	sbr.rel $0x88, $3  }
0x1: {  	(tag) =	ssettag $0x0;
	lr =	simm.s32 $0x1  }
0x2: {  	[smem:$0x3F95] =	sst lr;
	_ =	strace $0xD0000000  }
0x3: {  	_ = 	snop  }
0x4: {  	_ = 	snop  }
0x5: {  	_ = 	snop  }
0x6: {  	_ = 	snop  }
0x7: {  	_ = 	snop  }
__scs_overlays_trampoline_lowered:
0x8: {  	[smem:$0x3FA4] =	sst s0  }
0x9: {  	[smem:$0x3FA5] =	sst s1  }
0xa: {  	[smem:$0x3FA6] =	sst s2  }
0xb: {  	[smem:$0x3FA7] =	sst s3  }
0xc: {  	[smem:$0x3FA8] =	sst s4  }
0xd: {  	[smem:$0x3FA9] =	sst s5  }
0xe: {  	[smem:$0x3FAA] =	sst s6  }
0xf: {  	[smem:$0x3FAB] =	sst s7  }
0x10: {  	[smem:$0x3FAC] =	sst s8  }
0x11: {  	[smem:$0x3FAD] =	sst s9;
	s0 =	simm.s32 @!p0 $0x0  }
0x12: {  	s1 =	sld [smem:$0x3F93];
	s0 =	simm.s32 @p0 $0x1  }
0x13: {  	[smem:$0x3FAE] =	sst s0;
	s0 =	simm.s32 @!p1 $0x0  }
0x14: {  	s2 =	sld [smem:$0x3F92];
	s0 =	simm.s32 @p1 $0x1  }
0x15: {  	[smem:$0x3FAF] =	sst s0;
	s0 =	simm.s32 @!p2 $0x0  }
0x16: {  	s3 =	sld [smem:$0x3FDB];
	s0 =	simm.s32 @p2 $0x1  }
0x17: {  	s4 =	simm.s32 $0x1BF5;
	[smem:$0x3FB1] =	sst s0  }
0x18: {  	s0 =	sld [smem:$0x3F94];
	_ =	swait.ge [sflag:s4], $0x0  }
0x19: {  	s7 =	sld [smem:$0x3F95]  }
0x1a: {  	s8 =	sadd.s32 $0xFFFFE003, lr  }
0x1b: {  	s9 =	sadd.s32 $0xFFFFFEF7, lr;
	s5 =	simm.s32 $0xFFFFFFFF;
	p2 =	slt.u32 s8, $0xFFFFF086  }
0x1c: {  	p1 =	slt.u32 s9, $0xF7A;
	s5 =	simm.s32 @!p2 $0x0  }
0x1d: {  	s5 =	simm.s32 @p1 $0x1;
	p0 =	seq.s32 s7, s2  }
0x1e: {  	s7 =	smul.u32 @!p0 $0xF7A, s2;
	p2 =	seq.s32 @!p0 s5, $0x0  }
0x1f: {  	s9 =	smul.u32 $0xF7A, s1;
	s8 =	simm.s32 @!p0 $0x1BF5;
	p2 =	por !p2, p0  }
0x20: {  	[sflag:s8] =	ssyncset.s32 @!p0 $0xFFFFF086;
	s6 =	sadd.s32 @!p0 s3, s7;
	s7 =	simm.s32 @!p0 $0x108  }
0x21: {  	s3 =	sadd.s32 s3, s9;
	s6 =	sadd.s32 @!p0 $0x88, s6;
	s7 =	simm.s32 @p2 $0x1082  }
0x22: {  	[simem:s7], [sflag:s8] =	dma.local @!p0 [hbm:s6], $0xF7A  }
0x23: {  	s9 =	sor.u32 $0xD0000000, s2;
	s6 =	simm.s32 $0x108;
	_ =	swait.ge @!p0 [sflag:s8], $0x0  }
0x24: {  	s3 =	sadd.s32 $0x88, s3;
	s6 =	simm.s32 @!p1 $0x1082;
	[sflag:s4] =	ssyncset.s32 $0xFFFFF086  }
0x25: {  	[simem:s6], [sflag:s4] =	dma.local [hbm:s3], $0xF7A  }
0x26: {  	[smem:$0x3F95] =	sst s1;
	(tag) =	ssettag s2;
	_ =	strace s9  }
0x27: {  	s1 =	sld [smem:$0x3FA5]  }
0x28: {  	s2 =	sld [smem:$0x3FA6]  }
0x29: {  	s4 =	sld [smem:$0x3FA8]  }
0x2a: {  	p0 =	seq.s32 s5, $0x0;
	s5 =	sld [smem:$0x3FA9]  }
0x2b: {  	s6 =	sld [smem:$0x3FAA]  }
0x2c: {  	s7 =	sld [smem:$0x3FAB]  }
0x2d: {  	s3 =	simm.s32 $0x108;
	s8 =	sld [smem:$0x3FAC]  }
0x2e: {  	s3 =	simm.s32 @!p0 $0x1082;
	s9 =	sld [smem:$0x3FAD]  }
0x2f: {  	lr =	sadd.s32 s0, s3;
	s0 =	sld [smem:$0x3FA4]  }
0x30: {  	s3 =	sld [smem:$0x3FA7]  }
0x31: {  	[smem:$0x3FB0] =	sst s10  }
0x32: {  	s10 =	sld [smem:$0x3FAE];
	_ =	sdelay $0x3  }
0x33: {  	p0 =	seq.s32 s10, $0x1;
	s10 =	sld [smem:$0x3FB0];
	_ =	sdelay $0x3  }
0x34: {  	[smem:$0x3FB0] =	sst s10  }
0x35: {  	s10 =	sld [smem:$0x3FAF];
	_ =	sdelay $0x3  }
0x36: {  	p1 =	seq.s32 s10, $0x1;
	s10 =	sld [smem:$0x3FB0];
	_ =	sdelay $0x3  }
0x37: {  	[smem:$0x3FB0] =	sst s10  }
0x38: {  	s10 =	sld [smem:$0x3FB1]  }
0x39: {  	_ = 	snop;
	(pc) =	sbr.ind lr, $3  }
0x3a: {  	_ = 	snop  }
0x3b: {  	_ = 	snop  }
0x3c: {  	p2 =	seq.s32 s10, $0x1;
	s10 =	sld [smem:$0x3FB0]  }
0x3d: {  	_ =	shalt  }
0x3e: {  	_ =	shalt  }
0x3f: {  	_ =	shalt  }
0x40: {  	_ =	shalt  }
0x41: {  	_ =	shalt  }
0x42: {  	_ =	shalt  }
0x43: {  	_ =	shalt  }
0x44: {  	_ =	shalt  }
0x45: {  	_ =	shalt  }
0x46: {  	_ =	shalt  }
0x47: {  	_ =	shalt  }
0x48: {  	_ =	shalt  }
0x49: {  	_ =	shalt  }
0x4a: {  	_ =	shalt  }
0x4b: {  	_ =	shalt  }
0x4c: {  	_ =	shalt  }
0x4d: {  	_ =	shalt  }
0x4e: {  	_ =	shalt  }
0x4f: {  	_ =	shalt  }
0x50: {  	_ =	shalt  }
0x51: {  	_ =	shalt  }
0x52: {  	_ =	shalt  }
0x53: {  	_ =	shalt  }
0x54: {  	_ =	shalt  }
0x55: {  	_ =	shalt  }
0x56: {  	_ =	shalt  }
0x57: {  	_ =	shalt  }
0x58: {  	_ =	shalt  }
0x59: {  	_ =	shalt  }
0x5a: {  	_ =	shalt  }
0x5b: {  	_ =	shalt  }
0x5c: {  	_ =	shalt  }
0x5d: {  	_ =	shalt  }
0x5e: {  	_ =	shalt  }
0x5f: {  	_ =	shalt  }
0x60: {  	_ =	shalt  }
0x61: {  	_ =	shalt  }
0x62: {  	_ =	shalt  }
0x63: {  	_ =	shalt  }
0x64: {  	_ =	shalt  }
0x65: {  	_ =	shalt  }
0x66: {  	_ =	shalt  }
0x67: {  	_ =	shalt  }
0x68: {  	_ =	shalt  }
0x69: {  	_ =	shalt  }
0x6a: {  	_ =	shalt  }
0x6b: {  	_ =	shalt  }
0x6c: {  	_ =	shalt  }
0x6d: {  	_ =	shalt  }
0x6e: {  	_ =	shalt  }
0x6f: {  	_ =	shalt  }
0x70: {  	_ =	shalt  }
0x71: {  	_ =	shalt  }
0x72: {  	_ =	shalt  }
0x73: {  	_ =	shalt  }
0x74: {  	_ =	shalt  }
0x75: {  	_ =	shalt  }
0x76: {  	_ =	shalt  }
0x77: {  	_ =	shalt  }
0x78: {  	_ =	shalt  }
0x79: {  	_ =	shalt  }
0x7a: {  	_ =	shalt  }
0x7b: {  	_ =	shalt  }
0x7c: {  	_ =	shalt  }
0x7d: {  	_ =	shalt  }
0x7e: {  	_ =	shalt  }
0x7f: {  	_ =	shalt  }
0x80: {  	_ =	shalt  }
0x81: {  	_ =	shalt  }
0x82: {  	_ =	shalt  }
0x83: {  	_ =	shalt  }
0x84: {  	_ =	shalt  }
0x85: {  	_ =	shalt  }
0x86: {  	_ =	shalt  }
0x87: {  	_ =	shalt  }
.Lfunc_end0:
.L_simem_size_0:
called_computation.1_lowered:
.L_overlay_start_0:
0x88: {  	s2 =	sld [smem:$0x3FD9]  }
0x89: {  	s3 =	sld [smem:$0x3FFE];
	_ =	sdelay $0x1  }
0x8a: {  	s1 =	srdreg.scid  }
0x8b: {  	s0 =	sand.u32 $0x1, s1  }
0x8c: {  	s16 =	sshll.u32 s0, $0xA;
	s2 =	sadd.s32 s3, s2  }
0x8d: {  	s2 =	sadd.s32 s2, s16  }
0x8e: {  	[smem:$0x3FBC] =	sst s2  }
0x8f: {  	_ = 	snop  }
0x90: {  	(tm) =	ssettm $0x1  }
0x91: {  	s17 =	sld [smem:$0x3FFB];
	_ =	sdelay $0x3  }
0x92: {  	_ =	strace s17  }
0x93: {  	s2 =	sld [smem:$0x3FFC];
	_ =	sdelay $0x3  }
0x94: {  	_ =	strace s2  }
0x95: {  	s2 =	sld [smem:$0x3FFD];
	_ =	sdelay $0x3  }
0x96: {  	_ =	strace s2  }
0x97: {  	_ =	strace $0x8FFFFFFF  }
0x98: {  	s18 =	sld [smem:$0x3FDB];
	_ =	sdelay $0x1  }
0x99: {  	s19 =	simm.s32 $_scs_section_size  }
0x9a: {  	s4 =	simm.s32 $_size__tile_overlayer_lowered;
	s5 =	simm.s32 $_tile_overlayer_lowered  }
0x9b: {  	s22 =	simm.s32 $0x1BFF;
	s21 =	sshll.u32 s5, $0x1;
	s2 =	sadd.s32 s19, s18  }
0x9c: {  	s6 =	simm.s32 $0x0;
	s20 =	sshll.u32 s4, $0x1;
	s4 =	sadd.s32 s21, s2  }
0x9d: {  	[timem:s6], [sflag:s22] =	dma.local [hbm:s4], s20  }
0x9e: {  	_ =	swait.ge [sflag:s22], s20  }
0x9f: {  	s3 =	ssub.s32 $0x0, s20;
	[sflag:s22] =	ssyncset.done $0x0  }
0xa0: {  	[sflag:s22] =	ssyncadd.s32 s3;
	_ =	sdelay $0x1  }
0xa1: {  	s23 =	simm.s32 $0x1B8B  }
0xa2: {  	_ =	swait.ge [sflag:s23], $0x1  }
0xa3: {  	[sflag:s23] =	ssyncset.done $0x0  }
0xa4: {  	s25 =	simm.s32 $0x1B8E;
	s24 =	sld [smem:$0x3FFE];
	[sflag:s23] =	ssyncadd.s32 $0xFFFFFFFF  }
0xa5: {  	s26 =	simm.s32 $execute0_lowered;
	[smem:$0x3FD2] =	sst s25  }
0xa6: {  	s4 =	sshll.u32 s26, $0x1;
	_ =	strace $0x80000049;
	[dreg:$0x1] =	wrdreg $0xFFFFFFFF  }
0xa7: {  	s28 =	simm.s32 $_size_execute0_lowered;
	s2 =	sadd.s32 s2, s4;
	[dreg:$0x0] =	wrdreg $0x0  }
0xa8: {  	s4 =	sshll.u32 s28, $0x1;
	[dreg:$0x2] =	wrdreg s2  }
0xa9: {  	[dreg:$0x3] =	wrdreg s4  }
0xaa: {  	[dreg:$0x4] =	wrdreg $0xC0  }
0xab: {  	_ =	task [dreg:s6], $0x5FFFF  }
0xac: {  	[dreg:$0x1] =	wrdreg $0xFFFFFFFF  }
0xad: {  	[dreg:$0x0] =	wrdreg $0x60  }
0xae: {  	[dreg:$0x2] =	wrdreg s24  }
0xaf: {  	[dreg:$0x3] =	wrdreg $0x6E400  }
0xb0: {  	[dreg:$0x4] =	wrdreg $0x9  }
0xb1: {  	_ =	task.clear_ibuf [dreg:s6], $0x5FFFF;
	_ =	strace $0x90000049  }
0xb2: {  	s29 =	simm.s32 $0x9;
	_ =	strace $0x8000004B  }
0xb3: {  	_ =	swait.ge [sflag:s29], $0x1  }
0xb4: {  	[sflag:s29] =	ssyncadd.s32 $0xFFFFFFFF  }
0xb5: {  	_ =	strace $0x9000004B  }
0xb6: {  	_ =	sfence  }
0xb7: {  	s30 =	sld [smem:$0x0];
	_ =	sdelay $0x2  }
0xb8: {  	s31 =	sshll.u32 s1, $0xD;
	s1 =	sshrl.u32 s1, $0x2  }
0xb9: {  	s3 =	sand.u32 $0x4000, s31;
	s1 =	sadd.s32 s1, s30  }
0xba: {  	s0 =	sor.u32 s3, s0;
	s1 =	sshll.u32 s1, $0x11  }
0xbb: {  	s0 =	sor.u32 s1, s0  }
0xbc: {  	s0 =	sadd.s32 $0x8F2B, s0  }
0xbd: {  	[sflag:s0] =	ssyncadd.remote.s32 $0x1  }
0xbe: {  	_ =	sfence.sel $0xFFFF  }
0xbf: {  	[dreg:$0x0] =	wrdreg $0xFFFFFFFF;
	(pc) =	sbr.abs _section_cstart, $3  }
0xc0: {  	[dreg:$0x1] =	wrdreg $0xFFFFFFFF  }
0xc1: {  	_ =	task.clear_ibuf [dreg:s6], $0x2FFFF;
	_ =	strace $0x9FFFFFFF  }
0xc2: {  	(tm) =	ssettm $0x7FFFFFFF  }
0xc3: {  	_ =	shalt  }
tec
execute0_lowered:
.L_overlay_start_1:
0x0: {  	(tag) =	ssettag $0x1  }
0x1: {  	s0 =	rddreg [dreg:$0x0]  }
0x2: {  	s1 =	rddreg [dreg:$0x1]  }
0x3: {  	s2 =	simm.s32 $0x0;
	s3 =	srdreg.scid;
	s21 =	stileid.u32  }
0x4: {  	s28 =	simm.s32 $0x2;
	s29 =	simm.s32 $0x3D40;
	s30 =	simm.s32 $0x3  }
0x5: {  	s31 =	simm.s32 $0x0;
	[smem:$0x7FF] =	sst s2;
	s8 =	sand.u32 $0x1, s3  }
0x6: {  	s10 =	sadd.s32 $0x94800, s0;
	s19 =	sadd.s32 $0x32800, s0;
	s3 =	sadd.s32 $0x15BA00, s0  }
0x7: {  	s5 =	sadd.s32 $0x12AA00, s0;
	s22 =	smul.u32 $0x186B0, s21;
	s7 =	sadd.s32 $0x1800, s0  }
0x8: {  	s20 =	smul.u32 $0x18800, s21;
	p0 =	sne.s32 s21, $0x0;
	_ =	strace $0x8000004A  }
0x9: {  	s4 =	sshll.u32 s8, $0x4;
	s9 =	ssub.s32 $0x2, s8;
	s13 =	smul.u32 $0x620000, s8  }
0xa: {  	s8 =	smul.u32 $0x188000, s8;
	s6 =	sor.u32 s21, s4;
	s4 =	sadd.s32 $0xF6800, s0  }
0xb: {  	s12 =	sshrl.u32 s9, $0x1;
	s11 =	smul.u32 $0x18800, s6;
	s6 =	sadd.s32 $0xF9A00, s0  }
0xc: {  	s0 =	sadd.s32 $0x18CA00, s0;
	s23 =	ssub.s32 s9, s12;
	s9 =	sadd.s32 s22, s13  }
0xd: {  	s17 =	sshrl.u32 s13, $0x3;
	s8 =	sadd.s32 s20, s8;
	s12 =	sshrl.u32 s9, $0x3  }
0xe: {  	s23 =	smax.u32 s23, $0x1;
	s14 =	sshrl.u32 s11, $0x3;
	s15 =	sor.u32 $0x310, s11  }
0xf: {  	s16 =	sor.u32 $0x620, s11;
	s9 =	sadd.s32 s0, s12;
	s0 =	sadd.s32 s0, s17  }
0x10: {  	[dreg:$0xc] =	wrdreg s23;
	s23 =	simm.s32 $0x1;
	s25 =	sadd.s32 s10, s14  }
0x11: {  	s26 =	sadd.s32 s19, s14;
	s18 =	sshrl.u32 s15, $0x3;
	[dreg:$0x5] =	wrdreg s9  }
0x12: {  	s16 =	sshrl.u32 s16, $0x3;
	s17 =	sadd.s32 $0x309E, s14;
	[dreg:$0x3] =	wrdreg s25  }
0x13: {  	s11 =	sadd.s32 $0x61D60, s0;
	[dreg:$0x4] =	wrdreg s26;
	s24 =	sadd.s32 s10, s18  }
0x14: {  	s12 =	sadd.s32 s19, s18;
	s13 =	sadd.s32 s10, s16;
	s14 =	sadd.s32 s19, s16  }
0x15: {  	s15 =	sadd.s32 s10, s17;
	s18 =	sadd.s32 $0xC40, s8;
	s16 =	sadd.s32 s19, s17  }
0x16: {  	s8 =	sadd.s32 $0x930, s8;
	s25 =	sshll.u32 s21, $0x6;
	[dreg:$0x9] =	wrdreg s11  }
0x17: {  	s26 =	sadd.s32 s22, s1;
	s21 =	sadd.s32 $0x92D60, s0;
	[dreg:$0x6] =	wrdreg s24  }
0x18: {  	s18 =	sshrl.u32 s18, $0x3;
	s8 =	sshrl.u32 s8, $0x3;
	[dreg:$0x7] =	wrdreg s26  }
0x19: {  	s22 =	sor.u32 $0x1C04, s25;
	[dreg:$0xa] =	wrdreg s21;
	s24 =	sadd.s32 $0x31000, s9  }
0x1a: {  	s25 =	sadd.s32 $0x62000, s9;
	s26 =	sadd.s32 $0x93000, s9;
	s21 =	simm.s32 $0x620  }
0x1b: {  	s17 =	sadd.s32 s18, s19;
	s18 =	sadd.s32 s18, s10;
	[dreg:$0xd] =	wrdreg s24  }
0x1c: {  	s19 =	sadd.s32 s8, s19;
	s20 =	sadd.s32 s8, s10;
	[dreg:$0xe] =	wrdreg s25  }
0x1d: {  	s10 =	sadd.s32 $0x30D60, s0;
	s0 =	sadd.s32 $0xC3D60, s0;
	[dreg:$0xf] =	wrdreg s26  }
0x1e: {  	s24 =	simm.s32 $0x310;
	s25 =	simm.s32 $0xC40;
	[dreg:$0x8] =	wrdreg s10  }
0x1f: {  	s26 =	simm.s32 $0x930;
	[dreg:$0xb] =	wrdreg s0;
	s0 =	simm.s32 $0x4  }
.LBB2_1:
0x20: {  	s8 =	rddreg [dreg:$0x7]  }
0x21: {  	s10 =	sshrl.u32 s8, $0x3  }
0x22: {  	[spmem:s10], [sflag:s22] =	dma.local [hbm:s4], $0x30D6  }
0x23: {  	_ =	swait.ge [sflag:s0], $0x30D6  }
0x24: {  	[sflag:s0] =	ssyncset.done $0x0  }
0x25: {  	[sflag:s0] =	ssyncadd.s32 $0xFFFFCF2A  }
0x26: {  	[bflag:$0x0] =	sbarrier.arrive $0xFFFF  }
0x27: {  	s11 =	rddreg [dreg:$0x3]  }
0x28: {  	[tilespmem:s2], [sflag:$0x1] =	stream.linear.gather [hbm4b:s11+s2], $0x310, $0x38;
	[tilespmem:$0x1F4F0] =	vst v63  }
0x29: {  	s9 =	rddreg [dreg:$0x4]  }
0x2a: {  	[tilespmem:s21], [sflag:$0x1] =	stream.linear.gather [hbm4b:s9+s2], $0x310, $0x38;
	[tilespmem:$0x1F4F0] =	vst v63  }
0x2b: {  	_ =	swait.ge [sflag:s23], $0x310  }
0x2c: {  	[sflag:s23] =	ssyncset.done $0x0  }
0x2d: {  	[sflag:s23] =	ssyncadd.s32 $0xFFFFFCF0  }
0x2e: {  	_ =	swait.ge [sflag:s23], $0x310  }
0x2f: {  	[sflag:s23] =	ssyncset.done $0x0  }
0x30: {  	[sflag:s23] =	ssyncadd.s32 $0xFFFFFCF0  }
0x31: {  	[tilespmem:s25], [sflag:$0x2] =	stream.indirect.gather [hbm4b:s3+s24], $0x10, s2, s24, $0xb8;
	[tilespmem:$0x1F4F0] =	vst v63  }
0x32: {  	s11 =	rddreg [dreg:$0x6]  }
0x33: {  	[tilespmem:s24], [sflag:$0x1] =	stream.linear.gather [hbm4b:s11+s2], $0x310, $0x38;
	[tilespmem:$0x1F4F0] =	vst v63  }
0x34: {  	_ = 	snop  }
0x35: {  	[tilespmem:s26], [sflag:$0x1] =	stream.linear.gather [hbm4b:s12+s2], $0x310, $0x38;
	[tilespmem:$0x1F4F0] =	vst v63  }
0x36: {  	_ =	swait.ge [sflag:s28], $0x3100  }
0x37: {  	[sflag:s28] =	ssyncset.done $0x0  }
0x38: {  	[sflag:s28] =	ssyncadd.s32 $0xFFFFCF00  }
0x39: {  	[spmem:s1] =	stream.indirect.scatter.add.f32 [tilespmem:s25], [sflag:$0x3], $0x10, s21, s24, $0xb8;
	[tilespmem:$0x1F4F0] =	vst v63  }
0x3a: {  	_ =	swait.ge [sflag:s23], $0x310  }
0x3b: {  	[sflag:s23] =	ssyncset.done $0x0  }
0x3c: {  	[sflag:s23] =	ssyncadd.s32 $0xFFFFFCF0  }
0x3d: {  	_ =	swait.ge [sflag:s23], $0x310  }
0x3e: {  	[sflag:s23] =	ssyncset.done $0x0  }
0x3f: {  	[sflag:s23] =	ssyncadd.s32 $0xFFFFFCF0  }
0x40: {  	[tilespmem:s29], [sflag:$0x2] =	stream.indirect.gather [hbm4b:s3+s24], $0x10, s24, s24, $0xb8;
	[tilespmem:$0x1F4F0] =	vst v63  }
0x41: {  	_ =	swait.ge [sflag:s30], $0x3100  }
0x42: {  	[sflag:s30] =	ssyncset.done $0x0  }
0x43: {  	[sflag:s30] =	ssyncadd.s32 $0xFFFFCF00  }
0x44: {  	[tilespmem:s2], [sflag:$0x1] =	stream.linear.gather [hbm4b:s13+s2], $0x310, $0x38;
	[tilespmem:$0x1F4F0] =	vst v63  }
0x45: {  	_ = 	snop  }
0x46: {  	[tilespmem:s21], [sflag:$0x1] =	stream.linear.gather [hbm4b:s14+s2], $0x310, $0x38;
	[tilespmem:$0x1F4F0] =	vst v63  }
0x47: {  	_ =	swait.ge [sflag:s28], $0x3100  }
0x48: {  	[sflag:s28] =	ssyncset.done $0x0  }
0x49: {  	[sflag:s28] =	ssyncadd.s32 $0xFFFFCF00  }
0x4a: {  	[spmem:s1] =	stream.indirect.scatter.add.f32 [tilespmem:s29], [sflag:$0x3], $0x10, s26, s24, $0xb8;
	[tilespmem:$0x1F4F0] =	vst v63  }
0x4b: {  	_ =	swait.ge [sflag:s23], $0x310  }
0x4c: {  	[sflag:s23] =	ssyncset.done $0x0  }
0x4d: {  	[sflag:s23] =	ssyncadd.s32 $0xFFFFFCF0  }
0x4e: {  	_ =	swait.ge [sflag:s23], $0x310  }
0x4f: {  	[sflag:s23] =	ssyncset.done $0x0  }
0x50: {  	[sflag:s23] =	ssyncadd.s32 $0xFFFFFCF0  }
0x51: {  	[tilespmem:s25], [sflag:$0x2] =	stream.indirect.gather [hbm4b:s3+s24], $0x10, s2, s24, $0xb8;
	[tilespmem:$0x1F4F0] =	vst v63  }
0x52: {  	_ =	swait.ge [sflag:s30], $0x3100  }
0x53: {  	[sflag:s30] =	ssyncset.done $0x0  }
0x54: {  	s9 =	sadd.s32 $0x0, s20;
	[sflag:s30] =	ssyncadd.s32 $0xFFFFCF00  }
0x55: {  	[tilespmem:s24], [sflag:$0x1] =	stream.linear.gather [hbm4b:s9+s2], $0x310, $0x38;
	[tilespmem:$0x1F4F0] =	vst v63  }
0x56: {  	s11 =	sadd.s32 $0x0, s19  }
0x57: {  	[tilespmem:s26], [sflag:$0x1] =	stream.linear.gather [hbm4b:s11+s2], $0x310, $0x38;
	[tilespmem:$0x1F4F0] =	vst v63  }
0x58: {  	_ =	swait.ge [sflag:s28], $0x3100  }
0x59: {  	[sflag:s28] =	ssyncset.done $0x0  }
0x5a: {  	[sflag:s28] =	ssyncadd.s32 $0xFFFFCF00  }
0x5b: {  	[spmem:s1] =	stream.indirect.scatter.add.f32 [tilespmem:s25], [sflag:$0x3], $0x10, s21, s24, $0xb8;
	[tilespmem:$0x1F4F0] =	vst v63  }
0x5c: {  	_ =	swait.ge [sflag:s23], $0x310  }
0x5d: {  	[sflag:s23] =	ssyncset.done $0x0  }
0x5e: {  	[sflag:s23] =	ssyncadd.s32 $0xFFFFFCF0  }
0x5f: {  	_ =	swait.ge [sflag:s23], $0x310  }
0x60: {  	[sflag:s23] =	ssyncset.done $0x0  }
0x61: {  	[sflag:s23] =	ssyncadd.s32 $0xFFFFFCF0  }
0x62: {  	[tilespmem:s29], [sflag:$0x2] =	stream.indirect.gather [hbm4b:s3+s24], $0x10, s24, s24, $0xb8;
	[tilespmem:$0x1F4F0] =	vst v63  }
0x63: {  	_ =	swait.ge [sflag:s30], $0x3100  }
0x64: {  	[sflag:s30] =	ssyncset.done $0x0  }
0x65: {  	s9 =	sadd.s32 $0x0, s18;
	[sflag:s30] =	ssyncadd.s32 $0xFFFFCF00  }
0x66: {  	[tilespmem:s2], [sflag:$0x1] =	stream.linear.gather [hbm4b:s9+s2], $0x310, $0x38;
	[tilespmem:$0x1F4F0] =	vst v63  }
0x67: {  	s11 =	sadd.s32 $0x0, s17  }
0x68: {  	[tilespmem:s21], [sflag:$0x1] =	stream.linear.gather [hbm4b:s11+s2], $0x310, $0x38;
	[tilespmem:$0x1F4F0] =	vst v63  }
0x69: {  	_ =	swait.ge [sflag:s28], $0x3100  }
0x6a: {  	[sflag:s28] =	ssyncset.done $0x0  }
0x6b: {  	s8 =	simm.s32 $0xC4;
	[sflag:s28] =	ssyncadd.s32 $0xFFFFCF00  }
.LBB2_2:
0x6c: {  	[spmem:s1] =	stream.indirect.scatter.add.f32 [tilespmem:s29], [sflag:$0x3], $0x10, s26, s24, $0xb8;
	[tilespmem:$0x1F4F0] =	vst v63  }
0x6d: {  	s9 =	smov.u32 s8  }
0x6e: {  	p1 =	sne.s32 s8, $0x2EB4;
	s8 =	sadd.s32 $0xC4, s8;
	_ =	swait.ge [sflag:s23], $0x310  }
0x6f: {  	[sflag:s23] =	ssyncset.done $0x0  }
0x70: {  	[sflag:s23] =	ssyncadd.s32 $0xFFFFFCF0  }
0x71: {  	_ =	swait.ge [sflag:s23], $0x310  }
0x72: {  	[sflag:s23] =	ssyncset.done $0x0  }
0x73: {  	[sflag:s23] =	ssyncadd.s32 $0xFFFFFCF0  }
0x74: {  	[tilespmem:s25], [sflag:$0x2] =	stream.indirect.gather [hbm4b:s3+s24], $0x10, s2, s24, $0xb8;
	[tilespmem:$0x1F4F0] =	vst v63  }
0x75: {  	_ =	swait.ge [sflag:s30], $0x3100  }
0x76: {  	[sflag:s30] =	ssyncset.done $0x0  }
0x77: {  	s11 =	sadd.s32 s9, s20;
	[sflag:s30] =	ssyncadd.s32 $0xFFFFCF00  }
0x78: {  	[tilespmem:s24], [sflag:$0x1] =	stream.linear.gather [hbm4b:s11+s2], $0x310, $0x38;
	[tilespmem:$0x1F4F0] =	vst v63  }
0x79: {  	s11 =	sadd.s32 s9, s19  }
0x7a: {  	[tilespmem:s26], [sflag:$0x1] =	stream.linear.gather [hbm4b:s11+s2], $0x310, $0x38;
	[tilespmem:$0x1F4F0] =	vst v63  }
0x7b: {  	_ =	swait.ge [sflag:s28], $0x3100  }
0x7c: {  	[sflag:s28] =	ssyncset.done $0x0  }
0x7d: {  	[sflag:s28] =	ssyncadd.s32 $0xFFFFCF00  }
0x7e: {  	[spmem:s1] =	stream.indirect.scatter.add.f32 [tilespmem:s25], [sflag:$0x3], $0x10, s21, s24, $0xb8;
	[tilespmem:$0x1F4F0] =	vst v63  }
0x7f: {  	_ =	swait.ge [sflag:s23], $0x310  }
0x80: {  	[sflag:s23] =	ssyncset.done $0x0  }
0x81: {  	[sflag:s23] =	ssyncadd.s32 $0xFFFFFCF0  }
0x82: {  	_ =	swait.ge [sflag:s23], $0x310  }
0x83: {  	[sflag:s23] =	ssyncset.done $0x0  }
0x84: {  	[sflag:s23] =	ssyncadd.s32 $0xFFFFFCF0  }
0x85: {  	[tilespmem:s29], [sflag:$0x2] =	stream.indirect.gather [hbm4b:s3+s24], $0x10, s24, s24, $0xb8;
	[tilespmem:$0x1F4F0] =	vst v63  }
0x86: {  	_ =	swait.ge [sflag:s30], $0x3100  }
0x87: {  	[sflag:s30] =	ssyncset.done $0x0  }
0x88: {  	s11 =	sadd.s32 s9, s18;
	[sflag:s30] =	ssyncadd.s32 $0xFFFFCF00  }
0x89: {  	[tilespmem:s2], [sflag:$0x1] =	stream.linear.gather [hbm4b:s11+s2], $0x310, $0x38;
	[tilespmem:$0x1F4F0] =	vst v63  }
.Ltmp0:
0x8a: {  	s9 =	sadd.s32 s9, s17;
	(pc) =	sbr.rel @p1 .LBB2_2-.Ltmp0, $4  }
0x8b: {  	[tilespmem:s21], [sflag:$0x1] =	stream.linear.gather [hbm4b:s9+s2], $0x310, $0x38;
	[tilespmem:$0x1F4F0] =	vst v63  }
0x8c: {  	_ =	swait.ge [sflag:s28], $0x3100  }
0x8d: {  	[sflag:s28] =	ssyncset.done $0x0  }
0x8e: {  	[sflag:s28] =	ssyncadd.s32 $0xFFFFCF00  }
0x8f: {  	[spmem:s1] =	stream.indirect.scatter.add.f32 [tilespmem:s29], [sflag:$0x3], $0x10, s26, s24, $0xb8;
	[tilespmem:$0x1F4F0] =	vst v63  }
0x90: {  	_ =	swait.ge [sflag:s23], $0x310  }
0x91: {  	[sflag:s23] =	ssyncset.done $0x0  }
0x92: {  	[sflag:s23] =	ssyncadd.s32 $0xFFFFFCF0  }
0x93: {  	_ =	swait.ge [sflag:s23], $0x310  }
0x94: {  	[sflag:s23] =	ssyncset.done $0x0  }
0x95: {  	[sflag:s23] =	ssyncadd.s32 $0xFFFFFCF0  }
0x96: {  	[tilespmem:s25], [sflag:$0x2] =	stream.indirect.gather [hbm4b:s3+s24], $0x10, s2, s24, $0xb8;
	[tilespmem:$0x1F4F0] =	vst v63  }
0x97: {  	_ =	swait.ge [sflag:s30], $0x3100  }
0x98: {  	[sflag:s30] =	ssyncset.done $0x0  }
0x99: {  	[sflag:s30] =	ssyncadd.s32 $0xFFFFCF00  }
0x9a: {  	[tilespmem:s24], [sflag:$0x1] =	stream.linear.gather [hbm4b:s15+s2], $0x310, $0x38;
	[tilespmem:$0x1F4F0] =	vst v63  }
0x9b: {  	_ = 	snop  }
0x9c: {  	[tilespmem:s26], [sflag:$0x1] =	stream.linear.gather [hbm4b:s16+s2], $0x310, $0x38;
	[tilespmem:$0x1F4F0] =	vst v63  }
0x9d: {  	_ =	swait.ge [sflag:s28], $0x3100  }
0x9e: {  	[sflag:s28] =	ssyncset.done $0x0  }
0x9f: {  	[sflag:s28] =	ssyncadd.s32 $0xFFFFCF00  }
0xa0: {  	[spmem:s1] =	stream.indirect.scatter.add.f32 [tilespmem:s25], [sflag:$0x3], $0x10, s21, s24, $0xb8;
	[tilespmem:$0x1F4F0] =	vst v63  }
0xa1: {  	_ =	swait.ge [sflag:s23], $0x310  }
0xa2: {  	[sflag:s23] =	ssyncset.done $0x0  }
0xa3: {  	[sflag:s23] =	ssyncadd.s32 $0xFFFFFCF0  }
0xa4: {  	_ =	swait.ge [sflag:s23], $0x310  }
0xa5: {  	[sflag:s23] =	ssyncset.done $0x0  }
0xa6: {  	[sflag:s23] =	ssyncadd.s32 $0xFFFFFCF0  }
0xa7: {  	[tilespmem:s29], [sflag:$0x2] =	stream.indirect.gather [hbm4b:s3+s24], $0x10, s24, s24, $0xb8;
	[tilespmem:$0x1F4F0] =	vst v63  }
0xa8: {  	_ =	swait.ge [sflag:s30], $0x3100  }
0xa9: {  	[sflag:s30] =	ssyncset.done $0x0  }
0xaa: {  	[sflag:s30] =	ssyncadd.s32 $0xFFFFCF00  }
0xab: {  	_ =	swait.ge [sflag:s28], $0x3100  }
0xac: {  	[sflag:s28] =	ssyncset.done $0x0  }
0xad: {  	[sflag:s28] =	ssyncadd.s32 $0xFFFFCF00  }
0xae: {  	[spmem:s1] =	stream.indirect.scatter.add.f32 [tilespmem:s29], [sflag:$0x3], $0x10, s26, s24, $0xb8;
	[tilespmem:$0x1F4F0] =	vst v63  }
0xaf: {  	_ =	swait.ge [sflag:s30], $0x3100  }
0xb0: {  	[sflag:s30] =	ssyncset.done $0x0  }
0xb1: {  	[sflag:s30] =	ssyncadd.s32 $0xFFFFCF00  }
0xb2: {  	[bflag:$0x0] =	sbarrier.arrive $0xFFFF  }
0xb3: {  	s8 =	rddreg [dreg:$0x5]  }
0xb4: {  	[hbm:s8], [sflag:s22] =	dma.local [spmem:s10], $0x30D6  }
0xb5: {  	_ =	swait.ge [sflag:s0], $0x30D6  }
0xb6: {  	[sflag:s0] =	ssyncset.done $0x0  }
0xb7: {  	s8 =	rddreg [dreg:$0x8];
	[sflag:s0] =	ssyncadd.s32 $0xFFFFCF2A  }
0xb8: {  	[hbm:s8], [sflag:s22] =	dma.local @!p0 [hbm:s4], $0x2A0  }
0xb9: {  	s8 =	simm.s32 @!p0 $0x4  }
0xba: {  	_ =	swait.ge @!p0 [sflag:s8], $0x2A0  }
0xbb: {  	[sflag:s8] =	ssyncset.done @!p0 $0x0  }
0xbc: {  	[sflag:s8] =	ssyncadd.s32 @!p0 $0xFFFFFD60  }
0xbd: {  	[spmem:s10], [sflag:s22] =	dma.local [hbm:s4], $0x30D6  }
0xbe: {  	_ =	swait.ge [sflag:s0], $0x30D6  }
0xbf: {  	[sflag:s0] =	ssyncset.done $0x0  }
0xc0: {  	[sflag:s0] =	ssyncadd.s32 $0xFFFFCF2A  }
0xc1: {  	[bflag:$0x0] =	sbarrier.arrive $0xFFFF  }
0xc2: {  	s8 =	simm.s32 $0x0;
	s9 =	rddreg [dreg:$0x3]  }
0xc3: {  	[tilespmem:s8], [sflag:$0x1] =	stream.linear.gather [hbm4b:s9+s8], $0x310, $0x38;
	[tilespmem:$0x1F4F0] =	vst v63  }
0xc4: {  	s11 =	rddreg [dreg:$0x4]  }
0xc5: {  	[tilespmem:s21], [sflag:$0x1] =	stream.linear.gather [hbm4b:s11+s8], $0x310, $0x38;
	[tilespmem:$0x1F4F0] =	vst v63  }
0xc6: {  	_ =	swait.ge [sflag:s23], $0x310  }
0xc7: {  	[sflag:s23] =	ssyncset.done $0x0  }
0xc8: {  	[sflag:s23] =	ssyncadd.s32 $0xFFFFFCF0  }
0xc9: {  	_ =	swait.ge [sflag:s23], $0x310  }
0xca: {  	[sflag:s23] =	ssyncset.done $0x0  }
0xcb: {  	[sflag:s23] =	ssyncadd.s32 $0xFFFFFCF0  }
0xcc: {  	[tilespmem:s25], [sflag:$0x2] =	stream.indirect.gather [hbm4b:s5+s24], $0x10, s8, s24, $0xb8;
	[tilespmem:$0x1F4F0] =	vst v63  }
0xcd: {  	s11 =	rddreg [dreg:$0x6]  }
0xce: {  	[tilespmem:s24], [sflag:$0x1] =	stream.linear.gather [hbm4b:s11+s8], $0x310, $0x38;
	[tilespmem:$0x1F4F0] =	vst v63  }
0xcf: {  	_ = 	snop  }
0xd0: {  	[tilespmem:s26], [sflag:$0x1] =	stream.linear.gather [hbm4b:s12+s8], $0x310, $0x38;
	[tilespmem:$0x1F4F0] =	vst v63  }
0xd1: {  	_ =	swait.ge [sflag:s28], $0x3100  }
0xd2: {  	[sflag:s28] =	ssyncset.done $0x0  }
0xd3: {  	[sflag:s28] =	ssyncadd.s32 $0xFFFFCF00  }
0xd4: {  	[spmem:s1] =	stream.indirect.scatter.add.f32 [tilespmem:s25], [sflag:$0x3], $0x10, s21, s24, $0xb8;
	[tilespmem:$0x1F4F0] =	vst v63  }
0xd5: {  	_ =	swait.ge [sflag:s23], $0x310  }
0xd6: {  	[sflag:s23] =	ssyncset.done $0x0  }
0xd7: {  	[sflag:s23] =	ssyncadd.s32 $0xFFFFFCF0  }
0xd8: {  	_ =	swait.ge [sflag:s23], $0x310  }
0xd9: {  	[sflag:s23] =	ssyncset.done $0x0  }
0xda: {  	[sflag:s23] =	ssyncadd.s32 $0xFFFFFCF0  }
0xdb: {  	[tilespmem:s29], [sflag:$0x2] =	stream.indirect.gather [hbm4b:s5+s24], $0x10, s24, s24, $0xb8;
	[tilespmem:$0x1F4F0] =	vst v63  }
0xdc: {  	_ =	swait.ge [sflag:s30], $0x3100  }
0xdd: {  	[sflag:s30] =	ssyncset.done $0x0  }
0xde: {  	[sflag:s30] =	ssyncadd.s32 $0xFFFFCF00  }
0xdf: {  	[tilespmem:s8], [sflag:$0x1] =	stream.linear.gather [hbm4b:s13+s8], $0x310, $0x38;
	[tilespmem:$0x1F4F0] =	vst v63  }
0xe0: {  	_ = 	snop  }
0xe1: {  	[tilespmem:s21], [sflag:$0x1] =	stream.linear.gather [hbm4b:s14+s8], $0x310, $0x38;
	[tilespmem:$0x1F4F0] =	vst v63  }
0xe2: {  	_ =	swait.ge [sflag:s28], $0x3100  }
0xe3: {  	[sflag:s28] =	ssyncset.done $0x0  }
0xe4: {  	[sflag:s28] =	ssyncadd.s32 $0xFFFFCF00  }
0xe5: {  	[spmem:s1] =	stream.indirect.scatter.add.f32 [tilespmem:s29], [sflag:$0x3], $0x10, s26, s24, $0xb8;
	[tilespmem:$0x1F4F0] =	vst v63  }
0xe6: {  	_ =	swait.ge [sflag:s23], $0x310  }
0xe7: {  	[sflag:s23] =	ssyncset.done $0x0  }
0xe8: {  	[sflag:s23] =	ssyncadd.s32 $0xFFFFFCF0  }
0xe9: {  	_ =	swait.ge [sflag:s23], $0x310  }
0xea: {  	[sflag:s23] =	ssyncset.done $0x0  }
0xeb: {  	[sflag:s23] =	ssyncadd.s32 $0xFFFFFCF0  }
0xec: {  	[tilespmem:s25], [sflag:$0x2] =	stream.indirect.gather [hbm4b:s5+s24], $0x10, s2, s24, $0xb8;
	[tilespmem:$0x1F4F0] =	vst v63  }
0xed: {  	_ =	swait.ge [sflag:s30], $0x3100  }
0xee: {  	[sflag:s30] =	ssyncset.done $0x0  }
0xef: {  	s9 =	sadd.s32 $0x0, s20;
	[sflag:s30] =	ssyncadd.s32 $0xFFFFCF00  }
0xf0: {  	[tilespmem:s24], [sflag:$0x1] =	stream.linear.gather [hbm4b:s9+s2], $0x310, $0x38;
	[tilespmem:$0x1F4F0] =	vst v63  }
0xf1: {  	s11 =	sadd.s32 $0x0, s19  }
0xf2: {  	[tilespmem:s26], [sflag:$0x1] =	stream.linear.gather [hbm4b:s11+s2], $0x310, $0x38;
	[tilespmem:$0x1F4F0] =	vst v63  }
0xf3: {  	_ =	swait.ge [sflag:s28], $0x3100  }
0xf4: {  	[sflag:s28] =	ssyncset.done $0x0  }
0xf5: {  	[sflag:s28] =	ssyncadd.s32 $0xFFFFCF00  }
0xf6: {  	[spmem:s1] =	stream.indirect.scatter.add.f32 [tilespmem:s25], [sflag:$0x3], $0x10, s21, s24, $0xb8;
	[tilespmem:$0x1F4F0] =	vst v63  }
0xf7: {  	_ =	swait.ge [sflag:s23], $0x310  }
0xf8: {  	[sflag:s23] =	ssyncset.done $0x0  }
0xf9: {  	[sflag:s23] =	ssyncadd.s32 $0xFFFFFCF0  }
0xfa: {  	_ =	swait.ge [sflag:s23], $0x310  }
0xfb: {  	[sflag:s23] =	ssyncset.done $0x0  }
0xfc: {  	[sflag:s23] =	ssyncadd.s32 $0xFFFFFCF0  }
0xfd: {  	[tilespmem:s29], [sflag:$0x2] =	stream.indirect.gather [hbm4b:s5+s24], $0x10, s24, s24, $0xb8;
	[tilespmem:$0x1F4F0] =	vst v63  }
0xfe: {  	_ =	swait.ge [sflag:s30], $0x3100  }
0xff: {  	[sflag:s30] =	ssyncset.done $0x0  }
0x100: {  	s9 =	sadd.s32 $0x0, s18;
	[sflag:s30] =	ssyncadd.s32 $0xFFFFCF00  }
0x101: {  	[tilespmem:s2], [sflag:$0x1] =	stream.linear.gather [hbm4b:s9+s2], $0x310, $0x38;
	[tilespmem:$0x1F4F0] =	vst v63  }
0x102: {  	s11 =	sadd.s32 $0x0, s17  }
0x103: {  	[tilespmem:s21], [sflag:$0x1] =	stream.linear.gather [hbm4b:s11+s2], $0x310, $0x38;
	[tilespmem:$0x1F4F0] =	vst v63  }
0x104: {  	_ =	swait.ge [sflag:s28], $0x3100  }
0x105: {  	[sflag:s28] =	ssyncset.done $0x0  }
0x106: {  	s8 =	simm.s32 $0xC4;
	[sflag:s28] =	ssyncadd.s32 $0xFFFFCF00  }
.LBB2_4:
0x107: {  	[spmem:s1] =	stream.indirect.scatter.add.f32 [tilespmem:s29], [sflag:$0x3], $0x10, s26, s24, $0xb8;
	[tilespmem:$0x1F4F0] =	vst v63  }
0x108: {  	s9 =	smov.u32 s8  }
0x109: {  	p1 =	sne.s32 s8, $0x2EB4;
	s8 =	sadd.s32 $0xC4, s8;
	_ =	swait.ge [sflag:s23], $0x310  }
0x10a: {  	[sflag:s23] =	ssyncset.done $0x0  }
0x10b: {  	[sflag:s23] =	ssyncadd.s32 $0xFFFFFCF0  }
0x10c: {  	_ =	swait.ge [sflag:s23], $0x310  }
0x10d: {  	[sflag:s23] =	ssyncset.done $0x0  }
0x10e: {  	[sflag:s23] =	ssyncadd.s32 $0xFFFFFCF0  }
0x10f: {  	[tilespmem:s25], [sflag:$0x2] =	stream.indirect.gather [hbm4b:s5+s24], $0x10, s2, s24, $0xb8;
	[tilespmem:$0x1F4F0] =	vst v63  }
0x110: {  	_ =	swait.ge [sflag:s30], $0x3100  }
0x111: {  	[sflag:s30] =	ssyncset.done $0x0  }
0x112: {  	s11 =	sadd.s32 s9, s20;
	[sflag:s30] =	ssyncadd.s32 $0xFFFFCF00  }
0x113: {  	[tilespmem:s24], [sflag:$0x1] =	stream.linear.gather [hbm4b:s11+s2], $0x310, $0x38;
	[tilespmem:$0x1F4F0] =	vst v63  }
0x114: {  	s11 =	sadd.s32 s9, s19  }
0x115: {  	[tilespmem:s26], [sflag:$0x1] =	stream.linear.gather [hbm4b:s11+s2], $0x310, $0x38;
	[tilespmem:$0x1F4F0] =	vst v63  }
0x116: {  	_ =	swait.ge [sflag:s28], $0x3100  }
0x117: {  	[sflag:s28] =	ssyncset.done $0x0  }
0x118: {  	[sflag:s28] =	ssyncadd.s32 $0xFFFFCF00  }
0x119: {  	[spmem:s1] =	stream.indirect.scatter.add.f32 [tilespmem:s25], [sflag:$0x3], $0x10, s21, s24, $0xb8;
	[tilespmem:$0x1F4F0] =	vst v63  }
0x11a: {  	_ =	swait.ge [sflag:s23], $0x310  }
0x11b: {  	[sflag:s23] =	ssyncset.done $0x0  }
0x11c: {  	[sflag:s23] =	ssyncadd.s32 $0xFFFFFCF0  }
0x11d: {  	_ =	swait.ge [sflag:s23], $0x310  }
0x11e: {  	[sflag:s23] =	ssyncset.done $0x0  }
0x11f: {  	[sflag:s23] =	ssyncadd.s32 $0xFFFFFCF0  }
0x120: {  	[tilespmem:s29], [sflag:$0x2] =	stream.indirect.gather [hbm4b:s5+s24], $0x10, s24, s24, $0xb8;
	[tilespmem:$0x1F4F0] =	vst v63  }
0x121: {  	_ =	swait.ge [sflag:s30], $0x3100  }
0x122: {  	[sflag:s30] =	ssyncset.done $0x0  }
0x123: {  	s11 =	sadd.s32 s9, s18;
	[sflag:s30] =	ssyncadd.s32 $0xFFFFCF00  }
0x124: {  	[tilespmem:s2], [sflag:$0x1] =	stream.linear.gather [hbm4b:s11+s2], $0x310, $0x38;
	[tilespmem:$0x1F4F0] =	vst v63  }
.Ltmp1:
0x125: {  	s9 =	sadd.s32 s9, s17;
	(pc) =	sbr.rel @p1 .LBB2_4-.Ltmp1, $4  }
0x126: {  	[tilespmem:s21], [sflag:$0x1] =	stream.linear.gather [hbm4b:s9+s2], $0x310, $0x38;
	[tilespmem:$0x1F4F0] =	vst v63  }
0x127: {  	_ =	swait.ge [sflag:s28], $0x3100  }
0x128: {  	[sflag:s28] =	ssyncset.done $0x0  }
0x129: {  	[sflag:s28] =	ssyncadd.s32 $0xFFFFCF00  }
0x12a: {  	[spmem:s1] =	stream.indirect.scatter.add.f32 [tilespmem:s29], [sflag:$0x3], $0x10, s26, s24, $0xb8;
	[tilespmem:$0x1F4F0] =	vst v63  }
0x12b: {  	_ =	swait.ge [sflag:s23], $0x310  }
0x12c: {  	[sflag:s23] =	ssyncset.done $0x0  }
0x12d: {  	[sflag:s23] =	ssyncadd.s32 $0xFFFFFCF0  }
0x12e: {  	_ =	swait.ge [sflag:s23], $0x310  }
0x12f: {  	[sflag:s23] =	ssyncset.done $0x0  }
0x130: {  	[sflag:s23] =	ssyncadd.s32 $0xFFFFFCF0  }
0x131: {  	[tilespmem:s25], [sflag:$0x2] =	stream.indirect.gather [hbm4b:s5+s24], $0x10, s2, s24, $0xb8;
	[tilespmem:$0x1F4F0] =	vst v63  }
0x132: {  	_ =	swait.ge [sflag:s30], $0x3100  }
0x133: {  	[sflag:s30] =	ssyncset.done $0x0  }
0x134: {  	[sflag:s30] =	ssyncadd.s32 $0xFFFFCF00  }
0x135: {  	[tilespmem:s24], [sflag:$0x1] =	stream.linear.gather [hbm4b:s15+s2], $0x310, $0x38;
	[tilespmem:$0x1F4F0] =	vst v63  }
0x136: {  	_ = 	snop  }
0x137: {  	[tilespmem:s26], [sflag:$0x1] =	stream.linear.gather [hbm4b:s16+s2], $0x310, $0x38;
	[tilespmem:$0x1F4F0] =	vst v63  }
0x138: {  	_ =	swait.ge [sflag:s28], $0x3100  }
0x139: {  	[sflag:s28] =	ssyncset.done $0x0  }
0x13a: {  	[sflag:s28] =	ssyncadd.s32 $0xFFFFCF00  }
0x13b: {  	[spmem:s1] =	stream.indirect.scatter.add.f32 [tilespmem:s25], [sflag:$0x3], $0x10, s21, s24, $0xb8;
	[tilespmem:$0x1F4F0] =	vst v63  }
0x13c: {  	_ =	swait.ge [sflag:s23], $0x310  }
0x13d: {  	[sflag:s23] =	ssyncset.done $0x0  }
0x13e: {  	[sflag:s23] =	ssyncadd.s32 $0xFFFFFCF0  }
0x13f: {  	_ =	swait.ge [sflag:s23], $0x310  }
0x140: {  	[sflag:s23] =	ssyncset.done $0x0  }
0x141: {  	[sflag:s23] =	ssyncadd.s32 $0xFFFFFCF0  }
0x142: {  	[tilespmem:s29], [sflag:$0x2] =	stream.indirect.gather [hbm4b:s5+s24], $0x10, s24, s24, $0xb8;
	[tilespmem:$0x1F4F0] =	vst v63  }
0x143: {  	_ =	swait.ge [sflag:s30], $0x3100  }
0x144: {  	[sflag:s30] =	ssyncset.done $0x0  }
0x145: {  	[sflag:s30] =	ssyncadd.s32 $0xFFFFCF00  }
0x146: {  	_ =	swait.ge [sflag:s28], $0x3100  }
0x147: {  	[sflag:s28] =	ssyncset.done $0x0  }
0x148: {  	[sflag:s28] =	ssyncadd.s32 $0xFFFFCF00  }
0x149: {  	[spmem:s1] =	stream.indirect.scatter.add.f32 [tilespmem:s29], [sflag:$0x3], $0x10, s26, s24, $0xb8;
	[tilespmem:$0x1F4F0] =	vst v63  }
0x14a: {  	_ =	swait.ge [sflag:s30], $0x3100  }
0x14b: {  	[sflag:s30] =	ssyncset.done $0x0  }
0x14c: {  	[sflag:s30] =	ssyncadd.s32 $0xFFFFCF00  }
0x14d: {  	[bflag:$0x0] =	sbarrier.arrive $0xFFFF  }
0x14e: {  	s8 =	rddreg [dreg:$0xd]  }
0x14f: {  	[hbm:s8], [sflag:s22] =	dma.local [spmem:s10], $0x30D6  }
0x150: {  	_ =	swait.ge [sflag:s0], $0x30D6  }
0x151: {  	[sflag:s0] =	ssyncset.done $0x0  }
0x152: {  	s8 =	rddreg [dreg:$0x9];
	[sflag:s0] =	ssyncadd.s32 $0xFFFFCF2A  }
0x153: {  	[hbm:s8], [sflag:s22] =	dma.local @!p0 [hbm:s4], $0x2A0  }
0x154: {  	s8 =	simm.s32 @!p0 $0x4  }
0x155: {  	_ =	swait.ge @!p0 [sflag:s8], $0x2A0  }
0x156: {  	[sflag:s8] =	ssyncset.done @!p0 $0x0  }
0x157: {  	[sflag:s8] =	ssyncadd.s32 @!p0 $0xFFFFFD60  }
0x158: {  	[spmem:s10], [sflag:s22] =	dma.local [hbm:s4], $0x30D6  }
0x159: {  	_ =	swait.ge [sflag:s0], $0x30D6  }
0x15a: {  	[sflag:s0] =	ssyncset.done $0x0  }
0x15b: {  	[sflag:s0] =	ssyncadd.s32 $0xFFFFCF2A  }
0x15c: {  	[bflag:$0x0] =	sbarrier.arrive $0xFFFF  }
0x15d: {  	s8 =	simm.s32 $0x0;
	s9 =	rddreg [dreg:$0x3]  }
0x15e: {  	[tilespmem:s8], [sflag:$0x1] =	stream.linear.gather [hbm4b:s9+s8], $0x310, $0x38;
	[tilespmem:$0x1F4F0] =	vst v63  }
0x15f: {  	s11 =	rddreg [dreg:$0x4]  }
0x160: {  	[tilespmem:s21], [sflag:$0x1] =	stream.linear.gather [hbm4b:s11+s8], $0x310, $0x38;
	[tilespmem:$0x1F4F0] =	vst v63  }
0x161: {  	_ =	swait.ge [sflag:s23], $0x310  }
0x162: {  	[sflag:s23] =	ssyncset.done $0x0  }
0x163: {  	[sflag:s23] =	ssyncadd.s32 $0xFFFFFCF0  }
0x164: {  	_ =	swait.ge [sflag:s23], $0x310  }
0x165: {  	[sflag:s23] =	ssyncset.done $0x0  }
0x166: {  	[sflag:s23] =	ssyncadd.s32 $0xFFFFFCF0  }
0x167: {  	[tilespmem:s25], [sflag:$0x2] =	stream.indirect.gather [hbm4b:s6+s24], $0x10, s8, s24, $0xb8;
	[tilespmem:$0x1F4F0] =	vst v63  }
0x168: {  	s11 =	rddreg [dreg:$0x6]  }
0x169: {  	[tilespmem:s24], [sflag:$0x1] =	stream.linear.gather [hbm4b:s11+s8], $0x310, $0x38;
	[tilespmem:$0x1F4F0] =	vst v63  }
0x16a: {  	_ = 	snop  }
0x16b: {  	[tilespmem:s26], [sflag:$0x1] =	stream.linear.gather [hbm4b:s12+s8], $0x310, $0x38;
	[tilespmem:$0x1F4F0] =	vst v63  }
0x16c: {  	_ =	swait.ge [sflag:s28], $0x3100  }
0x16d: {  	[sflag:s28] =	ssyncset.done $0x0  }
0x16e: {  	[sflag:s28] =	ssyncadd.s32 $0xFFFFCF00  }
0x16f: {  	[spmem:s1] =	stream.indirect.scatter.add.f32 [tilespmem:s25], [sflag:$0x3], $0x10, s21, s24, $0xb8;
	[tilespmem:$0x1F4F0] =	vst v63  }
0x170: {  	_ =	swait.ge [sflag:s23], $0x310  }
0x171: {  	[sflag:s23] =	ssyncset.done $0x0  }
0x172: {  	[sflag:s23] =	ssyncadd.s32 $0xFFFFFCF0  }
0x173: {  	_ =	swait.ge [sflag:s23], $0x310  }
0x174: {  	[sflag:s23] =	ssyncset.done $0x0  }
0x175: {  	[sflag:s23] =	ssyncadd.s32 $0xFFFFFCF0  }
0x176: {  	[tilespmem:s29], [sflag:$0x2] =	stream.indirect.gather [hbm4b:s6+s24], $0x10, s24, s24, $0xb8;
	[tilespmem:$0x1F4F0] =	vst v63  }
0x177: {  	_ =	swait.ge [sflag:s30], $0x3100  }
0x178: {  	[sflag:s30] =	ssyncset.done $0x0  }
0x179: {  	[sflag:s30] =	ssyncadd.s32 $0xFFFFCF00  }
0x17a: {  	[tilespmem:s8], [sflag:$0x1] =	stream.linear.gather [hbm4b:s13+s8], $0x310, $0x38;
	[tilespmem:$0x1F4F0] =	vst v63  }
0x17b: {  	_ = 	snop  }
0x17c: {  	[tilespmem:s21], [sflag:$0x1] =	stream.linear.gather [hbm4b:s14+s8], $0x310, $0x38;
	[tilespmem:$0x1F4F0] =	vst v63  }
0x17d: {  	_ =	swait.ge [sflag:s28], $0x3100  }
0x17e: {  	[sflag:s28] =	ssyncset.done $0x0  }
0x17f: {  	[sflag:s28] =	ssyncadd.s32 $0xFFFFCF00  }
0x180: {  	[spmem:s1] =	stream.indirect.scatter.add.f32 [tilespmem:s29], [sflag:$0x3], $0x10, s26, s24, $0xb8;
	[tilespmem:$0x1F4F0] =	vst v63  }
0x181: {  	_ =	swait.ge [sflag:s23], $0x310  }
0x182: {  	[sflag:s23] =	ssyncset.done $0x0  }
0x183: {  	[sflag:s23] =	ssyncadd.s32 $0xFFFFFCF0  }
0x184: {  	_ =	swait.ge [sflag:s23], $0x310  }
0x185: {  	[sflag:s23] =	ssyncset.done $0x0  }
0x186: {  	[sflag:s23] =	ssyncadd.s32 $0xFFFFFCF0  }
0x187: {  	[tilespmem:s25], [sflag:$0x2] =	stream.indirect.gather [hbm4b:s6+s24], $0x10, s2, s24, $0xb8;
	[tilespmem:$0x1F4F0] =	vst v63  }
0x188: {  	_ =	swait.ge [sflag:s30], $0x3100  }
0x189: {  	[sflag:s30] =	ssyncset.done $0x0  }
0x18a: {  	s9 =	sadd.s32 $0x0, s20;
	[sflag:s30] =	ssyncadd.s32 $0xFFFFCF00  }
0x18b: {  	[tilespmem:s24], [sflag:$0x1] =	stream.linear.gather [hbm4b:s9+s2], $0x310, $0x38;
	[tilespmem:$0x1F4F0] =	vst v63  }
0x18c: {  	s11 =	sadd.s32 $0x0, s19  }
0x18d: {  	[tilespmem:s26], [sflag:$0x1] =	stream.linear.gather [hbm4b:s11+s2], $0x310, $0x38;
	[tilespmem:$0x1F4F0] =	vst v63  }
0x18e: {  	_ =	swait.ge [sflag:s28], $0x3100  }
0x18f: {  	[sflag:s28] =	ssyncset.done $0x0  }
0x190: {  	[sflag:s28] =	ssyncadd.s32 $0xFFFFCF00  }
0x191: {  	[spmem:s1] =	stream.indirect.scatter.add.f32 [tilespmem:s25], [sflag:$0x3], $0x10, s21, s24, $0xb8;
	[tilespmem:$0x1F4F0] =	vst v63  }
0x192: {  	_ =	swait.ge [sflag:s23], $0x310  }
0x193: {  	[sflag:s23] =	ssyncset.done $0x0  }
0x194: {  	[sflag:s23] =	ssyncadd.s32 $0xFFFFFCF0  }
0x195: {  	_ =	swait.ge [sflag:s23], $0x310  }
0x196: {  	[sflag:s23] =	ssyncset.done $0x0  }
0x197: {  	[sflag:s23] =	ssyncadd.s32 $0xFFFFFCF0  }
0x198: {  	[tilespmem:s29], [sflag:$0x2] =	stream.indirect.gather [hbm4b:s6+s24], $0x10, s24, s24, $0xb8;
	[tilespmem:$0x1F4F0] =	vst v63  }
0x199: {  	_ =	swait.ge [sflag:s30], $0x3100  }
0x19a: {  	[sflag:s30] =	ssyncset.done $0x0  }
0x19b: {  	s9 =	sadd.s32 $0x0, s18;
	[sflag:s30] =	ssyncadd.s32 $0xFFFFCF00  }
0x19c: {  	[tilespmem:s2], [sflag:$0x1] =	stream.linear.gather [hbm4b:s9+s2], $0x310, $0x38;
	[tilespmem:$0x1F4F0] =	vst v63  }
0x19d: {  	s11 =	sadd.s32 $0x0, s17  }
0x19e: {  	[tilespmem:s21], [sflag:$0x1] =	stream.linear.gather [hbm4b:s11+s2], $0x310, $0x38;
	[tilespmem:$0x1F4F0] =	vst v63  }
0x19f: {  	_ =	swait.ge [sflag:s28], $0x3100  }
0x1a0: {  	[sflag:s28] =	ssyncset.done $0x0  }
0x1a1: {  	s8 =	simm.s32 $0xC4;
	[sflag:s28] =	ssyncadd.s32 $0xFFFFCF00  }
.LBB2_6:
0x1a2: {  	[spmem:s1] =	stream.indirect.scatter.add.f32 [tilespmem:s29], [sflag:$0x3], $0x10, s26, s24, $0xb8;
	[tilespmem:$0x1F4F0] =	vst v63  }
0x1a3: {  	s9 =	smov.u32 s8  }
0x1a4: {  	p1 =	sne.s32 s8, $0x2EB4;
	s8 =	sadd.s32 $0xC4, s8;
	_ =	swait.ge [sflag:s23], $0x310  }
0x1a5: {  	[sflag:s23] =	ssyncset.done $0x0  }
0x1a6: {  	[sflag:s23] =	ssyncadd.s32 $0xFFFFFCF0  }
0x1a7: {  	_ =	swait.ge [sflag:s23], $0x310  }
0x1a8: {  	[sflag:s23] =	ssyncset.done $0x0  }
0x1a9: {  	[sflag:s23] =	ssyncadd.s32 $0xFFFFFCF0  }
0x1aa: {  	[tilespmem:s25], [sflag:$0x2] =	stream.indirect.gather [hbm4b:s6+s24], $0x10, s2, s24, $0xb8;
	[tilespmem:$0x1F4F0] =	vst v63  }
0x1ab: {  	_ =	swait.ge [sflag:s30], $0x3100  }
0x1ac: {  	[sflag:s30] =	ssyncset.done $0x0  }
0x1ad: {  	s11 =	sadd.s32 s9, s20;
	[sflag:s30] =	ssyncadd.s32 $0xFFFFCF00  }
0x1ae: {  	[tilespmem:s24], [sflag:$0x1] =	stream.linear.gather [hbm4b:s11+s2], $0x310, $0x38;
	[tilespmem:$0x1F4F0] =	vst v63  }
0x1af: {  	s11 =	sadd.s32 s9, s19  }
0x1b0: {  	[tilespmem:s26], [sflag:$0x1] =	stream.linear.gather [hbm4b:s11+s2], $0x310, $0x38;
	[tilespmem:$0x1F4F0] =	vst v63  }
0x1b1: {  	_ =	swait.ge [sflag:s28], $0x3100  }
0x1b2: {  	[sflag:s28] =	ssyncset.done $0x0  }
0x1b3: {  	[sflag:s28] =	ssyncadd.s32 $0xFFFFCF00  }
0x1b4: {  	[spmem:s1] =	stream.indirect.scatter.add.f32 [tilespmem:s25], [sflag:$0x3], $0x10, s21, s24, $0xb8;
	[tilespmem:$0x1F4F0] =	vst v63  }
0x1b5: {  	_ =	swait.ge [sflag:s23], $0x310  }
0x1b6: {  	[sflag:s23] =	ssyncset.done $0x0  }
0x1b7: {  	[sflag:s23] =	ssyncadd.s32 $0xFFFFFCF0  }
0x1b8: {  	_ =	swait.ge [sflag:s23], $0x310  }
0x1b9: {  	[sflag:s23] =	ssyncset.done $0x0  }
0x1ba: {  	[sflag:s23] =	ssyncadd.s32 $0xFFFFFCF0  }
0x1bb: {  	[tilespmem:s29], [sflag:$0x2] =	stream.indirect.gather [hbm4b:s6+s24], $0x10, s24, s24, $0xb8;
	[tilespmem:$0x1F4F0] =	vst v63  }
0x1bc: {  	_ =	swait.ge [sflag:s30], $0x3100  }
0x1bd: {  	[sflag:s30] =	ssyncset.done $0x0  }
0x1be: {  	s11 =	sadd.s32 s9, s18;
	[sflag:s30] =	ssyncadd.s32 $0xFFFFCF00  }
0x1bf: {  	[tilespmem:s2], [sflag:$0x1] =	stream.linear.gather [hbm4b:s11+s2], $0x310, $0x38;
	[tilespmem:$0x1F4F0] =	vst v63  }
.Ltmp2:
0x1c0: {  	s9 =	sadd.s32 s9, s17;
	(pc) =	sbr.rel @p1 .LBB2_6-.Ltmp2, $4  }
0x1c1: {  	[tilespmem:s21], [sflag:$0x1] =	stream.linear.gather [hbm4b:s9+s2], $0x310, $0x38;
	[tilespmem:$0x1F4F0] =	vst v63  }
0x1c2: {  	_ =	swait.ge [sflag:s28], $0x3100  }
0x1c3: {  	[sflag:s28] =	ssyncset.done $0x0  }
0x1c4: {  	[sflag:s28] =	ssyncadd.s32 $0xFFFFCF00  }
0x1c5: {  	[spmem:s1] =	stream.indirect.scatter.add.f32 [tilespmem:s29], [sflag:$0x3], $0x10, s26, s24, $0xb8;
	[tilespmem:$0x1F4F0] =	vst v63  }
0x1c6: {  	_ =	swait.ge [sflag:s23], $0x310  }
0x1c7: {  	[sflag:s23] =	ssyncset.done $0x0  }
0x1c8: {  	[sflag:s23] =	ssyncadd.s32 $0xFFFFFCF0  }
0x1c9: {  	_ =	swait.ge [sflag:s23], $0x310  }
0x1ca: {  	[sflag:s23] =	ssyncset.done $0x0  }
0x1cb: {  	[sflag:s23] =	ssyncadd.s32 $0xFFFFFCF0  }
0x1cc: {  	[tilespmem:s25], [sflag:$0x2] =	stream.indirect.gather [hbm4b:s6+s24], $0x10, s2, s24, $0xb8;
	[tilespmem:$0x1F4F0] =	vst v63  }
0x1cd: {  	_ =	swait.ge [sflag:s30], $0x3100  }
0x1ce: {  	[sflag:s30] =	ssyncset.done $0x0  }
0x1cf: {  	[sflag:s30] =	ssyncadd.s32 $0xFFFFCF00  }
0x1d0: {  	[tilespmem:s24], [sflag:$0x1] =	stream.linear.gather [hbm4b:s15+s2], $0x310, $0x38;
	[tilespmem:$0x1F4F0] =	vst v63  }
0x1d1: {  	_ = 	snop  }
0x1d2: {  	[tilespmem:s26], [sflag:$0x1] =	stream.linear.gather [hbm4b:s16+s2], $0x310, $0x38;
	[tilespmem:$0x1F4F0] =	vst v63  }
0x1d3: {  	_ =	swait.ge [sflag:s28], $0x3100  }
0x1d4: {  	[sflag:s28] =	ssyncset.done $0x0  }
0x1d5: {  	[sflag:s28] =	ssyncadd.s32 $0xFFFFCF00  }
0x1d6: {  	[spmem:s1] =	stream.indirect.scatter.add.f32 [tilespmem:s25], [sflag:$0x3], $0x10, s21, s24, $0xb8;
	[tilespmem:$0x1F4F0] =	vst v63  }
0x1d7: {  	_ =	swait.ge [sflag:s23], $0x310  }
0x1d8: {  	[sflag:s23] =	ssyncset.done $0x0  }
0x1d9: {  	[sflag:s23] =	ssyncadd.s32 $0xFFFFFCF0  }
0x1da: {  	_ =	swait.ge [sflag:s23], $0x310  }
0x1db: {  	[sflag:s23] =	ssyncset.done $0x0  }
0x1dc: {  	[sflag:s23] =	ssyncadd.s32 $0xFFFFFCF0  }
0x1dd: {  	[tilespmem:s29], [sflag:$0x2] =	stream.indirect.gather [hbm4b:s6+s24], $0x10, s24, s24, $0xb8;
	[tilespmem:$0x1F4F0] =	vst v63  }
0x1de: {  	_ =	swait.ge [sflag:s30], $0x3100  }
0x1df: {  	[sflag:s30] =	ssyncset.done $0x0  }
0x1e0: {  	[sflag:s30] =	ssyncadd.s32 $0xFFFFCF00  }
0x1e1: {  	_ =	swait.ge [sflag:s28], $0x3100  }
0x1e2: {  	[sflag:s28] =	ssyncset.done $0x0  }
0x1e3: {  	[sflag:s28] =	ssyncadd.s32 $0xFFFFCF00  }
0x1e4: {  	[spmem:s1] =	stream.indirect.scatter.add.f32 [tilespmem:s29], [sflag:$0x3], $0x10, s26, s24, $0xb8;
	[tilespmem:$0x1F4F0] =	vst v63  }
0x1e5: {  	_ =	swait.ge [sflag:s30], $0x3100  }
0x1e6: {  	[sflag:s30] =	ssyncset.done $0x0  }
0x1e7: {  	[sflag:s30] =	ssyncadd.s32 $0xFFFFCF00  }
0x1e8: {  	[bflag:$0x0] =	sbarrier.arrive $0xFFFF  }
0x1e9: {  	s8 =	rddreg [dreg:$0xe]  }
0x1ea: {  	[hbm:s8], [sflag:s22] =	dma.local [spmem:s10], $0x30D6  }
0x1eb: {  	_ =	swait.ge [sflag:s0], $0x30D6  }
0x1ec: {  	[sflag:s0] =	ssyncset.done $0x0  }
0x1ed: {  	s8 =	rddreg [dreg:$0xa];
	[sflag:s0] =	ssyncadd.s32 $0xFFFFCF2A  }
0x1ee: {  	[hbm:s8], [sflag:s22] =	dma.local @!p0 [hbm:s4], $0x2A0  }
0x1ef: {  	s8 =	simm.s32 @!p0 $0x4  }
0x1f0: {  	_ =	swait.ge @!p0 [sflag:s8], $0x2A0  }
0x1f1: {  	[sflag:s8] =	ssyncset.done @!p0 $0x0  }
0x1f2: {  	[sflag:s8] =	ssyncadd.s32 @!p0 $0xFFFFFD60  }
0x1f3: {  	[spmem:s10], [sflag:s22] =	dma.local [hbm:s4], $0x30D6  }
0x1f4: {  	_ =	swait.ge [sflag:s0], $0x30D6  }
0x1f5: {  	[sflag:s0] =	ssyncset.done $0x0  }
0x1f6: {  	[sflag:s0] =	ssyncadd.s32 $0xFFFFCF2A  }
0x1f7: {  	[bflag:$0x0] =	sbarrier.arrive $0xFFFF  }
0x1f8: {  	s8 =	simm.s32 $0x0;
	s9 =	rddreg [dreg:$0x3]  }
0x1f9: {  	[tilespmem:s8], [sflag:$0x1] =	stream.linear.gather [hbm4b:s9+s8], $0x310, $0x38;
	[tilespmem:$0x1F4F0] =	vst v63  }
0x1fa: {  	s11 =	rddreg [dreg:$0x4]  }
0x1fb: {  	[tilespmem:s21], [sflag:$0x1] =	stream.linear.gather [hbm4b:s11+s8], $0x310, $0x38;
	[tilespmem:$0x1F4F0] =	vst v63  }
0x1fc: {  	_ =	swait.ge [sflag:s23], $0x310  }
0x1fd: {  	[sflag:s23] =	ssyncset.done $0x0  }
0x1fe: {  	[sflag:s23] =	ssyncadd.s32 $0xFFFFFCF0  }
0x1ff: {  	_ =	swait.ge [sflag:s23], $0x310  }
0x200: {  	[sflag:s23] =	ssyncset.done $0x0  }
0x201: {  	[sflag:s23] =	ssyncadd.s32 $0xFFFFFCF0  }
0x202: {  	[tilespmem:s25], [sflag:$0x2] =	stream.indirect.gather [hbm4b:s7+s24], $0x10, s8, s24, $0xb8;
	[tilespmem:$0x1F4F0] =	vst v63  }
0x203: {  	s11 =	rddreg [dreg:$0x6]  }
0x204: {  	[tilespmem:s24], [sflag:$0x1] =	stream.linear.gather [hbm4b:s11+s8], $0x310, $0x38;
	[tilespmem:$0x1F4F0] =	vst v63  }
0x205: {  	_ = 	snop  }
0x206: {  	[tilespmem:s26], [sflag:$0x1] =	stream.linear.gather [hbm4b:s12+s8], $0x310, $0x38;
	[tilespmem:$0x1F4F0] =	vst v63  }
0x207: {  	_ =	swait.ge [sflag:s28], $0x3100  }
0x208: {  	[sflag:s28] =	ssyncset.done $0x0  }
0x209: {  	[sflag:s28] =	ssyncadd.s32 $0xFFFFCF00  }
0x20a: {  	[spmem:s1] =	stream.indirect.scatter.add.f32 [tilespmem:s25], [sflag:$0x3], $0x10, s21, s24, $0xb8;
	[tilespmem:$0x1F4F0] =	vst v63  }
0x20b: {  	_ =	swait.ge [sflag:s23], $0x310  }
0x20c: {  	[sflag:s23] =	ssyncset.done $0x0  }
0x20d: {  	[sflag:s23] =	ssyncadd.s32 $0xFFFFFCF0  }
0x20e: {  	_ =	swait.ge [sflag:s23], $0x310  }
0x20f: {  	[sflag:s23] =	ssyncset.done $0x0  }
0x210: {  	[sflag:s23] =	ssyncadd.s32 $0xFFFFFCF0  }
0x211: {  	[tilespmem:s29], [sflag:$0x2] =	stream.indirect.gather [hbm4b:s7+s24], $0x10, s24, s24, $0xb8;
	[tilespmem:$0x1F4F0] =	vst v63  }
0x212: {  	_ =	swait.ge [sflag:s30], $0x3100  }
0x213: {  	[sflag:s30] =	ssyncset.done $0x0  }
0x214: {  	[sflag:s30] =	ssyncadd.s32 $0xFFFFCF00  }
0x215: {  	[tilespmem:s8], [sflag:$0x1] =	stream.linear.gather [hbm4b:s13+s8], $0x310, $0x38;
	[tilespmem:$0x1F4F0] =	vst v63  }
0x216: {  	_ = 	snop  }
0x217: {  	[tilespmem:s21], [sflag:$0x1] =	stream.linear.gather [hbm4b:s14+s8], $0x310, $0x38;
	[tilespmem:$0x1F4F0] =	vst v63  }
0x218: {  	_ =	swait.ge [sflag:s28], $0x3100  }
0x219: {  	[sflag:s28] =	ssyncset.done $0x0  }
0x21a: {  	[sflag:s28] =	ssyncadd.s32 $0xFFFFCF00  }
0x21b: {  	[spmem:s1] =	stream.indirect.scatter.add.f32 [tilespmem:s29], [sflag:$0x3], $0x10, s26, s24, $0xb8;
	[tilespmem:$0x1F4F0] =	vst v63  }
0x21c: {  	_ =	swait.ge [sflag:s23], $0x310  }
0x21d: {  	[sflag:s23] =	ssyncset.done $0x0  }
0x21e: {  	[sflag:s23] =	ssyncadd.s32 $0xFFFFFCF0  }
0x21f: {  	_ =	swait.ge [sflag:s23], $0x310  }
0x220: {  	[sflag:s23] =	ssyncset.done $0x0  }
0x221: {  	[sflag:s23] =	ssyncadd.s32 $0xFFFFFCF0  }
0x222: {  	[tilespmem:s25], [sflag:$0x2] =	stream.indirect.gather [hbm4b:s7+s24], $0x10, s2, s24, $0xb8;
	[tilespmem:$0x1F4F0] =	vst v63  }
0x223: {  	_ =	swait.ge [sflag:s30], $0x3100  }
0x224: {  	[sflag:s30] =	ssyncset.done $0x0  }
0x225: {  	s9 =	sadd.s32 $0x0, s20;
	[sflag:s30] =	ssyncadd.s32 $0xFFFFCF00  }
0x226: {  	[tilespmem:s24], [sflag:$0x1] =	stream.linear.gather [hbm4b:s9+s2], $0x310, $0x38;
	[tilespmem:$0x1F4F0] =	vst v63  }
0x227: {  	s11 =	sadd.s32 $0x0, s19  }
0x228: {  	[tilespmem:s26], [sflag:$0x1] =	stream.linear.gather [hbm4b:s11+s2], $0x310, $0x38;
	[tilespmem:$0x1F4F0] =	vst v63  }
0x229: {  	_ =	swait.ge [sflag:s28], $0x3100  }
0x22a: {  	[sflag:s28] =	ssyncset.done $0x0  }
0x22b: {  	[sflag:s28] =	ssyncadd.s32 $0xFFFFCF00  }
0x22c: {  	[spmem:s1] =	stream.indirect.scatter.add.f32 [tilespmem:s25], [sflag:$0x3], $0x10, s21, s24, $0xb8;
	[tilespmem:$0x1F4F0] =	vst v63  }
0x22d: {  	_ =	swait.ge [sflag:s23], $0x310  }
0x22e: {  	[sflag:s23] =	ssyncset.done $0x0  }
0x22f: {  	[sflag:s23] =	ssyncadd.s32 $0xFFFFFCF0  }
0x230: {  	_ =	swait.ge [sflag:s23], $0x310  }
0x231: {  	[sflag:s23] =	ssyncset.done $0x0  }
0x232: {  	[sflag:s23] =	ssyncadd.s32 $0xFFFFFCF0  }
0x233: {  	[tilespmem:s29], [sflag:$0x2] =	stream.indirect.gather [hbm4b:s7+s24], $0x10, s24, s24, $0xb8;
	[tilespmem:$0x1F4F0] =	vst v63  }
0x234: {  	_ =	swait.ge [sflag:s30], $0x3100  }
0x235: {  	[sflag:s30] =	ssyncset.done $0x0  }
0x236: {  	s9 =	sadd.s32 $0x0, s18;
	[sflag:s30] =	ssyncadd.s32 $0xFFFFCF00  }
0x237: {  	[tilespmem:s2], [sflag:$0x1] =	stream.linear.gather [hbm4b:s9+s2], $0x310, $0x38;
	[tilespmem:$0x1F4F0] =	vst v63  }
0x238: {  	s11 =	sadd.s32 $0x0, s17  }
0x239: {  	[tilespmem:s21], [sflag:$0x1] =	stream.linear.gather [hbm4b:s11+s2], $0x310, $0x38;
	[tilespmem:$0x1F4F0] =	vst v63  }
0x23a: {  	_ =	swait.ge [sflag:s28], $0x3100  }
0x23b: {  	[sflag:s28] =	ssyncset.done $0x0  }
0x23c: {  	s8 =	simm.s32 $0xC4;
	[sflag:s28] =	ssyncadd.s32 $0xFFFFCF00  }
.LBB2_8:
0x23d: {  	[spmem:s1] =	stream.indirect.scatter.add.f32 [tilespmem:s29], [sflag:$0x3], $0x10, s26, s24, $0xb8;
	[tilespmem:$0x1F4F0] =	vst v63  }
0x23e: {  	s9 =	smov.u32 s8  }
0x23f: {  	p1 =	sne.s32 s8, $0x2EB4;
	s8 =	sadd.s32 $0xC4, s8;
	_ =	swait.ge [sflag:s23], $0x310  }
0x240: {  	[sflag:s23] =	ssyncset.done $0x0  }
0x241: {  	[sflag:s23] =	ssyncadd.s32 $0xFFFFFCF0  }
0x242: {  	_ =	swait.ge [sflag:s23], $0x310  }
0x243: {  	[sflag:s23] =	ssyncset.done $0x0  }
0x244: {  	[sflag:s23] =	ssyncadd.s32 $0xFFFFFCF0  }
0x245: {  	[tilespmem:s25], [sflag:$0x2] =	stream.indirect.gather [hbm4b:s7+s24], $0x10, s2, s24, $0xb8;
	[tilespmem:$0x1F4F0] =	vst v63  }
0x246: {  	_ =	swait.ge [sflag:s30], $0x3100  }
0x247: {  	[sflag:s30] =	ssyncset.done $0x0  }
0x248: {  	s11 =	sadd.s32 s9, s20;
	[sflag:s30] =	ssyncadd.s32 $0xFFFFCF00  }
0x249: {  	[tilespmem:s24], [sflag:$0x1] =	stream.linear.gather [hbm4b:s11+s2], $0x310, $0x38;
	[tilespmem:$0x1F4F0] =	vst v63  }
0x24a: {  	s11 =	sadd.s32 s9, s19  }
0x24b: {  	[tilespmem:s26], [sflag:$0x1] =	stream.linear.gather [hbm4b:s11+s2], $0x310, $0x38;
	[tilespmem:$0x1F4F0] =	vst v63  }
0x24c: {  	_ =	swait.ge [sflag:s28], $0x3100  }
0x24d: {  	[sflag:s28] =	ssyncset.done $0x0  }
0x24e: {  	[sflag:s28] =	ssyncadd.s32 $0xFFFFCF00  }
0x24f: {  	[spmem:s1] =	stream.indirect.scatter.add.f32 [tilespmem:s25], [sflag:$0x3], $0x10, s21, s24, $0xb8;
	[tilespmem:$0x1F4F0] =	vst v63  }
0x250: {  	_ =	swait.ge [sflag:s23], $0x310  }
0x251: {  	[sflag:s23] =	ssyncset.done $0x0  }
0x252: {  	[sflag:s23] =	ssyncadd.s32 $0xFFFFFCF0  }
0x253: {  	_ =	swait.ge [sflag:s23], $0x310  }
0x254: {  	[sflag:s23] =	ssyncset.done $0x0  }
0x255: {  	[sflag:s23] =	ssyncadd.s32 $0xFFFFFCF0  }
0x256: {  	[tilespmem:s29], [sflag:$0x2] =	stream.indirect.gather [hbm4b:s7+s24], $0x10, s24, s24, $0xb8;
	[tilespmem:$0x1F4F0] =	vst v63  }
0x257: {  	_ =	swait.ge [sflag:s30], $0x3100  }
0x258: {  	[sflag:s30] =	ssyncset.done $0x0  }
0x259: {  	s11 =	sadd.s32 s9, s18;
	[sflag:s30] =	ssyncadd.s32 $0xFFFFCF00  }
0x25a: {  	[tilespmem:s2], [sflag:$0x1] =	stream.linear.gather [hbm4b:s11+s2], $0x310, $0x38;
	[tilespmem:$0x1F4F0] =	vst v63  }
.Ltmp3:
0x25b: {  	s9 =	sadd.s32 s9, s17;
	(pc) =	sbr.rel @p1 .LBB2_8-.Ltmp3, $4  }
0x25c: {  	[tilespmem:s21], [sflag:$0x1] =	stream.linear.gather [hbm4b:s9+s2], $0x310, $0x38;
	[tilespmem:$0x1F4F0] =	vst v63  }
0x25d: {  	_ =	swait.ge [sflag:s28], $0x3100  }
0x25e: {  	[sflag:s28] =	ssyncset.done $0x0  }
0x25f: {  	[sflag:s28] =	ssyncadd.s32 $0xFFFFCF00  }
0x260: {  	[spmem:s1] =	stream.indirect.scatter.add.f32 [tilespmem:s29], [sflag:$0x3], $0x10, s26, s24, $0xb8;
	[tilespmem:$0x1F4F0] =	vst v63  }
0x261: {  	_ =	swait.ge [sflag:s23], $0x310  }
0x262: {  	[sflag:s23] =	ssyncset.done $0x0  }
0x263: {  	[sflag:s23] =	ssyncadd.s32 $0xFFFFFCF0  }
0x264: {  	_ =	swait.ge [sflag:s23], $0x310  }
0x265: {  	[sflag:s23] =	ssyncset.done $0x0  }
0x266: {  	[sflag:s23] =	ssyncadd.s32 $0xFFFFFCF0  }
0x267: {  	[tilespmem:s25], [sflag:$0x2] =	stream.indirect.gather [hbm4b:s7+s24], $0x10, s2, s24, $0xb8;
	[tilespmem:$0x1F4F0] =	vst v63  }
0x268: {  	_ =	swait.ge [sflag:s30], $0x3100  }
0x269: {  	[sflag:s30] =	ssyncset.done $0x0  }
0x26a: {  	[sflag:s30] =	ssyncadd.s32 $0xFFFFCF00  }
0x26b: {  	[tilespmem:s24], [sflag:$0x1] =	stream.linear.gather [hbm4b:s15+s2], $0x310, $0x38;
	[tilespmem:$0x1F4F0] =	vst v63  }
0x26c: {  	_ = 	snop  }
0x26d: {  	[tilespmem:s26], [sflag:$0x1] =	stream.linear.gather [hbm4b:s16+s2], $0x310, $0x38;
	[tilespmem:$0x1F4F0] =	vst v63  }
0x26e: {  	_ =	swait.ge [sflag:s28], $0x3100  }
0x26f: {  	[sflag:s28] =	ssyncset.done $0x0  }
0x270: {  	[sflag:s28] =	ssyncadd.s32 $0xFFFFCF00  }
0x271: {  	[spmem:s1] =	stream.indirect.scatter.add.f32 [tilespmem:s25], [sflag:$0x3], $0x10, s21, s24, $0xb8;
	[tilespmem:$0x1F4F0] =	vst v63  }
0x272: {  	_ =	swait.ge [sflag:s23], $0x310  }
0x273: {  	[sflag:s23] =	ssyncset.done $0x0  }
0x274: {  	[sflag:s23] =	ssyncadd.s32 $0xFFFFFCF0  }
0x275: {  	_ =	swait.ge [sflag:s23], $0x310  }
0x276: {  	[sflag:s23] =	ssyncset.done $0x0  }
0x277: {  	[sflag:s23] =	ssyncadd.s32 $0xFFFFFCF0  }
0x278: {  	[tilespmem:s29], [sflag:$0x2] =	stream.indirect.gather [hbm4b:s7+s24], $0x10, s24, s24, $0xb8;
	[tilespmem:$0x1F4F0] =	vst v63  }
0x279: {  	_ =	swait.ge [sflag:s30], $0x3100  }
0x27a: {  	[sflag:s30] =	ssyncset.done $0x0  }
0x27b: {  	[sflag:s30] =	ssyncadd.s32 $0xFFFFCF00  }
0x27c: {  	_ =	swait.ge [sflag:s28], $0x3100  }
0x27d: {  	[sflag:s28] =	ssyncset.done $0x0  }
0x27e: {  	[sflag:s28] =	ssyncadd.s32 $0xFFFFCF00  }
0x27f: {  	[spmem:s1] =	stream.indirect.scatter.add.f32 [tilespmem:s29], [sflag:$0x3], $0x10, s26, s24, $0xb8;
	[tilespmem:$0x1F4F0] =	vst v63  }
0x280: {  	_ =	swait.ge [sflag:s30], $0x3100  }
0x281: {  	[sflag:s30] =	ssyncset.done $0x0  }
0x282: {  	[sflag:s30] =	ssyncadd.s32 $0xFFFFCF00  }
0x283: {  	[bflag:$0x0] =	sbarrier.arrive $0xFFFF  }
0x284: {  	s8 =	rddreg [dreg:$0xf]  }
0x285: {  	[hbm:s8], [sflag:s22] =	dma.local [spmem:s10], $0x30D6  }
0x286: {  	_ =	swait.ge [sflag:s0], $0x30D6  }
0x287: {  	[sflag:s0] =	ssyncset.done $0x0  }
0x288: {  	s8 =	rddreg [dreg:$0xb];
	[sflag:s0] =	ssyncadd.s32 $0xFFFFCF2A  }
0x289: {  	[hbm:s8], [sflag:s22] =	dma.local @!p0 [hbm:s4], $0x2A0  }
0x28a: {  	s8 =	simm.s32 @!p0 $0x4  }
0x28b: {  	_ =	swait.ge @!p0 [sflag:s8], $0x2A0  }
0x28c: {  	s31 =	sadd.s32 $0x1, s31;
	s11 =	rddreg [dreg:$0xc]  }
0x28d: {  	p1 =	sne.s32 s31, s11  }
.Ltmp4:
0x28e: {  	_ = 	snop;
	(pc) =	sbr.rel @p1 .LBB2_1-.Ltmp4, $3  }
0x28f: {  	[sflag:s8] =	ssyncset.done @!p0 $0x0  }
0x290: {  	[sflag:s8] =	ssyncadd.s32 @!p0 $0xFFFFFD60  }
0x291: {  	[bflag:$0x0] =	sbarrier.arrive $0xFFFF;
	_ =	sdelay $0x1  }
0x292: {  	_ =	sfence.sel $0x180000  }
0x293: {  	[bflag:$0x0] =	sbarrier.arrive $0xFFFF  }
0x294: {  	_ =	strace $0x9000004A  }
0x295: {  	[bflag:$0x2] =	sbarrier.arrive $0xFFFF  }
0x296: {  	s0 =	rddreg [dreg:$0x2]  }
0x297: {  	s0 =	sadd.s32 @!p0 $0x100000, s0  }
0x298: {  	[sflag:s0] =	ssyncadd.tile.s32 @!p0 $0x1;
	_ =	shalt  }
.Lfunc_end2:
_tile_overlayer_lowered:
.L_overlay_start_2:
0x299: {  	(tag) =	ssettag $0x2  }
0x29a: {  	s0 =	rddreg [dreg:$0x0];
	s2 =	stileid.u32  }
0x29b: {  	s1 =	rddreg [dreg:$0x1];
	p0 =	sne.s32 s2, $0x0  }
0x29c: {  	s3 =	rddreg [dreg:$0x2];
	[bflag:$0x3] =	sbarrier.arrive $0xFFFF;
	s2 =	simm.s32 @!p0 $0x1C04  }
0x29d: {  	[timem:s3], [sflag:s2] =	dma.local @!p0 [hbm:s0], s1  }
0x29e: {  	s0 =	simm.s32 @!p0 $0x4  }
0x29f: {  	_ =	swait.ge @!p0 [sflag:s0], s1  }
0x2a0: {  	s1 =	ssub.s32 @!p0 $0x0, s1;
	[sflag:s0] =	ssyncset.done @!p0 $0x0  }
0x2a1: {  	[sflag:s0] =	ssyncadd.s32 @!p0 s1  }
0x2a2: {  	[bflag:$0x3] =	sbarrier.arrive $0xFFFF  }
0x2a3: {  	_ =	shalt  }

</sc_bundles>
